<compile_context>
chip_gen: v7x
topology: tpu7x:2x2x1
jax: 0.10.2.dev20260603
libtpu: 0.0.44.dev20260713+nightly
codegen_flags: <defaults>
</compile_context>

<pallas_src>
import jax
import jax.numpy as jnp
from jax import lax
from jax.experimental import pallas as pl
from jax.experimental.pallas import tpu as pltpu
from jax.experimental.pallas import tpu_sc as plsc

_N = 10000
_E = 320000
_D = 128

_NTILE = 16
_EDGES_PER_TILE = _E // _NTILE
_CHUNK = 128
_NCHUNK = 160
_EP = _NCHUNK * _CHUNK
_SLAB = 640
_ACC_ROWS = _NTILE * _SLAB
_DEG_LEN = 10112
_OUT_CHUNK = 128
_IBLK = 8
_NBLK = _NCHUNK // _IBLK


def _sc_agg_body(x_hbm, idx_hbm, sums_hbm, degs_hbm,
                 idx0_v, idx1_v, rows0_v, rows1_v, deg_v, acc_smem,
                 gsem0, gsem1, isem0, isem1):
    c = lax.axis_index("c")
    s = lax.axis_index("s")

    idx_v = (idx0_v, idx1_v)
    rows_v = (rows0_v, rows1_v)
    gsem = (gsem0, gsem1)
    isem = (isem0, isem1)

    zeros16 = jnp.zeros((16,), jnp.float32)
    ones16 = jnp.ones((16,), jnp.float32)

    @pl.loop(0, _CHUNK)
    def _(i):
        for k in range(_D // 16):
            rows0_v[i, pl.ds(k * 16, 16)] = zeros16

    @pl.loop(0, _DEG_LEN // 16)
    def _(i):
        deg_v[pl.ds(i * 16, 16)] = zeros16

    base = s * _SLAB

    @pl.loop(0, _SLAB // _CHUNK)
    def _(j):
        pltpu.sync_copy(rows0_v, acc_smem.at[pl.ds(base + j * _CHUNK, _CHUNK)])

    pltpu.sync_copy(idx_hbm.at[c, s, 0], idx0_v)
    pltpu.async_copy(idx_hbm.at[c, s, 1], idx1_v, isem1)
    pltpu.async_copy(x_hbm.at[idx0_v.at[0, 0]], rows0_v, gsem0)
    pltpu.async_copy(x_hbm.at[idx0_v.at[0, 1]], rows1_v, gsem1)

    plsc.subcore_barrier()

    @pl.loop(0, _NBLK, step=2)
    def _(b):
        for q in range(2):
            bp = b + q
            ib = idx_v[q]
            nb = idx_v[1 - q]
            for i in range(_IBLK):
                p = i % 2
                rb = rows_v[p]
                pltpu.make_async_copy(
                    x_hbm.at[ib.at[0, i]], rb, gsem[p]).wait()
                pltpu.sync_copy(rb, acc_smem.at[ib.at[1, i]], add=True)
                for k in range(_D // 16):
                    idx16 = ib[1, i, pl.ds(k * 16, 16)]
                    plsc.addupdate_scatter(deg_v, [idx16], ones16)
                if i < _IBLK - 2:
                    pltpu.async_copy(x_hbm.at[ib.at[0, i + 2]], rb, gsem[p])
                elif i == _IBLK - 2:
                    @pl.when(bp < _NBLK - 1)
                    def _():
                        pltpu.make_async_copy(
                            idx_hbm.at[c, s, bp + 1], nb, isem[1 - q]).wait()
                        pltpu.async_copy(x_hbm.at[nb.at[0, 0]], rb, gsem[p])
                else:
                    @pl.when(bp < _NBLK - 1)
                    def _():
                        pltpu.async_copy(x_hbm.at[nb.at[0, 1]], rb, gsem[p])

            @pl.when(bp + 2 < _NBLK)
            def _():
                pltpu.async_copy(idx_hbm.at[c, s, bp + 2], ib, isem[q])

    plsc.subcore_barrier()

    @pl.loop(0, _SLAB // _OUT_CHUNK)
    def _(j):
        r = base + j * _OUT_CHUNK
        pltpu.sync_copy(acc_smem.at[pl.ds(r, _OUT_CHUNK)], rows0_v)
        pltpu.sync_copy(rows0_v, sums_hbm.at[c, pl.ds(r, _OUT_CHUNK)])

    pltpu.sync_copy(deg_v, degs_hbm.at[c, s])


def _sc_agg(x, idx):
    mesh = plsc.VectorSubcoreMesh(core_axis_name="c", subcore_axis_name="s")

    run = pl.kernel(
        _sc_agg_body,
        out_type=(
            jax.ShapeDtypeStruct((2, _ACC_ROWS, _D), jnp.float32),
            jax.ShapeDtypeStruct((2, _NTILE, _DEG_LEN), jnp.float32),
        ),
        mesh=mesh,
        scratch_types=(
            pltpu.VMEM((2, _IBLK, _CHUNK), jnp.int32),
            pltpu.VMEM((2, _IBLK, _CHUNK), jnp.int32),
            pltpu.VMEM((_CHUNK, _D), jnp.float32),
            pltpu.VMEM((_CHUNK, _D), jnp.float32),
            pltpu.VMEM((_DEG_LEN,), jnp.float32),
            pltpu.VMEM_SHARED((_ACC_ROWS, _D), jnp.float32),
            pltpu.SemaphoreType.DMA,
            pltpu.SemaphoreType.DMA,
            pltpu.SemaphoreType.DMA,
            pltpu.SemaphoreType.DMA,
        ),
        compiler_params=pltpu.CompilerParams(needs_layout_passes=False),
    )
    return run(x, idx)


def _combine_body(x_ref, w0_ref, w1_ref, sums_ref, degs_ref, o_ref):
    xb = x_ref[...]
    g0 = jax.nn.sigmoid(
        jnp.dot(xb, w0_ref[...], preferred_element_type=jnp.float32,
                precision=lax.Precision.HIGHEST))
    g1 = jax.nn.sigmoid(
        jnp.dot(xb, w1_ref[...], preferred_element_type=jnp.float32,
                precision=lax.Precision.HIGHEST))
    d0 = jnp.maximum(jnp.sum(degs_ref[0, 0], axis=0), 1.0)
    d1 = jnp.maximum(jnp.sum(degs_ref[0, 1], axis=0), 1.0)
    agg0 = sums_ref[0] / d0[:, None]
    agg1 = sums_ref[1] / d1[:, None]
    o_ref[...] = (g0 * agg0 + g1 * agg1) / (g0 + g1)


def _tc_combine(x, W_g0, W_g1, sums, degs):
    blk = 1000
    grid = (_N // blk,)
    degs = degs[:, :, :_N]
    degs = degs.reshape(2, _NTILE, _N // blk, blk).transpose(2, 0, 1, 3)
    return pl.pallas_call(
        _combine_body,
        grid=grid,
        in_specs=[
            pl.BlockSpec((blk, _D), lambda i: (i, 0)),
            pl.BlockSpec((_D, _D), lambda i: (0, 0)),
            pl.BlockSpec((_D, _D), lambda i: (0, 0)),
            pl.BlockSpec((2, blk, _D), lambda i: (0, i, 0)),
            pl.BlockSpec((1, 2, _NTILE, blk), lambda i: (i, 0, 0, 0)),
        ],
        out_specs=pl.BlockSpec((blk, _D), lambda i: (i, 0)),
        out_shape=jax.ShapeDtypeStruct((_N, _D), jnp.float32),
    )(x, W_g0, W_g1, sums, degs)


def _prep_edges(edge_index):
    src = edge_index[0].reshape(_NTILE, _EDGES_PER_TILE)
    dst = edge_index[1].reshape(_NTILE, _EDGES_PER_TILE)
    pad = _EP - _EDGES_PER_TILE
    src = jnp.pad(src, ((0, 0), (0, pad)))
    dst = jnp.pad(dst, ((0, 0), (0, pad)), constant_values=_N)
    return jnp.stack(
        [src.reshape(_NTILE, _NBLK, _IBLK, _CHUNK),
         dst.reshape(_NTILE, _NBLK, _IBLK, _CHUNK)], axis=2)


def kernel(x, edge_index_s0, edge_index_s1, W_g0, W_g1):
    idx = jnp.stack([_prep_edges(edge_index_s0), _prep_edges(edge_index_s1)])
    sums, degs = _sc_agg(x, idx)
    return _tc_combine(x, W_g0, W_g1, sums, degs)

# --- scband reference (transcript-rebuilt; emitter-appended) ---
"""Pipeline reference for scband-hgccencoder-54786602827835 (READ-ONLY COPY).

The authoritative reference and input builder live on the scoring server;
editing this copy changes nothing except your own understanding.
"""

import jax, jax.numpy as jnp
import numpy as np

N = 10000
E = 320000
D = 128

def setup_inputs(seed: int = 0) -> dict:
    key = jax.random.key(seed)
    k1, k2, k3, k4, k5 = jax.random.split(key, 5)
    x = jax.random.normal(k1, (N, D), dtype=jnp.float32)
    edge_index_s0 = jax.random.randint(k2, (2, E), 0, N, dtype=jnp.int32)
    edge_index_s1 = jax.random.randint(k3, (2, E), 0, N, dtype=jnp.int32)
    W_g0 = jax.random.normal(k4, (D, D), dtype=jnp.float32) * (1.0 / np.sqrt(D))
    W_g1 = jax.random.normal(k5, (D, D), dtype=jnp.float32) * (1.0 / np.sqrt(D))
    return {"x": x, "edge_index_s0": edge_index_s0, "edge_index_s1": edge_index_s1, "W_g0": W_g0, "W_g1": W_g1}


def _mean_agg(x, edge_index):
    # euclidean message-passing aggregation: mean over incoming neighbors
    src = edge_index[0]
    dst = edge_index[1]
    msgs = jnp.take(x, src, axis=0)  # gather [E, D]
    summed = jax.ops.segment_sum(msgs, dst, num_segments=N)  # scatter-add [N, D]
    deg = jax.ops.segment_sum(jnp.ones((edge_index.shape[1],), dtype=x.dtype), dst, num_segments=N)
    return summed / jnp.clip(deg, 1.0, None)[:, None]


def reference(x, edge_index_s0, edge_index_s1, W_g0, W_g1):
    # encode_by_gate: per-space sigmoid gates, normalized across spaces
    gate0 = jax.nn.sigmoid(x @ W_g0)
    gate1 = jax.nn.sigmoid(x @ W_g1)
    denom = gate0 + gate1
    w0 = gate0 / denom
    w1 = gate1 / denom
    # per-space graph convolution (euclidean aggregation), fused by gated weights
    agg0 = _mean_agg(x, edge_index_s0)
    agg1 = _mean_agg(x, edge_index_s1)
    out = w0 * agg0 + w1 * agg1
    return out

if __name__ == "__main__":
    import jax
    _d = setup_inputs()
    print(jax.jit(kernel)(*tuple(_d.values())))

</pallas_src>

<mosaic_0001>
#map = affine_map<(d0, d1) -> (0, 0)>
#map1 = affine_map<(d0, d1) -> (0, 0, 0, 0, 0, 0)>
#map2 = affine_map<(d0, d1) -> (0, 0, 0)>
module attributes {stable_mosaic.version = 14 : i64} {
  func.func @_sc_agg_body(%arg0: i32, %arg1: i32, %arg2: memref<10000x128xf32, #tpu.memory_space<hbm>>, %arg3: memref<2x16x20x2x8x128xi32, #tpu.memory_space<hbm>>, %arg4: memref<2x10240x128xf32, #tpu.memory_space<hbm>>, %arg5: memref<2x16x10112xf32, #tpu.memory_space<hbm>>, %arg6: memref<2x8x128xi32, #tpu.memory_space<vmem>>, %arg7: memref<2x8x128xi32, #tpu.memory_space<vmem>>, %arg8: memref<128x128xf32, #tpu.memory_space<vmem>>, %arg9: memref<128x128xf32, #tpu.memory_space<vmem>>, %arg10: memref<10112xf32, #tpu.memory_space<vmem>>, %arg11: memref<10240x128xf32, #tpu.memory_space<vmem_shared>>, %arg12: memref<!tpu.dma_semaphore, #tpu.memory_space<semaphore_mem>>, %arg13: memref<!tpu.dma_semaphore, #tpu.memory_space<semaphore_mem>>, %arg14: memref<!tpu.dma_semaphore, #tpu.memory_space<semaphore_mem>>, %arg15: memref<!tpu.dma_semaphore, #tpu.memory_space<semaphore_mem>>) attributes {dimension_semantics = [#tpu.dimension_semantics<core_parallel>, #tpu.dimension_semantics<subcore_parallel>], iteration_bounds = array<i64: 2, 16>, scalar_prefetch = 0 : i64, scratch_operands = 10 : i64, tpu.core_type = #tpu.core_type<sc_vector_subcore>, window_params = [{transform_indices = #map}, {transform_indices = #map1}, {transform_indices = #map2}, {transform_indices = #map2}]} {
    %broadcast_in_dim3A = arith.constant 0.000000e+00 : f32
    %broadcast_in_dim3A_0 = vector.broadcast %broadcast_in_dim3A : f32 to vector<16xf32>
    %broadcast_in_dim3A_1 = arith.constant 1.000000e+00 : f32
    %broadcast_in_dim3A_2 = vector.broadcast %broadcast_in_dim3A_1 : f32 to vector<16xf32>
    %scan3A = arith.constant 0 : i32
    %scan3A_3 = arith.constant 128 : i32
    %scan3A_4 = arith.addi %scan3A, %scan3A_3 : i32
    %scan3A_5 = arith.constant 1 : i32
    scf.for %scan3A_55 = %scan3A to %scan3A_4 step %scan3A_5  : i32 {
      %mul3A_56 = arith.constant 1 : i32
      %mul3A_57 = arith.muli %scan3A_55, %mul3A_56 : i32
      %add3A = arith.constant 0 : i32
      %add3A_58 = arith.addi %add3A, %mul3A_57 : i32
      %swap3A = arith.index_cast %add3A_58 : i32 to index
      %swap3A_59 = arith.constant 0 : index
      %swap3A_60 = tpu.vector_load %arg8[%swap3A, %swap3A_59] {strides = array<i32>} : memref<128x128xf32, #tpu.memory_space<vmem>>, vector<16xf32>,
      tpu.vector_store %arg8[%swap3A, %swap3A_59], %broadcast_in_dim3A_0 {strides = array<i32>} : memref<128x128xf32, #tpu.memory_space<vmem>>, vector<16xf32>,
      %swap3A_61 = arith.index_cast %add3A_58 : i32 to index
      %swap3A_62 = arith.constant 16 : index
      %swap3A_63 = tpu.vector_load %arg8[%swap3A_61, %swap3A_62] {strides = array<i32>} : memref<128x128xf32, #tpu.memory_space<vmem>>, vector<16xf32>,
      tpu.vector_store %arg8[%swap3A_61, %swap3A_62], %broadcast_in_dim3A_0 {strides = array<i32>} : memref<128x128xf32, #tpu.memory_space<vmem>>, vector<16xf32>,
      %swap3A_64 = arith.index_cast %add3A_58 : i32 to index
      %swap3A_65 = arith.constant 32 : index
      %swap3A_66 = tpu.vector_load %arg8[%swap3A_64, %swap3A_65] {strides = array<i32>} : memref<128x128xf32, #tpu.memory_space<vmem>>, vector<16xf32>,
      tpu.vector_store %arg8[%swap3A_64, %swap3A_65], %broadcast_in_dim3A_0 {strides = array<i32>} : memref<128x128xf32, #tpu.memory_space<vmem>>, vector<16xf32>,
      %swap3A_67 = arith.index_cast %add3A_58 : i32 to index
      %swap3A_68 = arith.constant 48 : index
      %swap3A_69 = tpu.vector_load %arg8[%swap3A_67, %swap3A_68] {strides = array<i32>} : memref<128x128xf32, #tpu.memory_space<vmem>>, vector<16xf32>,
      tpu.vector_store %arg8[%swap3A_67, %swap3A_68], %broadcast_in_dim3A_0 {strides = array<i32>} : memref<128x128xf32, #tpu.memory_space<vmem>>, vector<16xf32>,
      %swap3A_70 = arith.index_cast %add3A_58 : i32 to index
      %swap3A_71 = arith.constant 64 : index
      %swap3A_72 = tpu.vector_load %arg8[%swap3A_70, %swap3A_71] {strides = array<i32>} : memref<128x128xf32, #tpu.memory_space<vmem>>, vector<16xf32>,
      tpu.vector_store %arg8[%swap3A_70, %swap3A_71], %broadcast_in_dim3A_0 {strides = array<i32>} : memref<128x128xf32, #tpu.memory_space<vmem>>, vector<16xf32>,
      %swap3A_73 = arith.index_cast %add3A_58 : i32 to index
      %swap3A_74 = arith.constant 80 : index
      %swap3A_75 = tpu.vector_load %arg8[%swap3A_73, %swap3A_74] {strides = array<i32>} : memref<128x128xf32, #tpu.memory_space<vmem>>, vector<16xf32>,
      tpu.vector_store %arg8[%swap3A_73, %swap3A_74], %broadcast_in_dim3A_0 {strides = array<i32>} : memref<128x128xf32, #tpu.memory_space<vmem>>, vector<16xf32>,
      %swap3A_76 = arith.index_cast %add3A_58 : i32 to index
      %swap3A_77 = arith.constant 96 : index
      %swap3A_78 = tpu.vector_load %arg8[%swap3A_76, %swap3A_77] {strides = array<i32>} : memref<128x128xf32, #tpu.memory_space<vmem>>, vector<16xf32>,
      tpu.vector_store %arg8[%swap3A_76, %swap3A_77], %broadcast_in_dim3A_0 {strides = array<i32>} : memref<128x128xf32, #tpu.memory_space<vmem>>, vector<16xf32>,
      %swap3A_79 = arith.index_cast %add3A_58 : i32 to index
      %swap3A_80 = arith.constant 112 : index
      %swap3A_81 = tpu.vector_load %arg8[%swap3A_79, %swap3A_80] {strides = array<i32>} : memref<128x128xf32, #tpu.memory_space<vmem>>, vector<16xf32>,
      tpu.vector_store %arg8[%swap3A_79, %swap3A_80], %broadcast_in_dim3A_0 {strides = array<i32>} : memref<128x128xf32, #tpu.memory_space<vmem>>, vector<16xf32>,
    }
    %scan3A_6 = arith.constant 128 : i32
    %scan3A_7 = arith.constant 0 : i32
    %scan3A_8 = arith.constant 632 : i32
    %scan3A_9 = arith.addi %scan3A_7, %scan3A_8 : i32
    %scan3A_10 = arith.constant 1 : i32
    scf.for %scan3A_55 = %scan3A_7 to %scan3A_9 step %scan3A_10  : i32 {
      %mul3A_56 = arith.constant 1 : i32
      %mul3A_57 = arith.muli %scan3A_55, %mul3A_56 : i32
      %add3A = arith.constant 0 : i32
      %add3A_58 = arith.addi %add3A, %mul3A_57 : i32
      %mul3A_59 = arith.constant 16 : i32
      %mul3A_60 = arith.muli %add3A_58, %mul3A_59 : i32
      %swap3A = arith.index_cast %mul3A_60 : i32 to index
      %swap3A_61 = tpu.vector_load %arg10[%swap3A] {strides = array<i32>} : memref<10112xf32, #tpu.memory_space<vmem>>, vector<16xf32>,
      tpu.vector_store %arg10[%swap3A], %broadcast_in_dim3A_0 {strides = array<i32>} : memref<10112xf32, #tpu.memory_space<vmem>>, vector<16xf32>,
    }
    %scan3A_11 = arith.constant 632 : i32
    %mul3A = arith.constant 640 : i32
    %mul3A_12 = arith.muli %arg1, %mul3A : i32
    %scan3A_13 = arith.constant 0 : i32
    %scan3A_14 = arith.constant 5 : i32
    %scan3A_15 = arith.addi %scan3A_13, %scan3A_14 : i32
    %scan3A_16 = arith.constant 1 : i32
    scf.for %scan3A_55 = %scan3A_13 to %scan3A_15 step %scan3A_16  : i32 {
      %mul3A_56 = arith.constant 1 : i32
      %mul3A_57 = arith.muli %scan3A_55, %mul3A_56 : i32
      %add3A = arith.constant 0 : i32
      %add3A_58 = arith.addi %add3A, %mul3A_57 : i32
      %mul3A_59 = arith.constant 128 : i32
      %mul3A_60 = arith.muli %add3A_58, %mul3A_59 : i32
      %add3A_61 = arith.addi %mul3A_12, %mul3A_60 : i32
      "tpu.region"() ({
        %run_scoped3A_62 = tpu.sem_alloc : memref<!tpu.dma_semaphore, #tpu.memory_space<semaphore_mem>>
        %dma_start3A_63 = arith.constant 0 : i32
        %dma_start3A_64 = tpu.memref_slice %arg11[%add3A_61, %dma_start3A_63] : memref<10240x128xf32, #tpu.memory_space<vmem_shared>> -> memref<128x128xf32, #tpu.memory_space<vmem_shared>>
        %dma_start3A_65 = arith.constant 0 : i32
        %dma_start3A_66 = tpu.memref_slice %arg11[%add3A_61, %dma_start3A_65] : memref<10240x128xf32, #tpu.memory_space<vmem_shared>> -> memref<128x128xf32, #tpu.memory_space<vmem_shared>>
        tpu.enqueue_dma source(%arg8 : memref<128x128xf32, #tpu.memory_space<vmem>>) target(%dma_start3A_66 : memref<128x128xf32, #tpu.memory_space<vmem_shared>>) target_semaphore(%run_scoped3A_62 : memref<!tpu.dma_semaphore, #tpu.memory_space<semaphore_mem>>)
        %dma_wait3A = arith.constant 0 : i32
        %dma_wait3A_67 = tpu.memref_slice %arg11[%add3A_61, %dma_wait3A] : memref<10240x128xf32, #tpu.memory_space<vmem_shared>> -> memref<128x128xf32, #tpu.memory_space<vmem_shared>>
        %dma_wait3A_68 = arith.constant 0 : i32
        %dma_wait3A_69 = tpu.memref_slice %arg11[%add3A_61, %dma_wait3A_68] : memref<10240x128xf32, #tpu.memory_space<vmem_shared>> -> memref<128x128xf32, #tpu.memory_space<vmem_shared>>
        tpu.wait_dma2 semaphore(%run_scoped3A_62 : memref<!tpu.dma_semaphore, #tpu.memory_space<semaphore_mem>>) src(%arg8 : memref<128x128xf32, #tpu.memory_space<vmem>>) dst(%dma_wait3A_69 : memref<128x128xf32, #tpu.memory_space<vmem_shared>>)
        tpu.yield
      }) : () -> ()
    }
    %scan3A_17 = arith.constant 5 : i32
    %run_scoped3A = arith.constant 0 : i32
    "tpu.region"() ({
      %run_scoped3A_55 = tpu.sem_alloc : memref<!tpu.dma_semaphore, #tpu.memory_space<semaphore_mem>>
      %dma_start3A_56 = arith.constant 0 : i32
      %dma_start3A_57 = arith.constant 0 : i32
      %dma_start3A_58 = arith.constant 0 : i32
      %dma_start3A_59 = tpu.memref_slice %arg3[%arg0, %arg1, %run_scoped3A, %dma_start3A_56, %dma_start3A_57, %dma_start3A_58] : memref<2x16x20x2x8x128xi32, #tpu.memory_space<hbm>> -> memref<1x1x1x2x8x128xi32, #tpu.memory_space<hbm>>
      %dma_start3A_60 = tpu.memref_squeeze %dma_start3A_59 : memref<1x1x1x2x8x128xi32, #tpu.memory_space<hbm>> -> memref<2x8x128xi32, #tpu.memory_space<hbm>>
      %dma_start3A_61 = arith.constant 0 : i32
      %dma_start3A_62 = arith.constant 0 : i32
      %dma_start3A_63 = arith.constant 0 : i32
      %dma_start3A_64 = tpu.memref_slice %arg3[%arg0, %arg1, %run_scoped3A, %dma_start3A_61, %dma_start3A_62, %dma_start3A_63] : memref<2x16x20x2x8x128xi32, #tpu.memory_space<hbm>> -> memref<1x1x1x2x8x128xi32, #tpu.memory_space<hbm>>
      %dma_start3A_65 = tpu.memref_squeeze %dma_start3A_64 : memref<1x1x1x2x8x128xi32, #tpu.memory_space<hbm>> -> memref<2x8x128xi32, #tpu.memory_space<hbm>>
      tpu.enqueue_dma source(%dma_start3A_65 : memref<2x8x128xi32, #tpu.memory_space<hbm>>) target(%arg6 : memref<2x8x128xi32, #tpu.memory_space<vmem>>) target_semaphore(%run_scoped3A_55 : memref<!tpu.dma_semaphore, #tpu.memory_space<semaphore_mem>>)
      %dma_wait3A = arith.constant 0 : i32
      %dma_wait3A_66 = arith.constant 0 : i32
      %dma_wait3A_67 = arith.constant 0 : i32
      %dma_wait3A_68 = tpu.memref_slice %arg3[%arg0, %arg1, %run_scoped3A, %dma_wait3A, %dma_wait3A_66, %dma_wait3A_67] : memref<2x16x20x2x8x128xi32, #tpu.memory_space<hbm>> -> memref<1x1x1x2x8x128xi32, #tpu.memory_space<hbm>>
      %dma_wait3A_69 = tpu.memref_squeeze %dma_wait3A_68 : memref<1x1x1x2x8x128xi32, #tpu.memory_space<hbm>> -> memref<2x8x128xi32, #tpu.memory_space<hbm>>
      %dma_wait3A_70 = arith.constant 0 : i32
      %dma_wait3A_71 = arith.constant 0 : i32
      %dma_wait3A_72 = arith.constant 0 : i32
      %dma_wait3A_73 = tpu.memref_slice %arg3[%arg0, %arg1, %run_scoped3A, %dma_wait3A_70, %dma_wait3A_71, %dma_wait3A_72] : memref<2x16x20x2x8x128xi32, #tpu.memory_space<hbm>> -> memref<1x1x1x2x8x128xi32, #tpu.memory_space<hbm>>
      %dma_wait3A_74 = tpu.memref_squeeze %dma_wait3A_73 : memref<1x1x1x2x8x128xi32, #tpu.memory_space<hbm>> -> memref<2x8x128xi32, #tpu.memory_space<hbm>>
      tpu.wait_dma2 semaphore(%run_scoped3A_55 : memref<!tpu.dma_semaphore, #tpu.memory_space<semaphore_mem>>) src(%dma_wait3A_74 : memref<2x8x128xi32, #tpu.memory_space<hbm>>) dst(%arg6 : memref<2x8x128xi32, #tpu.memory_space<vmem>>)
      tpu.yield
    }) : () -> ()
    %dma_start3A = arith.constant 1 : i32
    %dma_start3A_18 = arith.constant 0 : i32
    %dma_start3A_19 = arith.constant 0 : i32
    %dma_start3A_20 = arith.constant 0 : i32
    %dma_start3A_21 = tpu.memref_slice %arg3[%arg0, %arg1, %dma_start3A, %dma_start3A_18, %dma_start3A_19, %dma_start3A_20] : memref<2x16x20x2x8x128xi32, #tpu.memory_space<hbm>> -> memref<1x1x1x2x8x128xi32, #tpu.memory_space<hbm>>
    %dma_start3A_22 = tpu.memref_squeeze %dma_start3A_21 : memref<1x1x1x2x8x128xi32, #tpu.memory_space<hbm>> -> memref<2x8x128xi32, #tpu.memory_space<hbm>>
    %dma_start3A_23 = arith.constant 0 : i32
    %dma_start3A_24 = arith.constant 0 : i32
    %dma_start3A_25 = arith.constant 0 : i32
    %dma_start3A_26 = tpu.memref_slice %arg3[%arg0, %arg1, %dma_start3A, %dma_start3A_23, %dma_start3A_24, %dma_start3A_25] : memref<2x16x20x2x8x128xi32, #tpu.memory_space<hbm>> -> memref<1x1x1x2x8x128xi32, #tpu.memory_space<hbm>>
    %dma_start3A_27 = tpu.memref_squeeze %dma_start3A_26 : memref<1x1x1x2x8x128xi32, #tpu.memory_space<hbm>> -> memref<2x8x128xi32, #tpu.memory_space<hbm>>
    tpu.enqueue_dma source(%dma_start3A_27 : memref<2x8x128xi32, #tpu.memory_space<hbm>>) target(%arg7 : memref<2x8x128xi32, #tpu.memory_space<vmem>>) target_semaphore(%arg15 : memref<!tpu.dma_semaphore, #tpu.memory_space<semaphore_mem>>)
    %dma_start3A_28 = arith.constant 0 : i32
    %dma_start3A_29 = arith.constant 0 : i32
    %dma_start3A_30 = arith.constant 0 : i32
    %dma_start3A_31 = tpu.memref_slice %arg6[%dma_start3A_28, %dma_start3A_29, %dma_start3A_30] : memref<2x8x128xi32, #tpu.memory_space<vmem>> -> memref<1x1x128xi32, #tpu.memory_space<vmem>>
    %dma_start3A_32 = tpu.memref_squeeze %dma_start3A_31 : memref<1x1x128xi32, #tpu.memory_space<vmem>> -> memref<128xi32, #tpu.memory_space<vmem>>
    %dma_start3A_33 = arith.constant 0 : i32
    %dma_start3A_34 = arith.constant 0 : i32
    %dma_start3A_35 = tpu.memref_slice %arg2[%dma_start3A_33, %dma_start3A_34] : memref<10000x128xf32, #tpu.memory_space<hbm>> -> memref<10000x128xf32, #tpu.memory_space<hbm>>
    tpu.enqueue_indirect_dma source(%dma_start3A_35 : memref<10000x128xf32, #tpu.memory_space<hbm>>) target(%arg8 : memref<128x128xf32, #tpu.memory_space<vmem>>) offsets(%dma_start3A_32 : memref<128xi32, #tpu.memory_space<vmem>>) semaphore(%arg12 : memref<!tpu.dma_semaphore, #tpu.memory_space<semaphore_mem>>)
    %dma_start3A_36 = arith.constant 0 : i32
    %dma_start3A_37 = arith.constant 1 : i32
    %dma_start3A_38 = arith.constant 0 : i32
    %dma_start3A_39 = tpu.memref_slice %arg6[%dma_start3A_36, %dma_start3A_37, %dma_start3A_38] : memref<2x8x128xi32, #tpu.memory_space<vmem>> -> memref<1x1x128xi32, #tpu.memory_space<vmem>>
    %dma_start3A_40 = tpu.memref_squeeze %dma_start3A_39 : memref<1x1x128xi32, #tpu.memory_space<vmem>> -> memref<128xi32, #tpu.memory_space<vmem>>
    %dma_start3A_41 = arith.constant 0 : i32
    %dma_start3A_42 = arith.constant 0 : i32
    %dma_start3A_43 = tpu.memref_slice %arg2[%dma_start3A_41, %dma_start3A_42] : memref<10000x128xf32, #tpu.memory_space<hbm>> -> memref<10000x128xf32, #tpu.memory_space<hbm>>
    tpu.enqueue_indirect_dma source(%dma_start3A_43 : memref<10000x128xf32, #tpu.memory_space<hbm>>) target(%arg9 : memref<128x128xf32, #tpu.memory_space<vmem>>) offsets(%dma_start3A_40 : memref<128xi32, #tpu.memory_space<vmem>>) semaphore(%arg13 : memref<!tpu.dma_semaphore, #tpu.memory_space<semaphore_mem>>)
    %barrier3A = arith.constant 0 : index
    tpu.barrier barrier_id(%barrier3A)
    %scan3A_44 = arith.constant 0 : i32
    %scan3A_45 = arith.constant 10 : i32
    %scan3A_46 = arith.addi %scan3A_44, %scan3A_45 : i32
    %scan3A_47 = arith.constant 1 : i32
    scf.for %scan3A_55 = %scan3A_44 to %scan3A_46 step %scan3A_47  : i32 {
      %mul3A_56 = arith.constant 2 : i32
      %mul3A_57 = arith.muli %scan3A_55, %mul3A_56 : i32
      %add3A = arith.constant 0 : i32
      %add3A_58 = arith.addi %add3A, %mul3A_57 : i32
      %add3A_59 = arith.constant 0 : i32
      %add3A_60 = arith.addi %add3A_58, %add3A_59 : i32
      %dma_wait3A = arith.constant 0 : i32
      %dma_wait3A_61 = arith.constant 0 : i32
      %dma_wait3A_62 = arith.constant 0 : i32
      %dma_wait3A_63 = tpu.memref_slice %arg6[%dma_wait3A, %dma_wait3A_61, %dma_wait3A_62] : memref<2x8x128xi32, #tpu.memory_space<vmem>> -> memref<1x1x128xi32, #tpu.memory_space<vmem>>
      %dma_wait3A_64 = tpu.memref_squeeze %dma_wait3A_63 : memref<1x1x128xi32, #tpu.memory_space<vmem>> -> memref<128xi32, #tpu.memory_space<vmem>>
      %dma_wait3A_65 = arith.constant 0 : i32
      %dma_wait3A_66 = arith.constant 0 : i32
      %dma_wait3A_67 = tpu.memref_slice %arg2[%dma_wait3A_65, %dma_wait3A_66] : memref<10000x128xf32, #tpu.memory_space<hbm>> -> memref<10000x128xf32, #tpu.memory_space<hbm>>
      tpu.wait_indirect_dma semaphore(%arg12 : memref<!tpu.dma_semaphore, #tpu.memory_space<semaphore_mem>>) src(%dma_wait3A_67 : memref<10000x128xf32, #tpu.memory_space<hbm>>) dst(%arg8 : memref<128x128xf32, #tpu.memory_space<vmem>>)
      %run_scoped3A_68 = arith.constant 1 : i32
      %run_scoped3A_69 = arith.constant 0 : i32
      "tpu.region"() ({
        %run_scoped3A_1116 = tpu.sem_alloc : memref<!tpu.dma_semaphore, #tpu.memory_space<semaphore_mem>>
        %dma_start3A_1117 = arith.constant 0 : i32
        %dma_start3A_1118 = tpu.memref_slice %arg6[%run_scoped3A_68, %run_scoped3A_69, %dma_start3A_1117] : memref<2x8x128xi32, #tpu.memory_space<vmem>> -> memref<1x1x128xi32, #tpu.memory_space<vmem>>
        %dma_start3A_1119 = tpu.memref_squeeze %dma_start3A_1118 : memref<1x1x128xi32, #tpu.memory_space<vmem>> -> memref<128xi32, #tpu.memory_space<vmem>>
        %dma_start3A_1120 = arith.constant 0 : i32
        %dma_start3A_1121 = arith.constant 0 : i32
        %dma_start3A_1122 = tpu.memref_slice %arg11[%dma_start3A_1120, %dma_start3A_1121] : memref<10240x128xf32, #tpu.memory_space<vmem_shared>> -> memref<10240x128xf32, #tpu.memory_space<vmem_shared>>
        tpu.enqueue_indirect_dma source(%arg8 : memref<128x128xf32, #tpu.memory_space<vmem>>) target(%dma_start3A_1122 : memref<10240x128xf32, #tpu.memory_space<vmem_shared>>) offsets(%dma_start3A_1119 : memref<128xi32, #tpu.memory_space<vmem>>) semaphore(%run_scoped3A_1116 : memref<!tpu.dma_semaphore, #tpu.memory_space<semaphore_mem>>) {add = true}
        %dma_wait3A_1123 = arith.constant 0 : i32
        %dma_wait3A_1124 = tpu.memref_slice %arg6[%run_scoped3A_68, %run_scoped3A_69, %dma_wait3A_1123] : memref<2x8x128xi32, #tpu.memory_space<vmem>> -> memref<1x1x128xi32, #tpu.memory_space<vmem>>
        %dma_wait3A_1125 = tpu.memref_squeeze %dma_wait3A_1124 : memref<1x1x128xi32, #tpu.memory_space<vmem>> -> memref<128xi32, #tpu.memory_space<vmem>>
        %dma_wait3A_1126 = arith.constant 0 : i32
        %dma_wait3A_1127 = arith.constant 0 : i32
        %dma_wait3A_1128 = tpu.memref_slice %arg11[%dma_wait3A_1126, %dma_wait3A_1127] : memref<10240x128xf32, #tpu.memory_space<vmem_shared>> -> memref<10240x128xf32, #tpu.memory_space<vmem_shared>>
        tpu.wait_indirect_dma semaphore(%run_scoped3A_1116 : memref<!tpu.dma_semaphore, #tpu.memory_space<semaphore_mem>>) src(%arg8 : memref<128x128xf32, #tpu.memory_space<vmem>>) dst(%dma_wait3A_1128 : memref<10240x128xf32, #tpu.memory_space<vmem_shared>>)
        tpu.yield
      }) : () -> ()
      %get3A = arith.constant 1 : i32
      %get3A_70 = arith.constant 0 : i32
      %get3A_71 = arith.index_cast %get3A : i32 to index
      %get3A_72 = arith.index_cast %get3A_70 : i32 to index
      %get3A_73 = arith.constant 0 : index
      %get3A_74 = tpu.vector_load %arg6[%get3A_71, %get3A_72, %get3A_73] {strides = array<i32>} : memref<2x8x128xi32, #tpu.memory_space<vmem>>, vector<16xi32>,
      tpu.vector_store_idx %arg10[%get3A_74], %broadcast_in_dim3A_2 {add = true} : memref<10112xf32, #tpu.memory_space<vmem>>[vector<16xi32>], vector<16xf32>,
      %get3A_75 = arith.constant 1 : i32
      %get3A_76 = arith.constant 0 : i32
      %get3A_77 = arith.index_cast %get3A_75 : i32 to index
      %get3A_78 = arith.index_cast %get3A_76 : i32 to index
      %get3A_79 = arith.constant 16 : index
      %get3A_80 = tpu.vector_load %arg6[%get3A_77, %get3A_78, %get3A_79] {strides = array<i32>} : memref<2x8x128xi32, #tpu.memory_space<vmem>>, vector<16xi32>,
      tpu.vector_store_idx %arg10[%get3A_80], %broadcast_in_dim3A_2 {add = true} : memref<10112xf32, #tpu.memory_space<vmem>>[vector<16xi32>], vector<16xf32>,
      %get3A_81 = arith.constant 1 : i32
      %get3A_82 = arith.constant 0 : i32
      %get3A_83 = arith.index_cast %get3A_81 : i32 to index
      %get3A_84 = arith.index_cast %get3A_82 : i32 to index
      %get3A_85 = arith.constant 32 : index
      %get3A_86 = tpu.vector_load %arg6[%get3A_83, %get3A_84, %get3A_85] {strides = array<i32>} : memref<2x8x128xi32, #tpu.memory_space<vmem>>, vector<16xi32>,
      tpu.vector_store_idx %arg10[%get3A_86], %broadcast_in_dim3A_2 {add = true} : memref<10112xf32, #tpu.memory_space<vmem>>[vector<16xi32>], vector<16xf32>,
      %get3A_87 = arith.constant 1 : i32
      %get3A_88 = arith.constant 0 : i32
      %get3A_89 = arith.index_cast %get3A_87 : i32 to index
      %get3A_90 = arith.index_cast %get3A_88 : i32 to index
      %get3A_91 = arith.constant 48 : index
      %get3A_92 = tpu.vector_load %arg6[%get3A_89, %get3A_90, %get3A_91] {strides = array<i32>} : memref<2x8x128xi32, #tpu.memory_space<vmem>>, vector<16xi32>,
      tpu.vector_store_idx %arg10[%get3A_92], %broadcast_in_dim3A_2 {add = true} : memref<10112xf32, #tpu.memory_space<vmem>>[vector<16xi32>], vector<16xf32>,
      %get3A_93 = arith.constant 1 : i32
      %get3A_94 = arith.constant 0 : i32
      %get3A_95 = arith.index_cast %get3A_93 : i32 to index
      %get3A_96 = arith.index_cast %get3A_94 : i32 to index
      %get3A_97 = arith.constant 64 : index
      %get3A_98 = tpu.vector_load %arg6[%get3A_95, %get3A_96, %get3A_97] {strides = array<i32>} : memref<2x8x128xi32, #tpu.memory_space<vmem>>, vector<16xi32>,
      tpu.vector_store_idx %arg10[%get3A_98], %broadcast_in_dim3A_2 {add = true} : memref<10112xf32, #tpu.memory_space<vmem>>[vector<16xi32>], vector<16xf32>,
      %get3A_99 = arith.constant 1 : i32
      %get3A_100 = arith.constant 0 : i32
      %get3A_101 = arith.index_cast %get3A_99 : i32 to index
      %get3A_102 = arith.index_cast %get3A_100 : i32 to index
      %get3A_103 = arith.constant 80 : index
      %get3A_104 = tpu.vector_load %arg6[%get3A_101, %get3A_102, %get3A_103] {strides = array<i32>} : memref<2x8x128xi32, #tpu.memory_space<vmem>>, vector<16xi32>,
      tpu.vector_store_idx %arg10[%get3A_104], %broadcast_in_dim3A_2 {add = true} : memref<10112xf32, #tpu.memory_space<vmem>>[vector<16xi32>], vector<16xf32>,
      %get3A_105 = arith.constant 1 : i32
      %get3A_106 = arith.constant 0 : i32
      %get3A_107 = arith.index_cast %get3A_105 : i32 to index
      %get3A_108 = arith.index_cast %get3A_106 : i32 to index
      %get3A_109 = arith.constant 96 : index
      %get3A_110 = tpu.vector_load %arg6[%get3A_107, %get3A_108, %get3A_109] {strides = array<i32>} : memref<2x8x128xi32, #tpu.memory_space<vmem>>, vector<16xi32>,
      tpu.vector_store_idx %arg10[%get3A_110], %broadcast_in_dim3A_2 {add = true} : memref<10112xf32, #tpu.memory_space<vmem>>[vector<16xi32>], vector<16xf32>,
      %get3A_111 = arith.constant 1 : i32
      %get3A_112 = arith.constant 0 : i32
      %get3A_113 = arith.index_cast %get3A_111 : i32 to index
      %get3A_114 = arith.index_cast %get3A_112 : i32 to index
      %get3A_115 = arith.constant 112 : index
      %get3A_116 = tpu.vector_load %arg6[%get3A_113, %get3A_114, %get3A_115] {strides = array<i32>} : memref<2x8x128xi32, #tpu.memory_space<vmem>>, vector<16xi32>,
      tpu.vector_store_idx %arg10[%get3A_116], %broadcast_in_dim3A_2 {add = true} : memref<10112xf32, #tpu.memory_space<vmem>>[vector<16xi32>], vector<16xf32>,
      %dma_start3A_117 = arith.constant 0 : i32
      %dma_start3A_118 = arith.constant 2 : i32
      %dma_start3A_119 = arith.constant 0 : i32
      %dma_start3A_120 = tpu.memref_slice %arg6[%dma_start3A_117, %dma_start3A_118, %dma_start3A_119] : memref<2x8x128xi32, #tpu.memory_space<vmem>> -> memref<1x1x128xi32, #tpu.memory_space<vmem>>
      %dma_start3A_121 = tpu.memref_squeeze %dma_start3A_120 : memref<1x1x128xi32, #tpu.memory_space<vmem>> -> memref<128xi32, #tpu.memory_space<vmem>>
      %dma_start3A_122 = arith.constant 0 : i32
      %dma_start3A_123 = arith.constant 0 : i32
      %dma_start3A_124 = tpu.memref_slice %arg2[%dma_start3A_122, %dma_start3A_123] : memref<10000x128xf32, #tpu.memory_space<hbm>> -> memref<10000x128xf32, #tpu.memory_space<hbm>>
      tpu.enqueue_indirect_dma source(%dma_start3A_124 : memref<10000x128xf32, #tpu.memory_space<hbm>>) target(%arg8 : memref<128x128xf32, #tpu.memory_space<vmem>>) offsets(%dma_start3A_121 : memref<128xi32, #tpu.memory_space<vmem>>) semaphore(%arg12 : memref<!tpu.dma_semaphore, #tpu.memory_space<semaphore_mem>>)
      %dma_wait3A_125 = arith.constant 0 : i32
      %dma_wait3A_126 = arith.constant 1 : i32
      %dma_wait3A_127 = arith.constant 0 : i32
      %dma_wait3A_128 = tpu.memref_slice %arg6[%dma_wait3A_125, %dma_wait3A_126, %dma_wait3A_127] : memref<2x8x128xi32, #tpu.memory_space<vmem>> -> memref<1x1x128xi32, #tpu.memory_space<vmem>>
      %dma_wait3A_129 = tpu.memref_squeeze %dma_wait3A_128 : memref<1x1x128xi32, #tpu.memory_space<vmem>> -> memref<128xi32, #tpu.memory_space<vmem>>
      %dma_wait3A_130 = arith.constant 0 : i32
      %dma_wait3A_131 = arith.constant 0 : i32
      %dma_wait3A_132 = tpu.memref_slice %arg2[%dma_wait3A_130, %dma_wait3A_131] : memref<10000x128xf32, #tpu.memory_space<hbm>> -> memref<10000x128xf32, #tpu.memory_space<hbm>>
      tpu.wait_indirect_dma semaphore(%arg13 : memref<!tpu.dma_semaphore, #tpu.memory_space<semaphore_mem>>) src(%dma_wait3A_132 : memref<10000x128xf32, #tpu.memory_space<hbm>>) dst(%arg9 : memref<128x128xf32, #tpu.memory_space<vmem>>)
      %run_scoped3A_133 = arith.constant 1 : i32
      %run_scoped3A_134 = arith.constant 1 : i32
      "tpu.region"() ({
        %run_scoped3A_1116 = tpu.sem_alloc : memref<!tpu.dma_semaphore, #tpu.memory_space<semaphore_mem>>
        %dma_start3A_1117 = arith.constant 0 : i32
        %dma_start3A_1118 = tpu.memref_slice %arg6[%run_scoped3A_133, %run_scoped3A_134, %dma_start3A_1117] : memref<2x8x128xi32, #tpu.memory_space<vmem>> -> memref<1x1x128xi32, #tpu.memory_space<vmem>>
        %dma_start3A_1119 = tpu.memref_squeeze %dma_start3A_1118 : memref<1x1x128xi32, #tpu.memory_space<vmem>> -> memref<128xi32, #tpu.memory_space<vmem>>
        %dma_start3A_1120 = arith.constant 0 : i32
        %dma_start3A_1121 = arith.constant 0 : i32
        %dma_start3A_1122 = tpu.memref_slice %arg11[%dma_start3A_1120, %dma_start3A_1121] : memref<10240x128xf32, #tpu.memory_space<vmem_shared>> -> memref<10240x128xf32, #tpu.memory_space<vmem_shared>>
        tpu.enqueue_indirect_dma source(%arg9 : memref<128x128xf32, #tpu.memory_space<vmem>>) target(%dma_start3A_1122 : memref<10240x128xf32, #tpu.memory_space<vmem_shared>>) offsets(%dma_start3A_1119 : memref<128xi32, #tpu.memory_space<vmem>>) semaphore(%run_scoped3A_1116 : memref<!tpu.dma_semaphore, #tpu.memory_space<semaphore_mem>>) {add = true}
        %dma_wait3A_1123 = arith.constant 0 : i32
        %dma_wait3A_1124 = tpu.memref_slice %arg6[%run_scoped3A_133, %run_scoped3A_134, %dma_wait3A_1123] : memref<2x8x128xi32, #tpu.memory_space<vmem>> -> memref<1x1x128xi32, #tpu.memory_space<vmem>>
        %dma_wait3A_1125 = tpu.memref_squeeze %dma_wait3A_1124 : memref<1x1x128xi32, #tpu.memory_space<vmem>> -> memref<128xi32, #tpu.memory_space<vmem>>
        %dma_wait3A_1126 = arith.constant 0 : i32
        %dma_wait3A_1127 = arith.constant 0 : i32
        %dma_wait3A_1128 = tpu.memref_slice %arg11[%dma_wait3A_1126, %dma_wait3A_1127] : memref<10240x128xf32, #tpu.memory_space<vmem_shared>> -> memref<10240x128xf32, #tpu.memory_space<vmem_shared>>
        tpu.wait_indirect_dma semaphore(%run_scoped3A_1116 : memref<!tpu.dma_semaphore, #tpu.memory_space<semaphore_mem>>) src(%arg9 : memref<128x128xf32, #tpu.memory_space<vmem>>) dst(%dma_wait3A_1128 : memref<10240x128xf32, #tpu.memory_space<vmem_shared>>)
        tpu.yield
      }) : () -> ()
      %get3A_135 = arith.constant 1 : i32
      %get3A_136 = arith.constant 1 : i32
      %get3A_137 = arith.index_cast %get3A_135 : i32 to index
      %get3A_138 = arith.index_cast %get3A_136 : i32 to index
      %get3A_139 = arith.constant 0 : index
      %get3A_140 = tpu.vector_load %arg6[%get3A_137, %get3A_138, %get3A_139] {strides = array<i32>} : memref<2x8x128xi32, #tpu.memory_space<vmem>>, vector<16xi32>,
      tpu.vector_store_idx %arg10[%get3A_140], %broadcast_in_dim3A_2 {add = true} : memref<10112xf32, #tpu.memory_space<vmem>>[vector<16xi32>], vector<16xf32>,
      %get3A_141 = arith.constant 1 : i32
      %get3A_142 = arith.constant 1 : i32
      %get3A_143 = arith.index_cast %get3A_141 : i32 to index
      %get3A_144 = arith.index_cast %get3A_142 : i32 to index
      %get3A_145 = arith.constant 16 : index
      %get3A_146 = tpu.vector_load %arg6[%get3A_143, %get3A_144, %get3A_145] {strides = array<i32>} : memref<2x8x128xi32, #tpu.memory_space<vmem>>, vector<16xi32>,
      tpu.vector_store_idx %arg10[%get3A_146], %broadcast_in_dim3A_2 {add = true} : memref<10112xf32, #tpu.memory_space<vmem>>[vector<16xi32>], vector<16xf32>,
      %get3A_147 = arith.constant 1 : i32
      %get3A_148 = arith.constant 1 : i32
      %get3A_149 = arith.index_cast %get3A_147 : i32 to index
      %get3A_150 = arith.index_cast %get3A_148 : i32 to index
      %get3A_151 = arith.constant 32 : index
      %get3A_152 = tpu.vector_load %arg6[%get3A_149, %get3A_150, %get3A_151] {strides = array<i32>} : memref<2x8x128xi32, #tpu.memory_space<vmem>>, vector<16xi32>,
      tpu.vector_store_idx %arg10[%get3A_152], %broadcast_in_dim3A_2 {add = true} : memref<10112xf32, #tpu.memory_space<vmem>>[vector<16xi32>], vector<16xf32>,
      %get3A_153 = arith.constant 1 : i32
      %get3A_154 = arith.constant 1 : i32
      %get3A_155 = arith.index_cast %get3A_153 : i32 to index
      %get3A_156 = arith.index_cast %get3A_154 : i32 to index
      %get3A_157 = arith.constant 48 : index
      %get3A_158 = tpu.vector_load %arg6[%get3A_155, %get3A_156, %get3A_157] {strides = array<i32>} : memref<2x8x128xi32, #tpu.memory_space<vmem>>, vector<16xi32>,
      tpu.vector_store_idx %arg10[%get3A_158], %broadcast_in_dim3A_2 {add = true} : memref<10112xf32, #tpu.memory_space<vmem>>[vector<16xi32>], vector<16xf32>,
      %get3A_159 = arith.constant 1 : i32
      %get3A_160 = arith.constant 1 : i32
      %get3A_161 = arith.index_cast %get3A_159 : i32 to index
      %get3A_162 = arith.index_cast %get3A_160 : i32 to index
      %get3A_163 = arith.constant 64 : index
      %get3A_164 = tpu.vector_load %arg6[%get3A_161, %get3A_162, %get3A_163] {strides = array<i32>} : memref<2x8x128xi32, #tpu.memory_space<vmem>>, vector<16xi32>,
      tpu.vector_store_idx %arg10[%get3A_164], %broadcast_in_dim3A_2 {add = true} : memref<10112xf32, #tpu.memory_space<vmem>>[vector<16xi32>], vector<16xf32>,
      %get3A_165 = arith.constant 1 : i32
      %get3A_166 = arith.constant 1 : i32
      %get3A_167 = arith.index_cast %get3A_165 : i32 to index
      %get3A_168 = arith.index_cast %get3A_166 : i32 to index
      %get3A_169 = arith.constant 80 : index
      %get3A_170 = tpu.vector_load %arg6[%get3A_167, %get3A_168, %get3A_169] {strides = array<i32>} : memref<2x8x128xi32, #tpu.memory_space<vmem>>, vector<16xi32>,
      tpu.vector_store_idx %arg10[%get3A_170], %broadcast_in_dim3A_2 {add = true} : memref<10112xf32, #tpu.memory_space<vmem>>[vector<16xi32>], vector<16xf32>,
      %get3A_171 = arith.constant 1 : i32
      %get3A_172 = arith.constant 1 : i32
      %get3A_173 = arith.index_cast %get3A_171 : i32 to index
      %get3A_174 = arith.index_cast %get3A_172 : i32 to index
      %get3A_175 = arith.constant 96 : index
      %get3A_176 = tpu.vector_load %arg6[%get3A_173, %get3A_174, %get3A_175] {strides = array<i32>} : memref<2x8x128xi32, #tpu.memory_space<vmem>>, vector<16xi32>,
      tpu.vector_store_idx %arg10[%get3A_176], %broadcast_in_dim3A_2 {add = true} : memref<10112xf32, #tpu.memory_space<vmem>>[vector<16xi32>], vector<16xf32>,
      %get3A_177 = arith.constant 1 : i32
      %get3A_178 = arith.constant 1 : i32
      %get3A_179 = arith.index_cast %get3A_177 : i32 to index
      %get3A_180 = arith.index_cast %get3A_178 : i32 to index
      %get3A_181 = arith.constant 112 : index
      %get3A_182 = tpu.vector_load %arg6[%get3A_179, %get3A_180, %get3A_181] {strides = array<i32>} : memref<2x8x128xi32, #tpu.memory_space<vmem>>, vector<16xi32>,
      tpu.vector_store_idx %arg10[%get3A_182], %broadcast_in_dim3A_2 {add = true} : memref<10112xf32, #tpu.memory_space<vmem>>[vector<16xi32>], vector<16xf32>,
      %dma_start3A_183 = arith.constant 0 : i32
      %dma_start3A_184 = arith.constant 3 : i32
      %dma_start3A_185 = arith.constant 0 : i32
      %dma_start3A_186 = tpu.memref_slice %arg6[%dma_start3A_183, %dma_start3A_184, %dma_start3A_185] : memref<2x8x128xi32, #tpu.memory_space<vmem>> -> memref<1x1x128xi32, #tpu.memory_space<vmem>>
      %dma_start3A_187 = tpu.memref_squeeze %dma_start3A_186 : memref<1x1x128xi32, #tpu.memory_space<vmem>> -> memref<128xi32, #tpu.memory_space<vmem>>
      %dma_start3A_188 = arith.constant 0 : i32
      %dma_start3A_189 = arith.constant 0 : i32
      %dma_start3A_190 = tpu.memref_slice %arg2[%dma_start3A_188, %dma_start3A_189] : memref<10000x128xf32, #tpu.memory_space<hbm>> -> memref<10000x128xf32, #tpu.memory_space<hbm>>
      tpu.enqueue_indirect_dma source(%dma_start3A_190 : memref<10000x128xf32, #tpu.memory_space<hbm>>) target(%arg9 : memref<128x128xf32, #tpu.memory_space<vmem>>) offsets(%dma_start3A_187 : memref<128xi32, #tpu.memory_space<vmem>>) semaphore(%arg13 : memref<!tpu.dma_semaphore, #tpu.memory_space<semaphore_mem>>)
      %dma_wait3A_191 = arith.constant 0 : i32
      %dma_wait3A_192 = arith.constant 2 : i32
      %dma_wait3A_193 = arith.constant 0 : i32
      %dma_wait3A_194 = tpu.memref_slice %arg6[%dma_wait3A_191, %dma_wait3A_192, %dma_wait3A_193] : memref<2x8x128xi32, #tpu.memory_space<vmem>> -> memref<1x1x128xi32, #tpu.memory_space<vmem>>
      %dma_wait3A_195 = tpu.memref_squeeze %dma_wait3A_194 : memref<1x1x128xi32, #tpu.memory_space<vmem>> -> memref<128xi32, #tpu.memory_space<vmem>>
      %dma_wait3A_196 = arith.constant 0 : i32
      %dma_wait3A_197 = arith.constant 0 : i32
      %dma_wait3A_198 = tpu.memref_slice %arg2[%dma_wait3A_196, %dma_wait3A_197] : memref<10000x128xf32, #tpu.memory_space<hbm>> -> memref<10000x128xf32, #tpu.memory_space<hbm>>
      tpu.wait_indirect_dma semaphore(%arg12 : memref<!tpu.dma_semaphore, #tpu.memory_space<semaphore_mem>>) src(%dma_wait3A_198 : memref<10000x128xf32, #tpu.memory_space<hbm>>) dst(%arg8 : memref<128x128xf32, #tpu.memory_space<vmem>>)
      %run_scoped3A_199 = arith.constant 1 : i32
      %run_scoped3A_200 = arith.constant 2 : i32
      "tpu.region"() ({
        %run_scoped3A_1116 = tpu.sem_alloc : memref<!tpu.dma_semaphore, #tpu.memory_space<semaphore_mem>>
        %dma_start3A_1117 = arith.constant 0 : i32
        %dma_start3A_1118 = tpu.memref_slice %arg6[%run_scoped3A_199, %run_scoped3A_200, %dma_start3A_1117] : memref<2x8x128xi32, #tpu.memory_space<vmem>> -> memref<1x1x128xi32, #tpu.memory_space<vmem>>
        %dma_start3A_1119 = tpu.memref_squeeze %dma_start3A_1118 : memref<1x1x128xi32, #tpu.memory_space<vmem>> -> memref<128xi32, #tpu.memory_space<vmem>>
        %dma_start3A_1120 = arith.constant 0 : i32
        %dma_start3A_1121 = arith.constant 0 : i32
        %dma_start3A_1122 = tpu.memref_slice %arg11[%dma_start3A_1120, %dma_start3A_1121] : memref<10240x128xf32, #tpu.memory_space<vmem_shared>> -> memref<10240x128xf32, #tpu.memory_space<vmem_shared>>
        tpu.enqueue_indirect_dma source(%arg8 : memref<128x128xf32, #tpu.memory_space<vmem>>) target(%dma_start3A_1122 : memref<10240x128xf32, #tpu.memory_space<vmem_shared>>) offsets(%dma_start3A_1119 : memref<128xi32, #tpu.memory_space<vmem>>) semaphore(%run_scoped3A_1116 : memref<!tpu.dma_semaphore, #tpu.memory_space<semaphore_mem>>) {add = true}
        %dma_wait3A_1123 = arith.constant 0 : i32
        %dma_wait3A_1124 = tpu.memref_slice %arg6[%run_scoped3A_199, %run_scoped3A_200, %dma_wait3A_1123] : memref<2x8x128xi32, #tpu.memory_space<vmem>> -> memref<1x1x128xi32, #tpu.memory_space<vmem>>
        %dma_wait3A_1125 = tpu.memref_squeeze %dma_wait3A_1124 : memref<1x1x128xi32, #tpu.memory_space<vmem>> -> memref<128xi32, #tpu.memory_space<vmem>>
        %dma_wait3A_1126 = arith.constant 0 : i32
        %dma_wait3A_1127 = arith.constant 0 : i32
        %dma_wait3A_1128 = tpu.memref_slice %arg11[%dma_wait3A_1126, %dma_wait3A_1127] : memref<10240x128xf32, #tpu.memory_space<vmem_shared>> -> memref<10240x128xf32, #tpu.memory_space<vmem_shared>>
        tpu.wait_indirect_dma semaphore(%run_scoped3A_1116 : memref<!tpu.dma_semaphore, #tpu.memory_space<semaphore_mem>>) src(%arg8 : memref<128x128xf32, #tpu.memory_space<vmem>>) dst(%dma_wait3A_1128 : memref<10240x128xf32, #tpu.memory_space<vmem_shared>>)
        tpu.yield
      }) : () -> ()
      %get3A_201 = arith.constant 1 : i32
      %get3A_202 = arith.constant 2 : i32
      %get3A_203 = arith.index_cast %get3A_201 : i32 to index
      %get3A_204 = arith.index_cast %get3A_202 : i32 to index
      %get3A_205 = arith.constant 0 : index
      %get3A_206 = tpu.vector_load %arg6[%get3A_203, %get3A_204, %get3A_205] {strides = array<i32>} : memref<2x8x128xi32, #tpu.memory_space<vmem>>, vector<16xi32>,
      tpu.vector_store_idx %arg10[%get3A_206], %broadcast_in_dim3A_2 {add = true} : memref<10112xf32, #tpu.memory_space<vmem>>[vector<16xi32>], vector<16xf32>,
      %get3A_207 = arith.constant 1 : i32
      %get3A_208 = arith.constant 2 : i32
      %get3A_209 = arith.index_cast %get3A_207 : i32 to index
      %get3A_210 = arith.index_cast %get3A_208 : i32 to index
      %get3A_211 = arith.constant 16 : index
      %get3A_212 = tpu.vector_load %arg6[%get3A_209, %get3A_210, %get3A_211] {strides = array<i32>} : memref<2x8x128xi32, #tpu.memory_space<vmem>>, vector<16xi32>,
      tpu.vector_store_idx %arg10[%get3A_212], %broadcast_in_dim3A_2 {add = true} : memref<10112xf32, #tpu.memory_space<vmem>>[vector<16xi32>], vector<16xf32>,
      %get3A_213 = arith.constant 1 : i32
      %get3A_214 = arith.constant 2 : i32
      %get3A_215 = arith.index_cast %get3A_213 : i32 to index
      %get3A_216 = arith.index_cast %get3A_214 : i32 to index
      %get3A_217 = arith.constant 32 : index
      %get3A_218 = tpu.vector_load %arg6[%get3A_215, %get3A_216, %get3A_217] {strides = array<i32>} : memref<2x8x128xi32, #tpu.memory_space<vmem>>, vector<16xi32>,
      tpu.vector_store_idx %arg10[%get3A_218], %broadcast_in_dim3A_2 {add = true} : memref<10112xf32, #tpu.memory_space<vmem>>[vector<16xi32>], vector<16xf32>,
      %get3A_219 = arith.constant 1 : i32
      %get3A_220 = arith.constant 2 : i32
      %get3A_221 = arith.index_cast %get3A_219 : i32 to index
      %get3A_222 = arith.index_cast %get3A_220 : i32 to index
      %get3A_223 = arith.constant 48 : index
      %get3A_224 = tpu.vector_load %arg6[%get3A_221, %get3A_222, %get3A_223] {strides = array<i32>} : memref<2x8x128xi32, #tpu.memory_space<vmem>>, vector<16xi32>,
      tpu.vector_store_idx %arg10[%get3A_224], %broadcast_in_dim3A_2 {add = true} : memref<10112xf32, #tpu.memory_space<vmem>>[vector<16xi32>], vector<16xf32>,
      %get3A_225 = arith.constant 1 : i32
      %get3A_226 = arith.constant 2 : i32
      %get3A_227 = arith.index_cast %get3A_225 : i32 to index
      %get3A_228 = arith.index_cast %get3A_226 : i32 to index
      %get3A_229 = arith.constant 64 : index
      %get3A_230 = tpu.vector_load %arg6[%get3A_227, %get3A_228, %get3A_229] {strides = array<i32>} : memref<2x8x128xi32, #tpu.memory_space<vmem>>, vector<16xi32>,
      tpu.vector_store_idx %arg10[%get3A_230], %broadcast_in_dim3A_2 {add = true} : memref<10112xf32, #tpu.memory_space<vmem>>[vector<16xi32>], vector<16xf32>,
      %get3A_231 = arith.constant 1 : i32
      %get3A_232 = arith.constant 2 : i32
      %get3A_233 = arith.index_cast %get3A_231 : i32 to index
      %get3A_234 = arith.index_cast %get3A_232 : i32 to index
      %get3A_235 = arith.constant 80 : index
      %get3A_236 = tpu.vector_load %arg6[%get3A_233, %get3A_234, %get3A_235] {strides = array<i32>} : memref<2x8x128xi32, #tpu.memory_space<vmem>>, vector<16xi32>,
      tpu.vector_store_idx %arg10[%get3A_236], %broadcast_in_dim3A_2 {add = true} : memref<10112xf32, #tpu.memory_space<vmem>>[vector<16xi32>], vector<16xf32>,
      %get3A_237 = arith.constant 1 : i32
      %get3A_238 = arith.constant 2 : i32
      %get3A_239 = arith.index_cast %get3A_237 : i32 to index
      %get3A_240 = arith.index_cast %get3A_238 : i32 to index
      %get3A_241 = arith.constant 96 : index
      %get3A_242 = tpu.vector_load %arg6[%get3A_239, %get3A_240, %get3A_241] {strides = array<i32>} : memref<2x8x128xi32, #tpu.memory_space<vmem>>, vector<16xi32>,
      tpu.vector_store_idx %arg10[%get3A_242], %broadcast_in_dim3A_2 {add = true} : memref<10112xf32, #tpu.memory_space<vmem>>[vector<16xi32>], vector<16xf32>,
      %get3A_243 = arith.constant 1 : i32
      %get3A_244 = arith.constant 2 : i32
      %get3A_245 = arith.index_cast %get3A_243 : i32 to index
      %get3A_246 = arith.index_cast %get3A_244 : i32 to index
      %get3A_247 = arith.constant 112 : index
      %get3A_248 = tpu.vector_load %arg6[%get3A_245, %get3A_246, %get3A_247] {strides = array<i32>} : memref<2x8x128xi32, #tpu.memory_space<vmem>>, vector<16xi32>,
      tpu.vector_store_idx %arg10[%get3A_248], %broadcast_in_dim3A_2 {add = true} : memref<10112xf32, #tpu.memory_space<vmem>>[vector<16xi32>], vector<16xf32>,
      %dma_start3A_249 = arith.constant 0 : i32
      %dma_start3A_250 = arith.constant 4 : i32
      %dma_start3A_251 = arith.constant 0 : i32
      %dma_start3A_252 = tpu.memref_slice %arg6[%dma_start3A_249, %dma_start3A_250, %dma_start3A_251] : memref<2x8x128xi32, #tpu.memory_space<vmem>> -> memref<1x1x128xi32, #tpu.memory_space<vmem>>
      %dma_start3A_253 = tpu.memref_squeeze %dma_start3A_252 : memref<1x1x128xi32, #tpu.memory_space<vmem>> -> memref<128xi32, #tpu.memory_space<vmem>>
      %dma_start3A_254 = arith.constant 0 : i32
      %dma_start3A_255 = arith.constant 0 : i32
      %dma_start3A_256 = tpu.memref_slice %arg2[%dma_start3A_254, %dma_start3A_255] : memref<10000x128xf32, #tpu.memory_space<hbm>> -> memref<10000x128xf32, #tpu.memory_space<hbm>>
      tpu.enqueue_indirect_dma source(%dma_start3A_256 : memref<10000x128xf32, #tpu.memory_space<hbm>>) target(%arg8 : memref<128x128xf32, #tpu.memory_space<vmem>>) offsets(%dma_start3A_253 : memref<128xi32, #tpu.memory_space<vmem>>) semaphore(%arg12 : memref<!tpu.dma_semaphore, #tpu.memory_space<semaphore_mem>>)
      %dma_wait3A_257 = arith.constant 0 : i32
      %dma_wait3A_258 = arith.constant 3 : i32
      %dma_wait3A_259 = arith.constant 0 : i32
      %dma_wait3A_260 = tpu.memref_slice %arg6[%dma_wait3A_257, %dma_wait3A_258, %dma_wait3A_259] : memref<2x8x128xi32, #tpu.memory_space<vmem>> -> memref<1x1x128xi32, #tpu.memory_space<vmem>>
      %dma_wait3A_261 = tpu.memref_squeeze %dma_wait3A_260 : memref<1x1x128xi32, #tpu.memory_space<vmem>> -> memref<128xi32, #tpu.memory_space<vmem>>
      %dma_wait3A_262 = arith.constant 0 : i32
      %dma_wait3A_263 = arith.constant 0 : i32
      %dma_wait3A_264 = tpu.memref_slice %arg2[%dma_wait3A_262, %dma_wait3A_263] : memref<10000x128xf32, #tpu.memory_space<hbm>> -> memref<10000x128xf32, #tpu.memory_space<hbm>>
      tpu.wait_indirect_dma semaphore(%arg13 : memref<!tpu.dma_semaphore, #tpu.memory_space<semaphore_mem>>) src(%dma_wait3A_264 : memref<10000x128xf32, #tpu.memory_space<hbm>>) dst(%arg9 : memref<128x128xf32, #tpu.memory_space<vmem>>)
      %run_scoped3A_265 = arith.constant 1 : i32
      %run_scoped3A_266 = arith.constant 3 : i32
      "tpu.region"() ({
        %run_scoped3A_1116 = tpu.sem_alloc : memref<!tpu.dma_semaphore, #tpu.memory_space<semaphore_mem>>
        %dma_start3A_1117 = arith.constant 0 : i32
        %dma_start3A_1118 = tpu.memref_slice %arg6[%run_scoped3A_265, %run_scoped3A_266, %dma_start3A_1117] : memref<2x8x128xi32, #tpu.memory_space<vmem>> -> memref<1x1x128xi32, #tpu.memory_space<vmem>>
        %dma_start3A_1119 = tpu.memref_squeeze %dma_start3A_1118 : memref<1x1x128xi32, #tpu.memory_space<vmem>> -> memref<128xi32, #tpu.memory_space<vmem>>
        %dma_start3A_1120 = arith.constant 0 : i32
        %dma_start3A_1121 = arith.constant 0 : i32
        %dma_start3A_1122 = tpu.memref_slice %arg11[%dma_start3A_1120, %dma_start3A_1121] : memref<10240x128xf32, #tpu.memory_space<vmem_shared>> -> memref<10240x128xf32, #tpu.memory_space<vmem_shared>>
        tpu.enqueue_indirect_dma source(%arg9 : memref<128x128xf32, #tpu.memory_space<vmem>>) target(%dma_start3A_1122 : memref<10240x128xf32, #tpu.memory_space<vmem_shared>>) offsets(%dma_start3A_1119 : memref<128xi32, #tpu.memory_space<vmem>>) semaphore(%run_scoped3A_1116 : memref<!tpu.dma_semaphore, #tpu.memory_space<semaphore_mem>>) {add = true}
        %dma_wait3A_1123 = arith.constant 0 : i32
        %dma_wait3A_1124 = tpu.memref_slice %arg6[%run_scoped3A_265, %run_scoped3A_266, %dma_wait3A_1123] : memref<2x8x128xi32, #tpu.memory_space<vmem>> -> memref<1x1x128xi32, #tpu.memory_space<vmem>>
        %dma_wait3A_1125 = tpu.memref_squeeze %dma_wait3A_1124 : memref<1x1x128xi32, #tpu.memory_space<vmem>> -> memref<128xi32, #tpu.memory_space<vmem>>
        %dma_wait3A_1126 = arith.constant 0 : i32
        %dma_wait3A_1127 = arith.constant 0 : i32
        %dma_wait3A_1128 = tpu.memref_slice %arg11[%dma_wait3A_1126, %dma_wait3A_1127] : memref<10240x128xf32, #tpu.memory_space<vmem_shared>> -> memref<10240x128xf32, #tpu.memory_space<vmem_shared>>
        tpu.wait_indirect_dma semaphore(%run_scoped3A_1116 : memref<!tpu.dma_semaphore, #tpu.memory_space<semaphore_mem>>) src(%arg9 : memref<128x128xf32, #tpu.memory_space<vmem>>) dst(%dma_wait3A_1128 : memref<10240x128xf32, #tpu.memory_space<vmem_shared>>)
        tpu.yield
      }) : () -> ()
      %get3A_267 = arith.constant 1 : i32
      %get3A_268 = arith.constant 3 : i32
      %get3A_269 = arith.index_cast %get3A_267 : i32 to index
      %get3A_270 = arith.index_cast %get3A_268 : i32 to index
      %get3A_271 = arith.constant 0 : index
      %get3A_272 = tpu.vector_load %arg6[%get3A_269, %get3A_270, %get3A_271] {strides = array<i32>} : memref<2x8x128xi32, #tpu.memory_space<vmem>>, vector<16xi32>,
      tpu.vector_store_idx %arg10[%get3A_272], %broadcast_in_dim3A_2 {add = true} : memref<10112xf32, #tpu.memory_space<vmem>>[vector<16xi32>], vector<16xf32>,
      %get3A_273 = arith.constant 1 : i32
      %get3A_274 = arith.constant 3 : i32
      %get3A_275 = arith.index_cast %get3A_273 : i32 to index
      %get3A_276 = arith.index_cast %get3A_274 : i32 to index
      %get3A_277 = arith.constant 16 : index
      %get3A_278 = tpu.vector_load %arg6[%get3A_275, %get3A_276, %get3A_277] {strides = array<i32>} : memref<2x8x128xi32, #tpu.memory_space<vmem>>, vector<16xi32>,
      tpu.vector_store_idx %arg10[%get3A_278], %broadcast_in_dim3A_2 {add = true} : memref<10112xf32, #tpu.memory_space<vmem>>[vector<16xi32>], vector<16xf32>,
      %get3A_279 = arith.constant 1 : i32
      %get3A_280 = arith.constant 3 : i32
      %get3A_281 = arith.index_cast %get3A_279 : i32 to index
      %get3A_282 = arith.index_cast %get3A_280 : i32 to index
      %get3A_283 = arith.constant 32 : index
      %get3A_284 = tpu.vector_load %arg6[%get3A_281, %get3A_282, %get3A_283] {strides = array<i32>} : memref<2x8x128xi32, #tpu.memory_space<vmem>>, vector<16xi32>,
      tpu.vector_store_idx %arg10[%get3A_284], %broadcast_in_dim3A_2 {add = true} : memref<10112xf32, #tpu.memory_space<vmem>>[vector<16xi32>], vector<16xf32>,
      %get3A_285 = arith.constant 1 : i32
      %get3A_286 = arith.constant 3 : i32
      %get3A_287 = arith.index_cast %get3A_285 : i32 to index
      %get3A_288 = arith.index_cast %get3A_286 : i32 to index
      %get3A_289 = arith.constant 48 : index
      %get3A_290 = tpu.vector_load %arg6[%get3A_287, %get3A_288, %get3A_289] {strides = array<i32>} : memref<2x8x128xi32, #tpu.memory_space<vmem>>, vector<16xi32>,
      tpu.vector_store_idx %arg10[%get3A_290], %broadcast_in_dim3A_2 {add = true} : memref<10112xf32, #tpu.memory_space<vmem>>[vector<16xi32>], vector<16xf32>,
      %get3A_291 = arith.constant 1 : i32
      %get3A_292 = arith.constant 3 : i32
      %get3A_293 = arith.index_cast %get3A_291 : i32 to index
      %get3A_294 = arith.index_cast %get3A_292 : i32 to index
      %get3A_295 = arith.constant 64 : index
      %get3A_296 = tpu.vector_load %arg6[%get3A_293, %get3A_294, %get3A_295] {strides = array<i32>} : memref<2x8x128xi32, #tpu.memory_space<vmem>>, vector<16xi32>,
      tpu.vector_store_idx %arg10[%get3A_296], %broadcast_in_dim3A_2 {add = true} : memref<10112xf32, #tpu.memory_space<vmem>>[vector<16xi32>], vector<16xf32>,
      %get3A_297 = arith.constant 1 : i32
      %get3A_298 = arith.constant 3 : i32
      %get3A_299 = arith.index_cast %get3A_297 : i32 to index
      %get3A_300 = arith.index_cast %get3A_298 : i32 to index
      %get3A_301 = arith.constant 80 : index
      %get3A_302 = tpu.vector_load %arg6[%get3A_299, %get3A_300, %get3A_301] {strides = array<i32>} : memref<2x8x128xi32, #tpu.memory_space<vmem>>, vector<16xi32>,
      tpu.vector_store_idx %arg10[%get3A_302], %broadcast_in_dim3A_2 {add = true} : memref<10112xf32, #tpu.memory_space<vmem>>[vector<16xi32>], vector<16xf32>,
      %get3A_303 = arith.constant 1 : i32
      %get3A_304 = arith.constant 3 : i32
      %get3A_305 = arith.index_cast %get3A_303 : i32 to index
      %get3A_306 = arith.index_cast %get3A_304 : i32 to index
      %get3A_307 = arith.constant 96 : index
      %get3A_308 = tpu.vector_load %arg6[%get3A_305, %get3A_306, %get3A_307] {strides = array<i32>} : memref<2x8x128xi32, #tpu.memory_space<vmem>>, vector<16xi32>,
      tpu.vector_store_idx %arg10[%get3A_308], %broadcast_in_dim3A_2 {add = true} : memref<10112xf32, #tpu.memory_space<vmem>>[vector<16xi32>], vector<16xf32>,
      %get3A_309 = arith.constant 1 : i32
      %get3A_310 = arith.constant 3 : i32
      %get3A_311 = arith.index_cast %get3A_309 : i32 to index
      %get3A_312 = arith.index_cast %get3A_310 : i32 to index
      %get3A_313 = arith.constant 112 : index
      %get3A_314 = tpu.vector_load %arg6[%get3A_311, %get3A_312, %get3A_313] {strides = array<i32>} : memref<2x8x128xi32, #tpu.memory_space<vmem>>, vector<16xi32>,
      tpu.vector_store_idx %arg10[%get3A_314], %broadcast_in_dim3A_2 {add = true} : memref<10112xf32, #tpu.memory_space<vmem>>[vector<16xi32>], vector<16xf32>,
      %dma_start3A_315 = arith.constant 0 : i32
      %dma_start3A_316 = arith.constant 5 : i32
      %dma_start3A_317 = arith.constant 0 : i32
      %dma_start3A_318 = tpu.memref_slice %arg6[%dma_start3A_315, %dma_start3A_316, %dma_start3A_317] : memref<2x8x128xi32, #tpu.memory_space<vmem>> -> memref<1x1x128xi32, #tpu.memory_space<vmem>>
      %dma_start3A_319 = tpu.memref_squeeze %dma_start3A_318 : memref<1x1x128xi32, #tpu.memory_space<vmem>> -> memref<128xi32, #tpu.memory_space<vmem>>
      %dma_start3A_320 = arith.constant 0 : i32
      %dma_start3A_321 = arith.constant 0 : i32
      %dma_start3A_322 = tpu.memref_slice %arg2[%dma_start3A_320, %dma_start3A_321] : memref<10000x128xf32, #tpu.memory_space<hbm>> -> memref<10000x128xf32, #tpu.memory_space<hbm>>
      tpu.enqueue_indirect_dma source(%dma_start3A_322 : memref<10000x128xf32, #tpu.memory_space<hbm>>) target(%arg9 : memref<128x128xf32, #tpu.memory_space<vmem>>) offsets(%dma_start3A_319 : memref<128xi32, #tpu.memory_space<vmem>>) semaphore(%arg13 : memref<!tpu.dma_semaphore, #tpu.memory_space<semaphore_mem>>)
      %dma_wait3A_323 = arith.constant 0 : i32
      %dma_wait3A_324 = arith.constant 4 : i32
      %dma_wait3A_325 = arith.constant 0 : i32
      %dma_wait3A_326 = tpu.memref_slice %arg6[%dma_wait3A_323, %dma_wait3A_324, %dma_wait3A_325] : memref<2x8x128xi32, #tpu.memory_space<vmem>> -> memref<1x1x128xi32, #tpu.memory_space<vmem>>
      %dma_wait3A_327 = tpu.memref_squeeze %dma_wait3A_326 : memref<1x1x128xi32, #tpu.memory_space<vmem>> -> memref<128xi32, #tpu.memory_space<vmem>>
      %dma_wait3A_328 = arith.constant 0 : i32
      %dma_wait3A_329 = arith.constant 0 : i32
      %dma_wait3A_330 = tpu.memref_slice %arg2[%dma_wait3A_328, %dma_wait3A_329] : memref<10000x128xf32, #tpu.memory_space<hbm>> -> memref<10000x128xf32, #tpu.memory_space<hbm>>
      tpu.wait_indirect_dma semaphore(%arg12 : memref<!tpu.dma_semaphore, #tpu.memory_space<semaphore_mem>>) src(%dma_wait3A_330 : memref<10000x128xf32, #tpu.memory_space<hbm>>) dst(%arg8 : memref<128x128xf32, #tpu.memory_space<vmem>>)
      %run_scoped3A_331 = arith.constant 1 : i32
      %run_scoped3A_332 = arith.constant 4 : i32
      "tpu.region"() ({
        %run_scoped3A_1116 = tpu.sem_alloc : memref<!tpu.dma_semaphore, #tpu.memory_space<semaphore_mem>>
        %dma_start3A_1117 = arith.constant 0 : i32
        %dma_start3A_1118 = tpu.memref_slice %arg6[%run_scoped3A_331, %run_scoped3A_332, %dma_start3A_1117] : memref<2x8x128xi32, #tpu.memory_space<vmem>> -> memref<1x1x128xi32, #tpu.memory_space<vmem>>
        %dma_start3A_1119 = tpu.memref_squeeze %dma_start3A_1118 : memref<1x1x128xi32, #tpu.memory_space<vmem>> -> memref<128xi32, #tpu.memory_space<vmem>>
        %dma_start3A_1120 = arith.constant 0 : i32
        %dma_start3A_1121 = arith.constant 0 : i32
        %dma_start3A_1122 = tpu.memref_slice %arg11[%dma_start3A_1120, %dma_start3A_1121] : memref<10240x128xf32, #tpu.memory_space<vmem_shared>> -> memref<10240x128xf32, #tpu.memory_space<vmem_shared>>
        tpu.enqueue_indirect_dma source(%arg8 : memref<128x128xf32, #tpu.memory_space<vmem>>) target(%dma_start3A_1122 : memref<10240x128xf32, #tpu.memory_space<vmem_shared>>) offsets(%dma_start3A_1119 : memref<128xi32, #tpu.memory_space<vmem>>) semaphore(%run_scoped3A_1116 : memref<!tpu.dma_semaphore, #tpu.memory_space<semaphore_mem>>) {add = true}
        %dma_wait3A_1123 = arith.constant 0 : i32
        %dma_wait3A_1124 = tpu.memref_slice %arg6[%run_scoped3A_331, %run_scoped3A_332, %dma_wait3A_1123] : memref<2x8x128xi32, #tpu.memory_space<vmem>> -> memref<1x1x128xi32, #tpu.memory_space<vmem>>
        %dma_wait3A_1125 = tpu.memref_squeeze %dma_wait3A_1124 : memref<1x1x128xi32, #tpu.memory_space<vmem>> -> memref<128xi32, #tpu.memory_space<vmem>>
        %dma_wait3A_1126 = arith.constant 0 : i32
        %dma_wait3A_1127 = arith.constant 0 : i32
        %dma_wait3A_1128 = tpu.memref_slice %arg11[%dma_wait3A_1126, %dma_wait3A_1127] : memref<10240x128xf32, #tpu.memory_space<vmem_shared>> -> memref<10240x128xf32, #tpu.memory_space<vmem_shared>>
        tpu.wait_indirect_dma semaphore(%run_scoped3A_1116 : memref<!tpu.dma_semaphore, #tpu.memory_space<semaphore_mem>>) src(%arg8 : memref<128x128xf32, #tpu.memory_space<vmem>>) dst(%dma_wait3A_1128 : memref<10240x128xf32, #tpu.memory_space<vmem_shared>>)
        tpu.yield
      }) : () -> ()
      %get3A_333 = arith.constant 1 : i32
      %get3A_334 = arith.constant 4 : i32
      %get3A_335 = arith.index_cast %get3A_333 : i32 to index
      %get3A_336 = arith.index_cast %get3A_334 : i32 to index
      %get3A_337 = arith.constant 0 : index
      %get3A_338 = tpu.vector_load %arg6[%get3A_335, %get3A_336, %get3A_337] {strides = array<i32>} : memref<2x8x128xi32, #tpu.memory_space<vmem>>, vector<16xi32>,
      tpu.vector_store_idx %arg10[%get3A_338], %broadcast_in_dim3A_2 {add = true} : memref<10112xf32, #tpu.memory_space<vmem>>[vector<16xi32>], vector<16xf32>,
      %get3A_339 = arith.constant 1 : i32
      %get3A_340 = arith.constant 4 : i32
      %get3A_341 = arith.index_cast %get3A_339 : i32 to index
      %get3A_342 = arith.index_cast %get3A_340 : i32 to index
      %get3A_343 = arith.constant 16 : index
      %get3A_344 = tpu.vector_load %arg6[%get3A_341, %get3A_342, %get3A_343] {strides = array<i32>} : memref<2x8x128xi32, #tpu.memory_space<vmem>>, vector<16xi32>,
      tpu.vector_store_idx %arg10[%get3A_344], %broadcast_in_dim3A_2 {add = true} : memref<10112xf32, #tpu.memory_space<vmem>>[vector<16xi32>], vector<16xf32>,
      %get3A_345 = arith.constant 1 : i32
      %get3A_346 = arith.constant 4 : i32
      %get3A_347 = arith.index_cast %get3A_345 : i32 to index
      %get3A_348 = arith.index_cast %get3A_346 : i32 to index
      %get3A_349 = arith.constant 32 : index
      %get3A_350 = tpu.vector_load %arg6[%get3A_347, %get3A_348, %get3A_349] {strides = array<i32>} : memref<2x8x128xi32, #tpu.memory_space<vmem>>, vector<16xi32>,
      tpu.vector_store_idx %arg10[%get3A_350], %broadcast_in_dim3A_2 {add = true} : memref<10112xf32, #tpu.memory_space<vmem>>[vector<16xi32>], vector<16xf32>,
      %get3A_351 = arith.constant 1 : i32
      %get3A_352 = arith.constant 4 : i32
      %get3A_353 = arith.index_cast %get3A_351 : i32 to index
      %get3A_354 = arith.index_cast %get3A_352 : i32 to index
      %get3A_355 = arith.constant 48 : index
      %get3A_356 = tpu.vector_load %arg6[%get3A_353, %get3A_354, %get3A_355] {strides = array<i32>} : memref<2x8x128xi32, #tpu.memory_space<vmem>>, vector<16xi32>,
      tpu.vector_store_idx %arg10[%get3A_356], %broadcast_in_dim3A_2 {add = true} : memref<10112xf32, #tpu.memory_space<vmem>>[vector<16xi32>], vector<16xf32>,
      %get3A_357 = arith.constant 1 : i32
      %get3A_358 = arith.constant 4 : i32
      %get3A_359 = arith.index_cast %get3A_357 : i32 to index
      %get3A_360 = arith.index_cast %get3A_358 : i32 to index
      %get3A_361 = arith.constant 64 : index
      %get3A_362 = tpu.vector_load %arg6[%get3A_359, %get3A_360, %get3A_361] {strides = array<i32>} : memref<2x8x128xi32, #tpu.memory_space<vmem>>, vector<16xi32>,
      tpu.vector_store_idx %arg10[%get3A_362], %broadcast_in_dim3A_2 {add = true} : memref<10112xf32, #tpu.memory_space<vmem>>[vector<16xi32>], vector<16xf32>,
      %get3A_363 = arith.constant 1 : i32
      %get3A_364 = arith.constant 4 : i32
      %get3A_365 = arith.index_cast %get3A_363 : i32 to index
      %get3A_366 = arith.index_cast %get3A_364 : i32 to index
      %get3A_367 = arith.constant 80 : index
      %get3A_368 = tpu.vector_load %arg6[%get3A_365, %get3A_366, %get3A_367] {strides = array<i32>} : memref<2x8x128xi32, #tpu.memory_space<vmem>>, vector<16xi32>,
      tpu.vector_store_idx %arg10[%get3A_368], %broadcast_in_dim3A_2 {add = true} : memref<10112xf32, #tpu.memory_space<vmem>>[vector<16xi32>], vector<16xf32>,
      %get3A_369 = arith.constant 1 : i32
      %get3A_370 = arith.constant 4 : i32
      %get3A_371 = arith.index_cast %get3A_369 : i32 to index
      %get3A_372 = arith.index_cast %get3A_370 : i32 to index
      %get3A_373 = arith.constant 96 : index
      %get3A_374 = tpu.vector_load %arg6[%get3A_371, %get3A_372, %get3A_373] {strides = array<i32>} : memref<2x8x128xi32, #tpu.memory_space<vmem>>, vector<16xi32>,
      tpu.vector_store_idx %arg10[%get3A_374], %broadcast_in_dim3A_2 {add = true} : memref<10112xf32, #tpu.memory_space<vmem>>[vector<16xi32>], vector<16xf32>,
      %get3A_375 = arith.constant 1 : i32
      %get3A_376 = arith.constant 4 : i32
      %get3A_377 = arith.index_cast %get3A_375 : i32 to index
      %get3A_378 = arith.index_cast %get3A_376 : i32 to index
      %get3A_379 = arith.constant 112 : index
      %get3A_380 = tpu.vector_load %arg6[%get3A_377, %get3A_378, %get3A_379] {strides = array<i32>} : memref<2x8x128xi32, #tpu.memory_space<vmem>>, vector<16xi32>,
      tpu.vector_store_idx %arg10[%get3A_380], %broadcast_in_dim3A_2 {add = true} : memref<10112xf32, #tpu.memory_space<vmem>>[vector<16xi32>], vector<16xf32>,
      %dma_start3A_381 = arith.constant 0 : i32
      %dma_start3A_382 = arith.constant 6 : i32
      %dma_start3A_383 = arith.constant 0 : i32
      %dma_start3A_384 = tpu.memref_slice %arg6[%dma_start3A_381, %dma_start3A_382, %dma_start3A_383] : memref<2x8x128xi32, #tpu.memory_space<vmem>> -> memref<1x1x128xi32, #tpu.memory_space<vmem>>
      %dma_start3A_385 = tpu.memref_squeeze %dma_start3A_384 : memref<1x1x128xi32, #tpu.memory_space<vmem>> -> memref<128xi32, #tpu.memory_space<vmem>>
      %dma_start3A_386 = arith.constant 0 : i32
      %dma_start3A_387 = arith.constant 0 : i32
      %dma_start3A_388 = tpu.memref_slice %arg2[%dma_start3A_386, %dma_start3A_387] : memref<10000x128xf32, #tpu.memory_space<hbm>> -> memref<10000x128xf32, #tpu.memory_space<hbm>>
      tpu.enqueue_indirect_dma source(%dma_start3A_388 : memref<10000x128xf32, #tpu.memory_space<hbm>>) target(%arg8 : memref<128x128xf32, #tpu.memory_space<vmem>>) offsets(%dma_start3A_385 : memref<128xi32, #tpu.memory_space<vmem>>) semaphore(%arg12 : memref<!tpu.dma_semaphore, #tpu.memory_space<semaphore_mem>>)
      %dma_wait3A_389 = arith.constant 0 : i32
      %dma_wait3A_390 = arith.constant 5 : i32
      %dma_wait3A_391 = arith.constant 0 : i32
      %dma_wait3A_392 = tpu.memref_slice %arg6[%dma_wait3A_389, %dma_wait3A_390, %dma_wait3A_391] : memref<2x8x128xi32, #tpu.memory_space<vmem>> -> memref<1x1x128xi32, #tpu.memory_space<vmem>>
      %dma_wait3A_393 = tpu.memref_squeeze %dma_wait3A_392 : memref<1x1x128xi32, #tpu.memory_space<vmem>> -> memref<128xi32, #tpu.memory_space<vmem>>
      %dma_wait3A_394 = arith.constant 0 : i32
      %dma_wait3A_395 = arith.constant 0 : i32
      %dma_wait3A_396 = tpu.memref_slice %arg2[%dma_wait3A_394, %dma_wait3A_395] : memref<10000x128xf32, #tpu.memory_space<hbm>> -> memref<10000x128xf32, #tpu.memory_space<hbm>>
      tpu.wait_indirect_dma semaphore(%arg13 : memref<!tpu.dma_semaphore, #tpu.memory_space<semaphore_mem>>) src(%dma_wait3A_396 : memref<10000x128xf32, #tpu.memory_space<hbm>>) dst(%arg9 : memref<128x128xf32, #tpu.memory_space<vmem>>)
      %run_scoped3A_397 = arith.constant 1 : i32
      %run_scoped3A_398 = arith.constant 5 : i32
      "tpu.region"() ({
        %run_scoped3A_1116 = tpu.sem_alloc : memref<!tpu.dma_semaphore, #tpu.memory_space<semaphore_mem>>
        %dma_start3A_1117 = arith.constant 0 : i32
        %dma_start3A_1118 = tpu.memref_slice %arg6[%run_scoped3A_397, %run_scoped3A_398, %dma_start3A_1117] : memref<2x8x128xi32, #tpu.memory_space<vmem>> -> memref<1x1x128xi32, #tpu.memory_space<vmem>>
        %dma_start3A_1119 = tpu.memref_squeeze %dma_start3A_1118 : memref<1x1x128xi32, #tpu.memory_space<vmem>> -> memref<128xi32, #tpu.memory_space<vmem>>
        %dma_start3A_1120 = arith.constant 0 : i32
        %dma_start3A_1121 = arith.constant 0 : i32
        %dma_start3A_1122 = tpu.memref_slice %arg11[%dma_start3A_1120, %dma_start3A_1121] : memref<10240x128xf32, #tpu.memory_space<vmem_shared>> -> memref<10240x128xf32, #tpu.memory_space<vmem_shared>>
        tpu.enqueue_indirect_dma source(%arg9 : memref<128x128xf32, #tpu.memory_space<vmem>>) target(%dma_start3A_1122 : memref<10240x128xf32, #tpu.memory_space<vmem_shared>>) offsets(%dma_start3A_1119 : memref<128xi32, #tpu.memory_space<vmem>>) semaphore(%run_scoped3A_1116 : memref<!tpu.dma_semaphore, #tpu.memory_space<semaphore_mem>>) {add = true}
        %dma_wait3A_1123 = arith.constant 0 : i32
        %dma_wait3A_1124 = tpu.memref_slice %arg6[%run_scoped3A_397, %run_scoped3A_398, %dma_wait3A_1123] : memref<2x8x128xi32, #tpu.memory_space<vmem>> -> memref<1x1x128xi32, #tpu.memory_space<vmem>>
        %dma_wait3A_1125 = tpu.memref_squeeze %dma_wait3A_1124 : memref<1x1x128xi32, #tpu.memory_space<vmem>> -> memref<128xi32, #tpu.memory_space<vmem>>
        %dma_wait3A_1126 = arith.constant 0 : i32
        %dma_wait3A_1127 = arith.constant 0 : i32
        %dma_wait3A_1128 = tpu.memref_slice %arg11[%dma_wait3A_1126, %dma_wait3A_1127] : memref<10240x128xf32, #tpu.memory_space<vmem_shared>> -> memref<10240x128xf32, #tpu.memory_space<vmem_shared>>
        tpu.wait_indirect_dma semaphore(%run_scoped3A_1116 : memref<!tpu.dma_semaphore, #tpu.memory_space<semaphore_mem>>) src(%arg9 : memref<128x128xf32, #tpu.memory_space<vmem>>) dst(%dma_wait3A_1128 : memref<10240x128xf32, #tpu.memory_space<vmem_shared>>)
        tpu.yield
      }) : () -> ()
      %get3A_399 = arith.constant 1 : i32
      %get3A_400 = arith.constant 5 : i32
      %get3A_401 = arith.index_cast %get3A_399 : i32 to index
      %get3A_402 = arith.index_cast %get3A_400 : i32 to index
      %get3A_403 = arith.constant 0 : index
      %get3A_404 = tpu.vector_load %arg6[%get3A_401, %get3A_402, %get3A_403] {strides = array<i32>} : memref<2x8x128xi32, #tpu.memory_space<vmem>>, vector<16xi32>,
      tpu.vector_store_idx %arg10[%get3A_404], %broadcast_in_dim3A_2 {add = true} : memref<10112xf32, #tpu.memory_space<vmem>>[vector<16xi32>], vector<16xf32>,
      %get3A_405 = arith.constant 1 : i32
      %get3A_406 = arith.constant 5 : i32
      %get3A_407 = arith.index_cast %get3A_405 : i32 to index
      %get3A_408 = arith.index_cast %get3A_406 : i32 to index
      %get3A_409 = arith.constant 16 : index
      %get3A_410 = tpu.vector_load %arg6[%get3A_407, %get3A_408, %get3A_409] {strides = array<i32>} : memref<2x8x128xi32, #tpu.memory_space<vmem>>, vector<16xi32>,
      tpu.vector_store_idx %arg10[%get3A_410], %broadcast_in_dim3A_2 {add = true} : memref<10112xf32, #tpu.memory_space<vmem>>[vector<16xi32>], vector<16xf32>,
      %get3A_411 = arith.constant 1 : i32
      %get3A_412 = arith.constant 5 : i32
      %get3A_413 = arith.index_cast %get3A_411 : i32 to index
      %get3A_414 = arith.index_cast %get3A_412 : i32 to index
      %get3A_415 = arith.constant 32 : index
      %get3A_416 = tpu.vector_load %arg6[%get3A_413, %get3A_414, %get3A_415] {strides = array<i32>} : memref<2x8x128xi32, #tpu.memory_space<vmem>>, vector<16xi32>,
      tpu.vector_store_idx %arg10[%get3A_416], %broadcast_in_dim3A_2 {add = true} : memref<10112xf32, #tpu.memory_space<vmem>>[vector<16xi32>], vector<16xf32>,
      %get3A_417 = arith.constant 1 : i32
      %get3A_418 = arith.constant 5 : i32
      %get3A_419 = arith.index_cast %get3A_417 : i32 to index
      %get3A_420 = arith.index_cast %get3A_418 : i32 to index
      %get3A_421 = arith.constant 48 : index
      %get3A_422 = tpu.vector_load %arg6[%get3A_419, %get3A_420, %get3A_421] {strides = array<i32>} : memref<2x8x128xi32, #tpu.memory_space<vmem>>, vector<16xi32>,
      tpu.vector_store_idx %arg10[%get3A_422], %broadcast_in_dim3A_2 {add = true} : memref<10112xf32, #tpu.memory_space<vmem>>[vector<16xi32>], vector<16xf32>,
      %get3A_423 = arith.constant 1 : i32
      %get3A_424 = arith.constant 5 : i32
      %get3A_425 = arith.index_cast %get3A_423 : i32 to index
      %get3A_426 = arith.index_cast %get3A_424 : i32 to index
      %get3A_427 = arith.constant 64 : index
      %get3A_428 = tpu.vector_load %arg6[%get3A_425, %get3A_426, %get3A_427] {strides = array<i32>} : memref<2x8x128xi32, #tpu.memory_space<vmem>>, vector<16xi32>,
      tpu.vector_store_idx %arg10[%get3A_428], %broadcast_in_dim3A_2 {add = true} : memref<10112xf32, #tpu.memory_space<vmem>>[vector<16xi32>], vector<16xf32>,
      %get3A_429 = arith.constant 1 : i32
      %get3A_430 = arith.constant 5 : i32
      %get3A_431 = arith.index_cast %get3A_429 : i32 to index
      %get3A_432 = arith.index_cast %get3A_430 : i32 to index
      %get3A_433 = arith.constant 80 : index
      %get3A_434 = tpu.vector_load %arg6[%get3A_431, %get3A_432, %get3A_433] {strides = array<i32>} : memref<2x8x128xi32, #tpu.memory_space<vmem>>, vector<16xi32>,
      tpu.vector_store_idx %arg10[%get3A_434], %broadcast_in_dim3A_2 {add = true} : memref<10112xf32, #tpu.memory_space<vmem>>[vector<16xi32>], vector<16xf32>,
      %get3A_435 = arith.constant 1 : i32
      %get3A_436 = arith.constant 5 : i32
      %get3A_437 = arith.index_cast %get3A_435 : i32 to index
      %get3A_438 = arith.index_cast %get3A_436 : i32 to index
      %get3A_439 = arith.constant 96 : index
      %get3A_440 = tpu.vector_load %arg6[%get3A_437, %get3A_438, %get3A_439] {strides = array<i32>} : memref<2x8x128xi32, #tpu.memory_space<vmem>>, vector<16xi32>,
      tpu.vector_store_idx %arg10[%get3A_440], %broadcast_in_dim3A_2 {add = true} : memref<10112xf32, #tpu.memory_space<vmem>>[vector<16xi32>], vector<16xf32>,
      %get3A_441 = arith.constant 1 : i32
      %get3A_442 = arith.constant 5 : i32
      %get3A_443 = arith.index_cast %get3A_441 : i32 to index
      %get3A_444 = arith.index_cast %get3A_442 : i32 to index
      %get3A_445 = arith.constant 112 : index
      %get3A_446 = tpu.vector_load %arg6[%get3A_443, %get3A_444, %get3A_445] {strides = array<i32>} : memref<2x8x128xi32, #tpu.memory_space<vmem>>, vector<16xi32>,
      tpu.vector_store_idx %arg10[%get3A_446], %broadcast_in_dim3A_2 {add = true} : memref<10112xf32, #tpu.memory_space<vmem>>[vector<16xi32>], vector<16xf32>,
      %dma_start3A_447 = arith.constant 0 : i32
      %dma_start3A_448 = arith.constant 7 : i32
      %dma_start3A_449 = arith.constant 0 : i32
      %dma_start3A_450 = tpu.memref_slice %arg6[%dma_start3A_447, %dma_start3A_448, %dma_start3A_449] : memref<2x8x128xi32, #tpu.memory_space<vmem>> -> memref<1x1x128xi32, #tpu.memory_space<vmem>>
      %dma_start3A_451 = tpu.memref_squeeze %dma_start3A_450 : memref<1x1x128xi32, #tpu.memory_space<vmem>> -> memref<128xi32, #tpu.memory_space<vmem>>
      %dma_start3A_452 = arith.constant 0 : i32
      %dma_start3A_453 = arith.constant 0 : i32
      %dma_start3A_454 = tpu.memref_slice %arg2[%dma_start3A_452, %dma_start3A_453] : memref<10000x128xf32, #tpu.memory_space<hbm>> -> memref<10000x128xf32, #tpu.memory_space<hbm>>
      tpu.enqueue_indirect_dma source(%dma_start3A_454 : memref<10000x128xf32, #tpu.memory_space<hbm>>) target(%arg9 : memref<128x128xf32, #tpu.memory_space<vmem>>) offsets(%dma_start3A_451 : memref<128xi32, #tpu.memory_space<vmem>>) semaphore(%arg13 : memref<!tpu.dma_semaphore, #tpu.memory_space<semaphore_mem>>)
      %dma_wait3A_455 = arith.constant 0 : i32
      %dma_wait3A_456 = arith.constant 6 : i32
      %dma_wait3A_457 = arith.constant 0 : i32
      %dma_wait3A_458 = tpu.memref_slice %arg6[%dma_wait3A_455, %dma_wait3A_456, %dma_wait3A_457] : memref<2x8x128xi32, #tpu.memory_space<vmem>> -> memref<1x1x128xi32, #tpu.memory_space<vmem>>
      %dma_wait3A_459 = tpu.memref_squeeze %dma_wait3A_458 : memref<1x1x128xi32, #tpu.memory_space<vmem>> -> memref<128xi32, #tpu.memory_space<vmem>>
      %dma_wait3A_460 = arith.constant 0 : i32
      %dma_wait3A_461 = arith.constant 0 : i32
      %dma_wait3A_462 = tpu.memref_slice %arg2[%dma_wait3A_460, %dma_wait3A_461] : memref<10000x128xf32, #tpu.memory_space<hbm>> -> memref<10000x128xf32, #tpu.memory_space<hbm>>
      tpu.wait_indirect_dma semaphore(%arg12 : memref<!tpu.dma_semaphore, #tpu.memory_space<semaphore_mem>>) src(%dma_wait3A_462 : memref<10000x128xf32, #tpu.memory_space<hbm>>) dst(%arg8 : memref<128x128xf32, #tpu.memory_space<vmem>>)
      %run_scoped3A_463 = arith.constant 1 : i32
      %run_scoped3A_464 = arith.constant 6 : i32
      "tpu.region"() ({
        %run_scoped3A_1116 = tpu.sem_alloc : memref<!tpu.dma_semaphore, #tpu.memory_space<semaphore_mem>>
        %dma_start3A_1117 = arith.constant 0 : i32
        %dma_start3A_1118 = tpu.memref_slice %arg6[%run_scoped3A_463, %run_scoped3A_464, %dma_start3A_1117] : memref<2x8x128xi32, #tpu.memory_space<vmem>> -> memref<1x1x128xi32, #tpu.memory_space<vmem>>
        %dma_start3A_1119 = tpu.memref_squeeze %dma_start3A_1118 : memref<1x1x128xi32, #tpu.memory_space<vmem>> -> memref<128xi32, #tpu.memory_space<vmem>>
        %dma_start3A_1120 = arith.constant 0 : i32
        %dma_start3A_1121 = arith.constant 0 : i32
        %dma_start3A_1122 = tpu.memref_slice %arg11[%dma_start3A_1120, %dma_start3A_1121] : memref<10240x128xf32, #tpu.memory_space<vmem_shared>> -> memref<10240x128xf32, #tpu.memory_space<vmem_shared>>
        tpu.enqueue_indirect_dma source(%arg8 : memref<128x128xf32, #tpu.memory_space<vmem>>) target(%dma_start3A_1122 : memref<10240x128xf32, #tpu.memory_space<vmem_shared>>) offsets(%dma_start3A_1119 : memref<128xi32, #tpu.memory_space<vmem>>) semaphore(%run_scoped3A_1116 : memref<!tpu.dma_semaphore, #tpu.memory_space<semaphore_mem>>) {add = true}
        %dma_wait3A_1123 = arith.constant 0 : i32
        %dma_wait3A_1124 = tpu.memref_slice %arg6[%run_scoped3A_463, %run_scoped3A_464, %dma_wait3A_1123] : memref<2x8x128xi32, #tpu.memory_space<vmem>> -> memref<1x1x128xi32, #tpu.memory_space<vmem>>
        %dma_wait3A_1125 = tpu.memref_squeeze %dma_wait3A_1124 : memref<1x1x128xi32, #tpu.memory_space<vmem>> -> memref<128xi32, #tpu.memory_space<vmem>>
        %dma_wait3A_1126 = arith.constant 0 : i32
        %dma_wait3A_1127 = arith.constant 0 : i32
        %dma_wait3A_1128 = tpu.memref_slice %arg11[%dma_wait3A_1126, %dma_wait3A_1127] : memref<10240x128xf32, #tpu.memory_space<vmem_shared>> -> memref<10240x128xf32, #tpu.memory_space<vmem_shared>>
        tpu.wait_indirect_dma semaphore(%run_scoped3A_1116 : memref<!tpu.dma_semaphore, #tpu.memory_space<semaphore_mem>>) src(%arg8 : memref<128x128xf32, #tpu.memory_space<vmem>>) dst(%dma_wait3A_1128 : memref<10240x128xf32, #tpu.memory_space<vmem_shared>>)
        tpu.yield
      }) : () -> ()
      %get3A_465 = arith.constant 1 : i32
      %get3A_466 = arith.constant 6 : i32
      %get3A_467 = arith.index_cast %get3A_465 : i32 to index
      %get3A_468 = arith.index_cast %get3A_466 : i32 to index
      %get3A_469 = arith.constant 0 : index
      %get3A_470 = tpu.vector_load %arg6[%get3A_467, %get3A_468, %get3A_469] {strides = array<i32>} : memref<2x8x128xi32, #tpu.memory_space<vmem>>, vector<16xi32>,
      tpu.vector_store_idx %arg10[%get3A_470], %broadcast_in_dim3A_2 {add = true} : memref<10112xf32, #tpu.memory_space<vmem>>[vector<16xi32>], vector<16xf32>,
      %get3A_471 = arith.constant 1 : i32
      %get3A_472 = arith.constant 6 : i32
      %get3A_473 = arith.index_cast %get3A_471 : i32 to index
      %get3A_474 = arith.index_cast %get3A_472 : i32 to index
      %get3A_475 = arith.constant 16 : index
      %get3A_476 = tpu.vector_load %arg6[%get3A_473, %get3A_474, %get3A_475] {strides = array<i32>} : memref<2x8x128xi32, #tpu.memory_space<vmem>>, vector<16xi32>,
      tpu.vector_store_idx %arg10[%get3A_476], %broadcast_in_dim3A_2 {add = true} : memref<10112xf32, #tpu.memory_space<vmem>>[vector<16xi32>], vector<16xf32>,
      %get3A_477 = arith.constant 1 : i32
      %get3A_478 = arith.constant 6 : i32
      %get3A_479 = arith.index_cast %get3A_477 : i32 to index
      %get3A_480 = arith.index_cast %get3A_478 : i32 to index
      %get3A_481 = arith.constant 32 : index
      %get3A_482 = tpu.vector_load %arg6[%get3A_479, %get3A_480, %get3A_481] {strides = array<i32>} : memref<2x8x128xi32, #tpu.memory_space<vmem>>, vector<16xi32>,
      tpu.vector_store_idx %arg10[%get3A_482], %broadcast_in_dim3A_2 {add = true} : memref<10112xf32, #tpu.memory_space<vmem>>[vector<16xi32>], vector<16xf32>,
      %get3A_483 = arith.constant 1 : i32
      %get3A_484 = arith.constant 6 : i32
      %get3A_485 = arith.index_cast %get3A_483 : i32 to index
      %get3A_486 = arith.index_cast %get3A_484 : i32 to index
      %get3A_487 = arith.constant 48 : index
      %get3A_488 = tpu.vector_load %arg6[%get3A_485, %get3A_486, %get3A_487] {strides = array<i32>} : memref<2x8x128xi32, #tpu.memory_space<vmem>>, vector<16xi32>,
      tpu.vector_store_idx %arg10[%get3A_488], %broadcast_in_dim3A_2 {add = true} : memref<10112xf32, #tpu.memory_space<vmem>>[vector<16xi32>], vector<16xf32>,
      %get3A_489 = arith.constant 1 : i32
      %get3A_490 = arith.constant 6 : i32
      %get3A_491 = arith.index_cast %get3A_489 : i32 to index
      %get3A_492 = arith.index_cast %get3A_490 : i32 to index
      %get3A_493 = arith.constant 64 : index
      %get3A_494 = tpu.vector_load %arg6[%get3A_491, %get3A_492, %get3A_493] {strides = array<i32>} : memref<2x8x128xi32, #tpu.memory_space<vmem>>, vector<16xi32>,
      tpu.vector_store_idx %arg10[%get3A_494], %broadcast_in_dim3A_2 {add = true} : memref<10112xf32, #tpu.memory_space<vmem>>[vector<16xi32>], vector<16xf32>,
      %get3A_495 = arith.constant 1 : i32
      %get3A_496 = arith.constant 6 : i32
      %get3A_497 = arith.index_cast %get3A_495 : i32 to index
      %get3A_498 = arith.index_cast %get3A_496 : i32 to index
      %get3A_499 = arith.constant 80 : index
      %get3A_500 = tpu.vector_load %arg6[%get3A_497, %get3A_498, %get3A_499] {strides = array<i32>} : memref<2x8x128xi32, #tpu.memory_space<vmem>>, vector<16xi32>,
      tpu.vector_store_idx %arg10[%get3A_500], %broadcast_in_dim3A_2 {add = true} : memref<10112xf32, #tpu.memory_space<vmem>>[vector<16xi32>], vector<16xf32>,
      %get3A_501 = arith.constant 1 : i32
      %get3A_502 = arith.constant 6 : i32
      %get3A_503 = arith.index_cast %get3A_501 : i32 to index
      %get3A_504 = arith.index_cast %get3A_502 : i32 to index
      %get3A_505 = arith.constant 96 : index
      %get3A_506 = tpu.vector_load %arg6[%get3A_503, %get3A_504, %get3A_505] {strides = array<i32>} : memref<2x8x128xi32, #tpu.memory_space<vmem>>, vector<16xi32>,
      tpu.vector_store_idx %arg10[%get3A_506], %broadcast_in_dim3A_2 {add = true} : memref<10112xf32, #tpu.memory_space<vmem>>[vector<16xi32>], vector<16xf32>,
      %get3A_507 = arith.constant 1 : i32
      %get3A_508 = arith.constant 6 : i32
      %get3A_509 = arith.index_cast %get3A_507 : i32 to index
      %get3A_510 = arith.index_cast %get3A_508 : i32 to index
      %get3A_511 = arith.constant 112 : index
      %get3A_512 = tpu.vector_load %arg6[%get3A_509, %get3A_510, %get3A_511] {strides = array<i32>} : memref<2x8x128xi32, #tpu.memory_space<vmem>>, vector<16xi32>,
      tpu.vector_store_idx %arg10[%get3A_512], %broadcast_in_dim3A_2 {add = true} : memref<10112xf32, #tpu.memory_space<vmem>>[vector<16xi32>], vector<16xf32>,
      %lt3A = arith.constant 19 : i32
      %lt3A_513 = arith.cmpi slt, %add3A_60, %lt3A : i32
      %convert_element_type3A = arith.extui %lt3A_513 : i1 to i32
      %cond3A = arith.constant 0 : i32
      %cond3A_514 = arith.cmpi ne, %convert_element_type3A, %cond3A : i32
      scf.if %cond3A_514 {
        %add3A_1116 = arith.constant 1 : i32
        %add3A_1117 = arith.addi %add3A_60, %add3A_1116 : i32
        %dma_wait3A_1118 = arith.constant 0 : i32
        %dma_wait3A_1119 = arith.constant 0 : i32
        %dma_wait3A_1120 = arith.constant 0 : i32
        %dma_wait3A_1121 = tpu.memref_slice %arg3[%arg0, %arg1, %add3A_1117, %dma_wait3A_1118, %dma_wait3A_1119, %dma_wait3A_1120] : memref<2x16x20x2x8x128xi32, #tpu.memory_space<hbm>> -> memref<1x1x1x2x8x128xi32, #tpu.memory_space<hbm>>
        %dma_wait3A_1122 = tpu.memref_squeeze %dma_wait3A_1121 : memref<1x1x1x2x8x128xi32, #tpu.memory_space<hbm>> -> memref<2x8x128xi32, #tpu.memory_space<hbm>>
        %dma_wait3A_1123 = arith.constant 0 : i32
        %dma_wait3A_1124 = arith.constant 0 : i32
        %dma_wait3A_1125 = arith.constant 0 : i32
        %dma_wait3A_1126 = tpu.memref_slice %arg3[%arg0, %arg1, %add3A_1117, %dma_wait3A_1123, %dma_wait3A_1124, %dma_wait3A_1125] : memref<2x16x20x2x8x128xi32, #tpu.memory_space<hbm>> -> memref<1x1x1x2x8x128xi32, #tpu.memory_space<hbm>>
        %dma_wait3A_1127 = tpu.memref_squeeze %dma_wait3A_1126 : memref<1x1x1x2x8x128xi32, #tpu.memory_space<hbm>> -> memref<2x8x128xi32, #tpu.memory_space<hbm>>
        tpu.wait_dma2 semaphore(%arg15 : memref<!tpu.dma_semaphore, #tpu.memory_space<semaphore_mem>>) src(%dma_wait3A_1127 : memref<2x8x128xi32, #tpu.memory_space<hbm>>) dst(%arg7 : memref<2x8x128xi32, #tpu.memory_space<vmem>>)
        %dma_start3A_1128 = arith.constant 0 : i32
        %dma_start3A_1129 = arith.constant 0 : i32
        %dma_start3A_1130 = arith.constant 0 : i32
        %dma_start3A_1131 = tpu.memref_slice %arg7[%dma_start3A_1128, %dma_start3A_1129, %dma_start3A_1130] : memref<2x8x128xi32, #tpu.memory_space<vmem>> -> memref<1x1x128xi32, #tpu.memory_space<vmem>>
        %dma_start3A_1132 = tpu.memref_squeeze %dma_start3A_1131 : memref<1x1x128xi32, #tpu.memory_space<vmem>> -> memref<128xi32, #tpu.memory_space<vmem>>
        %dma_start3A_1133 = arith.constant 0 : i32
        %dma_start3A_1134 = arith.constant 0 : i32
        %dma_start3A_1135 = tpu.memref_slice %arg2[%dma_start3A_1133, %dma_start3A_1134] : memref<10000x128xf32, #tpu.memory_space<hbm>> -> memref<10000x128xf32, #tpu.memory_space<hbm>>
        tpu.enqueue_indirect_dma source(%dma_start3A_1135 : memref<10000x128xf32, #tpu.memory_space<hbm>>) target(%arg8 : memref<128x128xf32, #tpu.memory_space<vmem>>) offsets(%dma_start3A_1132 : memref<128xi32, #tpu.memory_space<vmem>>) semaphore(%arg12 : memref<!tpu.dma_semaphore, #tpu.memory_space<semaphore_mem>>)
      } else {
      }
      %dma_wait3A_515 = arith.constant 0 : i32
      %dma_wait3A_516 = arith.constant 7 : i32
      %dma_wait3A_517 = arith.constant 0 : i32
      %dma_wait3A_518 = tpu.memref_slice %arg6[%dma_wait3A_515, %dma_wait3A_516, %dma_wait3A_517] : memref<2x8x128xi32, #tpu.memory_space<vmem>> -> memref<1x1x128xi32, #tpu.memory_space<vmem>>
      %dma_wait3A_519 = tpu.memref_squeeze %dma_wait3A_518 : memref<1x1x128xi32, #tpu.memory_space<vmem>> -> memref<128xi32, #tpu.memory_space<vmem>>
      %dma_wait3A_520 = arith.constant 0 : i32
      %dma_wait3A_521 = arith.constant 0 : i32
      %dma_wait3A_522 = tpu.memref_slice %arg2[%dma_wait3A_520, %dma_wait3A_521] : memref<10000x128xf32, #tpu.memory_space<hbm>> -> memref<10000x128xf32, #tpu.memory_space<hbm>>
      tpu.wait_indirect_dma semaphore(%arg13 : memref<!tpu.dma_semaphore, #tpu.memory_space<semaphore_mem>>) src(%dma_wait3A_522 : memref<10000x128xf32, #tpu.memory_space<hbm>>) dst(%arg9 : memref<128x128xf32, #tpu.memory_space<vmem>>)
      %run_scoped3A_523 = arith.constant 1 : i32
      %run_scoped3A_524 = arith.constant 7 : i32
      "tpu.region"() ({
        %run_scoped3A_1116 = tpu.sem_alloc : memref<!tpu.dma_semaphore, #tpu.memory_space<semaphore_mem>>
        %dma_start3A_1117 = arith.constant 0 : i32
        %dma_start3A_1118 = tpu.memref_slice %arg6[%run_scoped3A_523, %run_scoped3A_524, %dma_start3A_1117] : memref<2x8x128xi32, #tpu.memory_space<vmem>> -> memref<1x1x128xi32, #tpu.memory_space<vmem>>
        %dma_start3A_1119 = tpu.memref_squeeze %dma_start3A_1118 : memref<1x1x128xi32, #tpu.memory_space<vmem>> -> memref<128xi32, #tpu.memory_space<vmem>>
        %dma_start3A_1120 = arith.constant 0 : i32
        %dma_start3A_1121 = arith.constant 0 : i32
        %dma_start3A_1122 = tpu.memref_slice %arg11[%dma_start3A_1120, %dma_start3A_1121] : memref<10240x128xf32, #tpu.memory_space<vmem_shared>> -> memref<10240x128xf32, #tpu.memory_space<vmem_shared>>
        tpu.enqueue_indirect_dma source(%arg9 : memref<128x128xf32, #tpu.memory_space<vmem>>) target(%dma_start3A_1122 : memref<10240x128xf32, #tpu.memory_space<vmem_shared>>) offsets(%dma_start3A_1119 : memref<128xi32, #tpu.memory_space<vmem>>) semaphore(%run_scoped3A_1116 : memref<!tpu.dma_semaphore, #tpu.memory_space<semaphore_mem>>) {add = true}
        %dma_wait3A_1123 = arith.constant 0 : i32
        %dma_wait3A_1124 = tpu.memref_slice %arg6[%run_scoped3A_523, %run_scoped3A_524, %dma_wait3A_1123] : memref<2x8x128xi32, #tpu.memory_space<vmem>> -> memref<1x1x128xi32, #tpu.memory_space<vmem>>
        %dma_wait3A_1125 = tpu.memref_squeeze %dma_wait3A_1124 : memref<1x1x128xi32, #tpu.memory_space<vmem>> -> memref<128xi32, #tpu.memory_space<vmem>>
        %dma_wait3A_1126 = arith.constant 0 : i32
        %dma_wait3A_1127 = arith.constant 0 : i32
        %dma_wait3A_1128 = tpu.memref_slice %arg11[%dma_wait3A_1126, %dma_wait3A_1127] : memref<10240x128xf32, #tpu.memory_space<vmem_shared>> -> memref<10240x128xf32, #tpu.memory_space<vmem_shared>>
        tpu.wait_indirect_dma semaphore(%run_scoped3A_1116 : memref<!tpu.dma_semaphore, #tpu.memory_space<semaphore_mem>>) src(%arg9 : memref<128x128xf32, #tpu.memory_space<vmem>>) dst(%dma_wait3A_1128 : memref<10240x128xf32, #tpu.memory_space<vmem_shared>>)
        tpu.yield
      }) : () -> ()
      %get3A_525 = arith.constant 1 : i32
      %get3A_526 = arith.constant 7 : i32
      %get3A_527 = arith.index_cast %get3A_525 : i32 to index
      %get3A_528 = arith.index_cast %get3A_526 : i32 to index
      %get3A_529 = arith.constant 0 : index
      %get3A_530 = tpu.vector_load %arg6[%get3A_527, %get3A_528, %get3A_529] {strides = array<i32>} : memref<2x8x128xi32, #tpu.memory_space<vmem>>, vector<16xi32>,
      tpu.vector_store_idx %arg10[%get3A_530], %broadcast_in_dim3A_2 {add = true} : memref<10112xf32, #tpu.memory_space<vmem>>[vector<16xi32>], vector<16xf32>,
      %get3A_531 = arith.constant 1 : i32
      %get3A_532 = arith.constant 7 : i32
      %get3A_533 = arith.index_cast %get3A_531 : i32 to index
      %get3A_534 = arith.index_cast %get3A_532 : i32 to index
      %get3A_535 = arith.constant 16 : index
      %get3A_536 = tpu.vector_load %arg6[%get3A_533, %get3A_534, %get3A_535] {strides = array<i32>} : memref<2x8x128xi32, #tpu.memory_space<vmem>>, vector<16xi32>,
      tpu.vector_store_idx %arg10[%get3A_536], %broadcast_in_dim3A_2 {add = true} : memref<10112xf32, #tpu.memory_space<vmem>>[vector<16xi32>], vector<16xf32>,
      %get3A_537 = arith.constant 1 : i32
      %get3A_538 = arith.constant 7 : i32
      %get3A_539 = arith.index_cast %get3A_537 : i32 to index
      %get3A_540 = arith.index_cast %get3A_538 : i32 to index
      %get3A_541 = arith.constant 32 : index
      %get3A_542 = tpu.vector_load %arg6[%get3A_539, %get3A_540, %get3A_541] {strides = array<i32>} : memref<2x8x128xi32, #tpu.memory_space<vmem>>, vector<16xi32>,
      tpu.vector_store_idx %arg10[%get3A_542], %broadcast_in_dim3A_2 {add = true} : memref<10112xf32, #tpu.memory_space<vmem>>[vector<16xi32>], vector<16xf32>,
      %get3A_543 = arith.constant 1 : i32
      %get3A_544 = arith.constant 7 : i32
      %get3A_545 = arith.index_cast %get3A_543 : i32 to index
      %get3A_546 = arith.index_cast %get3A_544 : i32 to index
      %get3A_547 = arith.constant 48 : index
      %get3A_548 = tpu.vector_load %arg6[%get3A_545, %get3A_546, %get3A_547] {strides = array<i32>} : memref<2x8x128xi32, #tpu.memory_space<vmem>>, vector<16xi32>,
      tpu.vector_store_idx %arg10[%get3A_548], %broadcast_in_dim3A_2 {add = true} : memref<10112xf32, #tpu.memory_space<vmem>>[vector<16xi32>], vector<16xf32>,
      %get3A_549 = arith.constant 1 : i32
      %get3A_550 = arith.constant 7 : i32
      %get3A_551 = arith.index_cast %get3A_549 : i32 to index
      %get3A_552 = arith.index_cast %get3A_550 : i32 to index
      %get3A_553 = arith.constant 64 : index
      %get3A_554 = tpu.vector_load %arg6[%get3A_551, %get3A_552, %get3A_553] {strides = array<i32>} : memref<2x8x128xi32, #tpu.memory_space<vmem>>, vector<16xi32>,
      tpu.vector_store_idx %arg10[%get3A_554], %broadcast_in_dim3A_2 {add = true} : memref<10112xf32, #tpu.memory_space<vmem>>[vector<16xi32>], vector<16xf32>,
      %get3A_555 = arith.constant 1 : i32
      %get3A_556 = arith.constant 7 : i32
      %get3A_557 = arith.index_cast %get3A_555 : i32 to index
      %get3A_558 = arith.index_cast %get3A_556 : i32 to index
      %get3A_559 = arith.constant 80 : index
      %get3A_560 = tpu.vector_load %arg6[%get3A_557, %get3A_558, %get3A_559] {strides = array<i32>} : memref<2x8x128xi32, #tpu.memory_space<vmem>>, vector<16xi32>,
      tpu.vector_store_idx %arg10[%get3A_560], %broadcast_in_dim3A_2 {add = true} : memref<10112xf32, #tpu.memory_space<vmem>>[vector<16xi32>], vector<16xf32>,
      %get3A_561 = arith.constant 1 : i32
      %get3A_562 = arith.constant 7 : i32
      %get3A_563 = arith.index_cast %get3A_561 : i32 to index
      %get3A_564 = arith.index_cast %get3A_562 : i32 to index
      %get3A_565 = arith.constant 96 : index
      %get3A_566 = tpu.vector_load %arg6[%get3A_563, %get3A_564, %get3A_565] {strides = array<i32>} : memref<2x8x128xi32, #tpu.memory_space<vmem>>, vector<16xi32>,
      tpu.vector_store_idx %arg10[%get3A_566], %broadcast_in_dim3A_2 {add = true} : memref<10112xf32, #tpu.memory_space<vmem>>[vector<16xi32>], vector<16xf32>,
      %get3A_567 = arith.constant 1 : i32
      %get3A_568 = arith.constant 7 : i32
      %get3A_569 = arith.index_cast %get3A_567 : i32 to index
      %get3A_570 = arith.index_cast %get3A_568 : i32 to index
      %get3A_571 = arith.constant 112 : index
      %get3A_572 = tpu.vector_load %arg6[%get3A_569, %get3A_570, %get3A_571] {strides = array<i32>} : memref<2x8x128xi32, #tpu.memory_space<vmem>>, vector<16xi32>,
      tpu.vector_store_idx %arg10[%get3A_572], %broadcast_in_dim3A_2 {add = true} : memref<10112xf32, #tpu.memory_space<vmem>>[vector<16xi32>], vector<16xf32>,
      %lt3A_573 = arith.constant 19 : i32
      %lt3A_574 = arith.cmpi slt, %add3A_60, %lt3A_573 : i32
      %convert_element_type3A_575 = arith.extui %lt3A_574 : i1 to i32
      %cond3A_576 = arith.constant 0 : i32
      %cond3A_577 = arith.cmpi ne, %convert_element_type3A_575, %cond3A_576 : i32
      scf.if %cond3A_577 {
        %dma_start3A_1116 = arith.constant 0 : i32
        %dma_start3A_1117 = arith.constant 1 : i32
        %dma_start3A_1118 = arith.constant 0 : i32
        %dma_start3A_1119 = tpu.memref_slice %arg7[%dma_start3A_1116, %dma_start3A_1117, %dma_start3A_1118] : memref<2x8x128xi32, #tpu.memory_space<vmem>> -> memref<1x1x128xi32, #tpu.memory_space<vmem>>
        %dma_start3A_1120 = tpu.memref_squeeze %dma_start3A_1119 : memref<1x1x128xi32, #tpu.memory_space<vmem>> -> memref<128xi32, #tpu.memory_space<vmem>>
        %dma_start3A_1121 = arith.constant 0 : i32
        %dma_start3A_1122 = arith.constant 0 : i32
        %dma_start3A_1123 = tpu.memref_slice %arg2[%dma_start3A_1121, %dma_start3A_1122] : memref<10000x128xf32, #tpu.memory_space<hbm>> -> memref<10000x128xf32, #tpu.memory_space<hbm>>
        tpu.enqueue_indirect_dma source(%dma_start3A_1123 : memref<10000x128xf32, #tpu.memory_space<hbm>>) target(%arg9 : memref<128x128xf32, #tpu.memory_space<vmem>>) offsets(%dma_start3A_1120 : memref<128xi32, #tpu.memory_space<vmem>>) semaphore(%arg13 : memref<!tpu.dma_semaphore, #tpu.memory_space<semaphore_mem>>)
      } else {
      }
      %add3A_578 = arith.constant 2 : i32
      %add3A_579 = arith.addi %add3A_60, %add3A_578 : i32
      %lt3A_580 = arith.constant 20 : i32
      %lt3A_581 = arith.cmpi slt, %add3A_579, %lt3A_580 : i32
      %convert_element_type3A_582 = arith.extui %lt3A_581 : i1 to i32
      %cond3A_583 = arith.constant 0 : i32
      %cond3A_584 = arith.cmpi ne, %convert_element_type3A_582, %cond3A_583 : i32
      scf.if %cond3A_584 {
        %add3A_1116 = arith.constant 2 : i32
        %add3A_1117 = arith.addi %add3A_60, %add3A_1116 : i32
        %dma_start3A_1118 = arith.constant 0 : i32
        %dma_start3A_1119 = arith.constant 0 : i32
        %dma_start3A_1120 = arith.constant 0 : i32
        %dma_start3A_1121 = tpu.memref_slice %arg3[%arg0, %arg1, %add3A_1117, %dma_start3A_1118, %dma_start3A_1119, %dma_start3A_1120] : memref<2x16x20x2x8x128xi32, #tpu.memory_space<hbm>> -> memref<1x1x1x2x8x128xi32, #tpu.memory_space<hbm>>
        %dma_start3A_1122 = tpu.memref_squeeze %dma_start3A_1121 : memref<1x1x1x2x8x128xi32, #tpu.memory_space<hbm>> -> memref<2x8x128xi32, #tpu.memory_space<hbm>>
        %dma_start3A_1123 = arith.constant 0 : i32
        %dma_start3A_1124 = arith.constant 0 : i32
        %dma_start3A_1125 = arith.constant 0 : i32
        %dma_start3A_1126 = tpu.memref_slice %arg3[%arg0, %arg1, %add3A_1117, %dma_start3A_1123, %dma_start3A_1124, %dma_start3A_1125] : memref<2x16x20x2x8x128xi32, #tpu.memory_space<hbm>> -> memref<1x1x1x2x8x128xi32, #tpu.memory_space<hbm>>
        %dma_start3A_1127 = tpu.memref_squeeze %dma_start3A_1126 : memref<1x1x1x2x8x128xi32, #tpu.memory_space<hbm>> -> memref<2x8x128xi32, #tpu.memory_space<hbm>>
        tpu.enqueue_dma source(%dma_start3A_1127 : memref<2x8x128xi32, #tpu.memory_space<hbm>>) target(%arg6 : memref<2x8x128xi32, #tpu.memory_space<vmem>>) target_semaphore(%arg14 : memref<!tpu.dma_semaphore, #tpu.memory_space<semaphore_mem>>)
      } else {
      }
      %add3A_585 = arith.constant 1 : i32
      %add3A_586 = arith.addi %add3A_58, %add3A_585 : i32
      %dma_wait3A_587 = arith.constant 0 : i32
      %dma_wait3A_588 = arith.constant 0 : i32
      %dma_wait3A_589 = arith.constant 0 : i32
      %dma_wait3A_590 = tpu.memref_slice %arg7[%dma_wait3A_587, %dma_wait3A_588, %dma_wait3A_589] : memref<2x8x128xi32, #tpu.memory_space<vmem>> -> memref<1x1x128xi32, #tpu.memory_space<vmem>>
      %dma_wait3A_591 = tpu.memref_squeeze %dma_wait3A_590 : memref<1x1x128xi32, #tpu.memory_space<vmem>> -> memref<128xi32, #tpu.memory_space<vmem>>
      %dma_wait3A_592 = arith.constant 0 : i32
      %dma_wait3A_593 = arith.constant 0 : i32
      %dma_wait3A_594 = tpu.memref_slice %arg2[%dma_wait3A_592, %dma_wait3A_593] : memref<10000x128xf32, #tpu.memory_space<hbm>> -> memref<10000x128xf32, #tpu.memory_space<hbm>>
      tpu.wait_indirect_dma semaphore(%arg12 : memref<!tpu.dma_semaphore, #tpu.memory_space<semaphore_mem>>) src(%dma_wait3A_594 : memref<10000x128xf32, #tpu.memory_space<hbm>>) dst(%arg8 : memref<128x128xf32, #tpu.memory_space<vmem>>)
      %run_scoped3A_595 = arith.constant 1 : i32
      %run_scoped3A_596 = arith.constant 0 : i32
      "tpu.region"() ({
        %run_scoped3A_1116 = tpu.sem_alloc : memref<!tpu.dma_semaphore, #tpu.memory_space<semaphore_mem>>
        %dma_start3A_1117 = arith.constant 0 : i32
        %dma_start3A_1118 = tpu.memref_slice %arg7[%run_scoped3A_595, %run_scoped3A_596, %dma_start3A_1117] : memref<2x8x128xi32, #tpu.memory_space<vmem>> -> memref<1x1x128xi32, #tpu.memory_space<vmem>>
        %dma_start3A_1119 = tpu.memref_squeeze %dma_start3A_1118 : memref<1x1x128xi32, #tpu.memory_space<vmem>> -> memref<128xi32, #tpu.memory_space<vmem>>
        %dma_start3A_1120 = arith.constant 0 : i32
        %dma_start3A_1121 = arith.constant 0 : i32
        %dma_start3A_1122 = tpu.memref_slice %arg11[%dma_start3A_1120, %dma_start3A_1121] : memref<10240x128xf32, #tpu.memory_space<vmem_shared>> -> memref<10240x128xf32, #tpu.memory_space<vmem_shared>>
        tpu.enqueue_indirect_dma source(%arg8 : memref<128x128xf32, #tpu.memory_space<vmem>>) target(%dma_start3A_1122 : memref<10240x128xf32, #tpu.memory_space<vmem_shared>>) offsets(%dma_start3A_1119 : memref<128xi32, #tpu.memory_space<vmem>>) semaphore(%run_scoped3A_1116 : memref<!tpu.dma_semaphore, #tpu.memory_space<semaphore_mem>>) {add = true}
        %dma_wait3A_1123 = arith.constant 0 : i32
        %dma_wait3A_1124 = tpu.memref_slice %arg7[%run_scoped3A_595, %run_scoped3A_596, %dma_wait3A_1123] : memref<2x8x128xi32, #tpu.memory_space<vmem>> -> memref<1x1x128xi32, #tpu.memory_space<vmem>>
        %dma_wait3A_1125 = tpu.memref_squeeze %dma_wait3A_1124 : memref<1x1x128xi32, #tpu.memory_space<vmem>> -> memref<128xi32, #tpu.memory_space<vmem>>
        %dma_wait3A_1126 = arith.constant 0 : i32
        %dma_wait3A_1127 = arith.constant 0 : i32
        %dma_wait3A_1128 = tpu.memref_slice %arg11[%dma_wait3A_1126, %dma_wait3A_1127] : memref<10240x128xf32, #tpu.memory_space<vmem_shared>> -> memref<10240x128xf32, #tpu.memory_space<vmem_shared>>
        tpu.wait_indirect_dma semaphore(%run_scoped3A_1116 : memref<!tpu.dma_semaphore, #tpu.memory_space<semaphore_mem>>) src(%arg8 : memref<128x128xf32, #tpu.memory_space<vmem>>) dst(%dma_wait3A_1128 : memref<10240x128xf32, #tpu.memory_space<vmem_shared>>)
        tpu.yield
      }) : () -> ()
      %get3A_597 = arith.constant 1 : i32
      %get3A_598 = arith.constant 0 : i32
      %get3A_599 = arith.index_cast %get3A_597 : i32 to index
      %get3A_600 = arith.index_cast %get3A_598 : i32 to index
      %get3A_601 = arith.constant 0 : index
      %get3A_602 = tpu.vector_load %arg7[%get3A_599, %get3A_600, %get3A_601] {strides = array<i32>} : memref<2x8x128xi32, #tpu.memory_space<vmem>>, vector<16xi32>,
      tpu.vector_store_idx %arg10[%get3A_602], %broadcast_in_dim3A_2 {add = true} : memref<10112xf32, #tpu.memory_space<vmem>>[vector<16xi32>], vector<16xf32>,
      %get3A_603 = arith.constant 1 : i32
      %get3A_604 = arith.constant 0 : i32
      %get3A_605 = arith.index_cast %get3A_603 : i32 to index
      %get3A_606 = arith.index_cast %get3A_604 : i32 to index
      %get3A_607 = arith.constant 16 : index
      %get3A_608 = tpu.vector_load %arg7[%get3A_605, %get3A_606, %get3A_607] {strides = array<i32>} : memref<2x8x128xi32, #tpu.memory_space<vmem>>, vector<16xi32>,
      tpu.vector_store_idx %arg10[%get3A_608], %broadcast_in_dim3A_2 {add = true} : memref<10112xf32, #tpu.memory_space<vmem>>[vector<16xi32>], vector<16xf32>,
      %get3A_609 = arith.constant 1 : i32
      %get3A_610 = arith.constant 0 : i32
      %get3A_611 = arith.index_cast %get3A_609 : i32 to index
      %get3A_612 = arith.index_cast %get3A_610 : i32 to index
      %get3A_613 = arith.constant 32 : index
      %get3A_614 = tpu.vector_load %arg7[%get3A_611, %get3A_612, %get3A_613] {strides = array<i32>} : memref<2x8x128xi32, #tpu.memory_space<vmem>>, vector<16xi32>,
      tpu.vector_store_idx %arg10[%get3A_614], %broadcast_in_dim3A_2 {add = true} : memref<10112xf32, #tpu.memory_space<vmem>>[vector<16xi32>], vector<16xf32>,
      %get3A_615 = arith.constant 1 : i32
      %get3A_616 = arith.constant 0 : i32
      %get3A_617 = arith.index_cast %get3A_615 : i32 to index
      %get3A_618 = arith.index_cast %get3A_616 : i32 to index
      %get3A_619 = arith.constant 48 : index
      %get3A_620 = tpu.vector_load %arg7[%get3A_617, %get3A_618, %get3A_619] {strides = array<i32>} : memref<2x8x128xi32, #tpu.memory_space<vmem>>, vector<16xi32>,
      tpu.vector_store_idx %arg10[%get3A_620], %broadcast_in_dim3A_2 {add = true} : memref<10112xf32, #tpu.memory_space<vmem>>[vector<16xi32>], vector<16xf32>,
      %get3A_621 = arith.constant 1 : i32
      %get3A_622 = arith.constant 0 : i32
      %get3A_623 = arith.index_cast %get3A_621 : i32 to index
      %get3A_624 = arith.index_cast %get3A_622 : i32 to index
      %get3A_625 = arith.constant 64 : index
      %get3A_626 = tpu.vector_load %arg7[%get3A_623, %get3A_624, %get3A_625] {strides = array<i32>} : memref<2x8x128xi32, #tpu.memory_space<vmem>>, vector<16xi32>,
      tpu.vector_store_idx %arg10[%get3A_626], %broadcast_in_dim3A_2 {add = true} : memref<10112xf32, #tpu.memory_space<vmem>>[vector<16xi32>], vector<16xf32>,
      %get3A_627 = arith.constant 1 : i32
      %get3A_628 = arith.constant 0 : i32
      %get3A_629 = arith.index_cast %get3A_627 : i32 to index
      %get3A_630 = arith.index_cast %get3A_628 : i32 to index
      %get3A_631 = arith.constant 80 : index
      %get3A_632 = tpu.vector_load %arg7[%get3A_629, %get3A_630, %get3A_631] {strides = array<i32>} : memref<2x8x128xi32, #tpu.memory_space<vmem>>, vector<16xi32>,
      tpu.vector_store_idx %arg10[%get3A_632], %broadcast_in_dim3A_2 {add = true} : memref<10112xf32, #tpu.memory_space<vmem>>[vector<16xi32>], vector<16xf32>,
      %get3A_633 = arith.constant 1 : i32
      %get3A_634 = arith.constant 0 : i32
      %get3A_635 = arith.index_cast %get3A_633 : i32 to index
      %get3A_636 = arith.index_cast %get3A_634 : i32 to index
      %get3A_637 = arith.constant 96 : index
      %get3A_638 = tpu.vector_load %arg7[%get3A_635, %get3A_636, %get3A_637] {strides = array<i32>} : memref<2x8x128xi32, #tpu.memory_space<vmem>>, vector<16xi32>,
      tpu.vector_store_idx %arg10[%get3A_638], %broadcast_in_dim3A_2 {add = true} : memref<10112xf32, #tpu.memory_space<vmem>>[vector<16xi32>], vector<16xf32>,
      %get3A_639 = arith.constant 1 : i32
      %get3A_640 = arith.constant 0 : i32
      %get3A_641 = arith.index_cast %get3A_639 : i32 to index
      %get3A_642 = arith.index_cast %get3A_640 : i32 to index
      %get3A_643 = arith.constant 112 : index
      %get3A_644 = tpu.vector_load %arg7[%get3A_641, %get3A_642, %get3A_643] {strides = array<i32>} : memref<2x8x128xi32, #tpu.memory_space<vmem>>, vector<16xi32>,
      tpu.vector_store_idx %arg10[%get3A_644], %broadcast_in_dim3A_2 {add = true} : memref<10112xf32, #tpu.memory_space<vmem>>[vector<16xi32>], vector<16xf32>,
      %dma_start3A_645 = arith.constant 0 : i32
      %dma_start3A_646 = arith.constant 2 : i32
      %dma_start3A_647 = arith.constant 0 : i32
      %dma_start3A_648 = tpu.memref_slice %arg7[%dma_start3A_645, %dma_start3A_646, %dma_start3A_647] : memref<2x8x128xi32, #tpu.memory_space<vmem>> -> memref<1x1x128xi32, #tpu.memory_space<vmem>>
      %dma_start3A_649 = tpu.memref_squeeze %dma_start3A_648 : memref<1x1x128xi32, #tpu.memory_space<vmem>> -> memref<128xi32, #tpu.memory_space<vmem>>
      %dma_start3A_650 = arith.constant 0 : i32
      %dma_start3A_651 = arith.constant 0 : i32
      %dma_start3A_652 = tpu.memref_slice %arg2[%dma_start3A_650, %dma_start3A_651] : memref<10000x128xf32, #tpu.memory_space<hbm>> -> memref<10000x128xf32, #tpu.memory_space<hbm>>
      tpu.enqueue_indirect_dma source(%dma_start3A_652 : memref<10000x128xf32, #tpu.memory_space<hbm>>) target(%arg8 : memref<128x128xf32, #tpu.memory_space<vmem>>) offsets(%dma_start3A_649 : memref<128xi32, #tpu.memory_space<vmem>>) semaphore(%arg12 : memref<!tpu.dma_semaphore, #tpu.memory_space<semaphore_mem>>)
      %dma_wait3A_653 = arith.constant 0 : i32
      %dma_wait3A_654 = arith.constant 1 : i32
      %dma_wait3A_655 = arith.constant 0 : i32
      %dma_wait3A_656 = tpu.memref_slice %arg7[%dma_wait3A_653, %dma_wait3A_654, %dma_wait3A_655] : memref<2x8x128xi32, #tpu.memory_space<vmem>> -> memref<1x1x128xi32, #tpu.memory_space<vmem>>
      %dma_wait3A_657 = tpu.memref_squeeze %dma_wait3A_656 : memref<1x1x128xi32, #tpu.memory_space<vmem>> -> memref<128xi32, #tpu.memory_space<vmem>>
      %dma_wait3A_658 = arith.constant 0 : i32
      %dma_wait3A_659 = arith.constant 0 : i32
      %dma_wait3A_660 = tpu.memref_slice %arg2[%dma_wait3A_658, %dma_wait3A_659] : memref<10000x128xf32, #tpu.memory_space<hbm>> -> memref<10000x128xf32, #tpu.memory_space<hbm>>
      tpu.wait_indirect_dma semaphore(%arg13 : memref<!tpu.dma_semaphore, #tpu.memory_space<semaphore_mem>>) src(%dma_wait3A_660 : memref<10000x128xf32, #tpu.memory_space<hbm>>) dst(%arg9 : memref<128x128xf32, #tpu.memory_space<vmem>>)
      %run_scoped3A_661 = arith.constant 1 : i32
      %run_scoped3A_662 = arith.constant 1 : i32
      "tpu.region"() ({
        %run_scoped3A_1116 = tpu.sem_alloc : memref<!tpu.dma_semaphore, #tpu.memory_space<semaphore_mem>>
        %dma_start3A_1117 = arith.constant 0 : i32
        %dma_start3A_1118 = tpu.memref_slice %arg7[%run_scoped3A_661, %run_scoped3A_662, %dma_start3A_1117] : memref<2x8x128xi32, #tpu.memory_space<vmem>> -> memref<1x1x128xi32, #tpu.memory_space<vmem>>
        %dma_start3A_1119 = tpu.memref_squeeze %dma_start3A_1118 : memref<1x1x128xi32, #tpu.memory_space<vmem>> -> memref<128xi32, #tpu.memory_space<vmem>>
        %dma_start3A_1120 = arith.constant 0 : i32
        %dma_start3A_1121 = arith.constant 0 : i32
        %dma_start3A_1122 = tpu.memref_slice %arg11[%dma_start3A_1120, %dma_start3A_1121] : memref<10240x128xf32, #tpu.memory_space<vmem_shared>> -> memref<10240x128xf32, #tpu.memory_space<vmem_shared>>
        tpu.enqueue_indirect_dma source(%arg9 : memref<128x128xf32, #tpu.memory_space<vmem>>) target(%dma_start3A_1122 : memref<10240x128xf32, #tpu.memory_space<vmem_shared>>) offsets(%dma_start3A_1119 : memref<128xi32, #tpu.memory_space<vmem>>) semaphore(%run_scoped3A_1116 : memref<!tpu.dma_semaphore, #tpu.memory_space<semaphore_mem>>) {add = true}
        %dma_wait3A_1123 = arith.constant 0 : i32
        %dma_wait3A_1124 = tpu.memref_slice %arg7[%run_scoped3A_661, %run_scoped3A_662, %dma_wait3A_1123] : memref<2x8x128xi32, #tpu.memory_space<vmem>> -> memref<1x1x128xi32, #tpu.memory_space<vmem>>
        %dma_wait3A_1125 = tpu.memref_squeeze %dma_wait3A_1124 : memref<1x1x128xi32, #tpu.memory_space<vmem>> -> memref<128xi32, #tpu.memory_space<vmem>>
        %dma_wait3A_1126 = arith.constant 0 : i32
        %dma_wait3A_1127 = arith.constant 0 : i32
        %dma_wait3A_1128 = tpu.memref_slice %arg11[%dma_wait3A_1126, %dma_wait3A_1127] : memref<10240x128xf32, #tpu.memory_space<vmem_shared>> -> memref<10240x128xf32, #tpu.memory_space<vmem_shared>>
        tpu.wait_indirect_dma semaphore(%run_scoped3A_1116 : memref<!tpu.dma_semaphore, #tpu.memory_space<semaphore_mem>>) src(%arg9 : memref<128x128xf32, #tpu.memory_space<vmem>>) dst(%dma_wait3A_1128 : memref<10240x128xf32, #tpu.memory_space<vmem_shared>>)
        tpu.yield
      }) : () -> ()
      %get3A_663 = arith.constant 1 : i32
      %get3A_664 = arith.constant 1 : i32
      %get3A_665 = arith.index_cast %get3A_663 : i32 to index
      %get3A_666 = arith.index_cast %get3A_664 : i32 to index
      %get3A_667 = arith.constant 0 : index
      %get3A_668 = tpu.vector_load %arg7[%get3A_665, %get3A_666, %get3A_667] {strides = array<i32>} : memref<2x8x128xi32, #tpu.memory_space<vmem>>, vector<16xi32>,
      tpu.vector_store_idx %arg10[%get3A_668], %broadcast_in_dim3A_2 {add = true} : memref<10112xf32, #tpu.memory_space<vmem>>[vector<16xi32>], vector<16xf32>,
      %get3A_669 = arith.constant 1 : i32
      %get3A_670 = arith.constant 1 : i32
      %get3A_671 = arith.index_cast %get3A_669 : i32 to index
      %get3A_672 = arith.index_cast %get3A_670 : i32 to index
      %get3A_673 = arith.constant 16 : index
      %get3A_674 = tpu.vector_load %arg7[%get3A_671, %get3A_672, %get3A_673] {strides = array<i32>} : memref<2x8x128xi32, #tpu.memory_space<vmem>>, vector<16xi32>,
      tpu.vector_store_idx %arg10[%get3A_674], %broadcast_in_dim3A_2 {add = true} : memref<10112xf32, #tpu.memory_space<vmem>>[vector<16xi32>], vector<16xf32>,
      %get3A_675 = arith.constant 1 : i32
      %get3A_676 = arith.constant 1 : i32
      %get3A_677 = arith.index_cast %get3A_675 : i32 to index
      %get3A_678 = arith.index_cast %get3A_676 : i32 to index
      %get3A_679 = arith.constant 32 : index
      %get3A_680 = tpu.vector_load %arg7[%get3A_677, %get3A_678, %get3A_679] {strides = array<i32>} : memref<2x8x128xi32, #tpu.memory_space<vmem>>, vector<16xi32>,
      tpu.vector_store_idx %arg10[%get3A_680], %broadcast_in_dim3A_2 {add = true} : memref<10112xf32, #tpu.memory_space<vmem>>[vector<16xi32>], vector<16xf32>,
      %get3A_681 = arith.constant 1 : i32
      %get3A_682 = arith.constant 1 : i32
      %get3A_683 = arith.index_cast %get3A_681 : i32 to index
      %get3A_684 = arith.index_cast %get3A_682 : i32 to index
      %get3A_685 = arith.constant 48 : index
      %get3A_686 = tpu.vector_load %arg7[%get3A_683, %get3A_684, %get3A_685] {strides = array<i32>} : memref<2x8x128xi32, #tpu.memory_space<vmem>>, vector<16xi32>,
      tpu.vector_store_idx %arg10[%get3A_686], %broadcast_in_dim3A_2 {add = true} : memref<10112xf32, #tpu.memory_space<vmem>>[vector<16xi32>], vector<16xf32>,
      %get3A_687 = arith.constant 1 : i32
      %get3A_688 = arith.constant 1 : i32
      %get3A_689 = arith.index_cast %get3A_687 : i32 to index
      %get3A_690 = arith.index_cast %get3A_688 : i32 to index
      %get3A_691 = arith.constant 64 : index
      %get3A_692 = tpu.vector_load %arg7[%get3A_689, %get3A_690, %get3A_691] {strides = array<i32>} : memref<2x8x128xi32, #tpu.memory_space<vmem>>, vector<16xi32>,
      tpu.vector_store_idx %arg10[%get3A_692], %broadcast_in_dim3A_2 {add = true} : memref<10112xf32, #tpu.memory_space<vmem>>[vector<16xi32>], vector<16xf32>,
      %get3A_693 = arith.constant 1 : i32
      %get3A_694 = arith.constant 1 : i32
      %get3A_695 = arith.index_cast %get3A_693 : i32 to index
      %get3A_696 = arith.index_cast %get3A_694 : i32 to index
      %get3A_697 = arith.constant 80 : index
      %get3A_698 = tpu.vector_load %arg7[%get3A_695, %get3A_696, %get3A_697] {strides = array<i32>} : memref<2x8x128xi32, #tpu.memory_space<vmem>>, vector<16xi32>,
      tpu.vector_store_idx %arg10[%get3A_698], %broadcast_in_dim3A_2 {add = true} : memref<10112xf32, #tpu.memory_space<vmem>>[vector<16xi32>], vector<16xf32>,
      %get3A_699 = arith.constant 1 : i32
      %get3A_700 = arith.constant 1 : i32
      %get3A_701 = arith.index_cast %get3A_699 : i32 to index
      %get3A_702 = arith.index_cast %get3A_700 : i32 to index
      %get3A_703 = arith.constant 96 : index
      %get3A_704 = tpu.vector_load %arg7[%get3A_701, %get3A_702, %get3A_703] {strides = array<i32>} : memref<2x8x128xi32, #tpu.memory_space<vmem>>, vector<16xi32>,
      tpu.vector_store_idx %arg10[%get3A_704], %broadcast_in_dim3A_2 {add = true} : memref<10112xf32, #tpu.memory_space<vmem>>[vector<16xi32>], vector<16xf32>,
      %get3A_705 = arith.constant 1 : i32
      %get3A_706 = arith.constant 1 : i32
      %get3A_707 = arith.index_cast %get3A_705 : i32 to index
      %get3A_708 = arith.index_cast %get3A_706 : i32 to index
      %get3A_709 = arith.constant 112 : index
      %get3A_710 = tpu.vector_load %arg7[%get3A_707, %get3A_708, %get3A_709] {strides = array<i32>} : memref<2x8x128xi32, #tpu.memory_space<vmem>>, vector<16xi32>,
      tpu.vector_store_idx %arg10[%get3A_710], %broadcast_in_dim3A_2 {add = true} : memref<10112xf32, #tpu.memory_space<vmem>>[vector<16xi32>], vector<16xf32>,
      %dma_start3A_711 = arith.constant 0 : i32
      %dma_start3A_712 = arith.constant 3 : i32
      %dma_start3A_713 = arith.constant 0 : i32
      %dma_start3A_714 = tpu.memref_slice %arg7[%dma_start3A_711, %dma_start3A_712, %dma_start3A_713] : memref<2x8x128xi32, #tpu.memory_space<vmem>> -> memref<1x1x128xi32, #tpu.memory_space<vmem>>
      %dma_start3A_715 = tpu.memref_squeeze %dma_start3A_714 : memref<1x1x128xi32, #tpu.memory_space<vmem>> -> memref<128xi32, #tpu.memory_space<vmem>>
      %dma_start3A_716 = arith.constant 0 : i32
      %dma_start3A_717 = arith.constant 0 : i32
      %dma_start3A_718 = tpu.memref_slice %arg2[%dma_start3A_716, %dma_start3A_717] : memref<10000x128xf32, #tpu.memory_space<hbm>> -> memref<10000x128xf32, #tpu.memory_space<hbm>>
      tpu.enqueue_indirect_dma source(%dma_start3A_718 : memref<10000x128xf32, #tpu.memory_space<hbm>>) target(%arg9 : memref<128x128xf32, #tpu.memory_space<vmem>>) offsets(%dma_start3A_715 : memref<128xi32, #tpu.memory_space<vmem>>) semaphore(%arg13 : memref<!tpu.dma_semaphore, #tpu.memory_space<semaphore_mem>>)
      %dma_wait3A_719 = arith.constant 0 : i32
      %dma_wait3A_720 = arith.constant 2 : i32
      %dma_wait3A_721 = arith.constant 0 : i32
      %dma_wait3A_722 = tpu.memref_slice %arg7[%dma_wait3A_719, %dma_wait3A_720, %dma_wait3A_721] : memref<2x8x128xi32, #tpu.memory_space<vmem>> -> memref<1x1x128xi32, #tpu.memory_space<vmem>>
      %dma_wait3A_723 = tpu.memref_squeeze %dma_wait3A_722 : memref<1x1x128xi32, #tpu.memory_space<vmem>> -> memref<128xi32, #tpu.memory_space<vmem>>
      %dma_wait3A_724 = arith.constant 0 : i32
      %dma_wait3A_725 = arith.constant 0 : i32
      %dma_wait3A_726 = tpu.memref_slice %arg2[%dma_wait3A_724, %dma_wait3A_725] : memref<10000x128xf32, #tpu.memory_space<hbm>> -> memref<10000x128xf32, #tpu.memory_space<hbm>>
      tpu.wait_indirect_dma semaphore(%arg12 : memref<!tpu.dma_semaphore, #tpu.memory_space<semaphore_mem>>) src(%dma_wait3A_726 : memref<10000x128xf32, #tpu.memory_space<hbm>>) dst(%arg8 : memref<128x128xf32, #tpu.memory_space<vmem>>)
      %run_scoped3A_727 = arith.constant 1 : i32
      %run_scoped3A_728 = arith.constant 2 : i32
      "tpu.region"() ({
        %run_scoped3A_1116 = tpu.sem_alloc : memref<!tpu.dma_semaphore, #tpu.memory_space<semaphore_mem>>
        %dma_start3A_1117 = arith.constant 0 : i32
        %dma_start3A_1118 = tpu.memref_slice %arg7[%run_scoped3A_727, %run_scoped3A_728, %dma_start3A_1117] : memref<2x8x128xi32, #tpu.memory_space<vmem>> -> memref<1x1x128xi32, #tpu.memory_space<vmem>>
        %dma_start3A_1119 = tpu.memref_squeeze %dma_start3A_1118 : memref<1x1x128xi32, #tpu.memory_space<vmem>> -> memref<128xi32, #tpu.memory_space<vmem>>
        %dma_start3A_1120 = arith.constant 0 : i32
        %dma_start3A_1121 = arith.constant 0 : i32
        %dma_start3A_1122 = tpu.memref_slice %arg11[%dma_start3A_1120, %dma_start3A_1121] : memref<10240x128xf32, #tpu.memory_space<vmem_shared>> -> memref<10240x128xf32, #tpu.memory_space<vmem_shared>>
        tpu.enqueue_indirect_dma source(%arg8 : memref<128x128xf32, #tpu.memory_space<vmem>>) target(%dma_start3A_1122 : memref<10240x128xf32, #tpu.memory_space<vmem_shared>>) offsets(%dma_start3A_1119 : memref<128xi32, #tpu.memory_space<vmem>>) semaphore(%run_scoped3A_1116 : memref<!tpu.dma_semaphore, #tpu.memory_space<semaphore_mem>>) {add = true}
        %dma_wait3A_1123 = arith.constant 0 : i32
        %dma_wait3A_1124 = tpu.memref_slice %arg7[%run_scoped3A_727, %run_scoped3A_728, %dma_wait3A_1123] : memref<2x8x128xi32, #tpu.memory_space<vmem>> -> memref<1x1x128xi32, #tpu.memory_space<vmem>>
        %dma_wait3A_1125 = tpu.memref_squeeze %dma_wait3A_1124 : memref<1x1x128xi32, #tpu.memory_space<vmem>> -> memref<128xi32, #tpu.memory_space<vmem>>
        %dma_wait3A_1126 = arith.constant 0 : i32
        %dma_wait3A_1127 = arith.constant 0 : i32
        %dma_wait3A_1128 = tpu.memref_slice %arg11[%dma_wait3A_1126, %dma_wait3A_1127] : memref<10240x128xf32, #tpu.memory_space<vmem_shared>> -> memref<10240x128xf32, #tpu.memory_space<vmem_shared>>
        tpu.wait_indirect_dma semaphore(%run_scoped3A_1116 : memref<!tpu.dma_semaphore, #tpu.memory_space<semaphore_mem>>) src(%arg8 : memref<128x128xf32, #tpu.memory_space<vmem>>) dst(%dma_wait3A_1128 : memref<10240x128xf32, #tpu.memory_space<vmem_shared>>)
        tpu.yield
      }) : () -> ()
      %get3A_729 = arith.constant 1 : i32
      %get3A_730 = arith.constant 2 : i32
      %get3A_731 = arith.index_cast %get3A_729 : i32 to index
      %get3A_732 = arith.index_cast %get3A_730 : i32 to index
      %get3A_733 = arith.constant 0 : index
      %get3A_734 = tpu.vector_load %arg7[%get3A_731, %get3A_732, %get3A_733] {strides = array<i32>} : memref<2x8x128xi32, #tpu.memory_space<vmem>>, vector<16xi32>,
      tpu.vector_store_idx %arg10[%get3A_734], %broadcast_in_dim3A_2 {add = true} : memref<10112xf32, #tpu.memory_space<vmem>>[vector<16xi32>], vector<16xf32>,
      %get3A_735 = arith.constant 1 : i32
      %get3A_736 = arith.constant 2 : i32
      %get3A_737 = arith.index_cast %get3A_735 : i32 to index
      %get3A_738 = arith.index_cast %get3A_736 : i32 to index
      %get3A_739 = arith.constant 16 : index
      %get3A_740 = tpu.vector_load %arg7[%get3A_737, %get3A_738, %get3A_739] {strides = array<i32>} : memref<2x8x128xi32, #tpu.memory_space<vmem>>, vector<16xi32>,
      tpu.vector_store_idx %arg10[%get3A_740], %broadcast_in_dim3A_2 {add = true} : memref<10112xf32, #tpu.memory_space<vmem>>[vector<16xi32>], vector<16xf32>,
      %get3A_741 = arith.constant 1 : i32
      %get3A_742 = arith.constant 2 : i32
      %get3A_743 = arith.index_cast %get3A_741 : i32 to index
      %get3A_744 = arith.index_cast %get3A_742 : i32 to index
      %get3A_745 = arith.constant 32 : index
      %get3A_746 = tpu.vector_load %arg7[%get3A_743, %get3A_744, %get3A_745] {strides = array<i32>} : memref<2x8x128xi32, #tpu.memory_space<vmem>>, vector<16xi32>,
      tpu.vector_store_idx %arg10[%get3A_746], %broadcast_in_dim3A_2 {add = true} : memref<10112xf32, #tpu.memory_space<vmem>>[vector<16xi32>], vector<16xf32>,
      %get3A_747 = arith.constant 1 : i32
      %get3A_748 = arith.constant 2 : i32
      %get3A_749 = arith.index_cast %get3A_747 : i32 to index
      %get3A_750 = arith.index_cast %get3A_748 : i32 to index
      %get3A_751 = arith.constant 48 : index
      %get3A_752 = tpu.vector_load %arg7[%get3A_749, %get3A_750, %get3A_751] {strides = array<i32>} : memref<2x8x128xi32, #tpu.memory_space<vmem>>, vector<16xi32>,
      tpu.vector_store_idx %arg10[%get3A_752], %broadcast_in_dim3A_2 {add = true} : memref<10112xf32, #tpu.memory_space<vmem>>[vector<16xi32>], vector<16xf32>,
      %get3A_753 = arith.constant 1 : i32
      %get3A_754 = arith.constant 2 : i32
      %get3A_755 = arith.index_cast %get3A_753 : i32 to index
      %get3A_756 = arith.index_cast %get3A_754 : i32 to index
      %get3A_757 = arith.constant 64 : index
      %get3A_758 = tpu.vector_load %arg7[%get3A_755, %get3A_756, %get3A_757] {strides = array<i32>} : memref<2x8x128xi32, #tpu.memory_space<vmem>>, vector<16xi32>,
      tpu.vector_store_idx %arg10[%get3A_758], %broadcast_in_dim3A_2 {add = true} : memref<10112xf32, #tpu.memory_space<vmem>>[vector<16xi32>], vector<16xf32>,
      %get3A_759 = arith.constant 1 : i32
      %get3A_760 = arith.constant 2 : i32
      %get3A_761 = arith.index_cast %get3A_759 : i32 to index
      %get3A_762 = arith.index_cast %get3A_760 : i32 to index
      %get3A_763 = arith.constant 80 : index
      %get3A_764 = tpu.vector_load %arg7[%get3A_761, %get3A_762, %get3A_763] {strides = array<i32>} : memref<2x8x128xi32, #tpu.memory_space<vmem>>, vector<16xi32>,
      tpu.vector_store_idx %arg10[%get3A_764], %broadcast_in_dim3A_2 {add = true} : memref<10112xf32, #tpu.memory_space<vmem>>[vector<16xi32>], vector<16xf32>,
      %get3A_765 = arith.constant 1 : i32
      %get3A_766 = arith.constant 2 : i32
      %get3A_767 = arith.index_cast %get3A_765 : i32 to index
      %get3A_768 = arith.index_cast %get3A_766 : i32 to index
      %get3A_769 = arith.constant 96 : index
      %get3A_770 = tpu.vector_load %arg7[%get3A_767, %get3A_768, %get3A_769] {strides = array<i32>} : memref<2x8x128xi32, #tpu.memory_space<vmem>>, vector<16xi32>,
      tpu.vector_store_idx %arg10[%get3A_770], %broadcast_in_dim3A_2 {add = true} : memref<10112xf32, #tpu.memory_space<vmem>>[vector<16xi32>], vector<16xf32>,
      %get3A_771 = arith.constant 1 : i32
      %get3A_772 = arith.constant 2 : i32
      %get3A_773 = arith.index_cast %get3A_771 : i32 to index
      %get3A_774 = arith.index_cast %get3A_772 : i32 to index
      %get3A_775 = arith.constant 112 : index
      %get3A_776 = tpu.vector_load %arg7[%get3A_773, %get3A_774, %get3A_775] {strides = array<i32>} : memref<2x8x128xi32, #tpu.memory_space<vmem>>, vector<16xi32>,
      tpu.vector_store_idx %arg10[%get3A_776], %broadcast_in_dim3A_2 {add = true} : memref<10112xf32, #tpu.memory_space<vmem>>[vector<16xi32>], vector<16xf32>,
      %dma_start3A_777 = arith.constant 0 : i32
      %dma_start3A_778 = arith.constant 4 : i32
      %dma_start3A_779 = arith.constant 0 : i32
      %dma_start3A_780 = tpu.memref_slice %arg7[%dma_start3A_777, %dma_start3A_778, %dma_start3A_779] : memref<2x8x128xi32, #tpu.memory_space<vmem>> -> memref<1x1x128xi32, #tpu.memory_space<vmem>>
      %dma_start3A_781 = tpu.memref_squeeze %dma_start3A_780 : memref<1x1x128xi32, #tpu.memory_space<vmem>> -> memref<128xi32, #tpu.memory_space<vmem>>
      %dma_start3A_782 = arith.constant 0 : i32
      %dma_start3A_783 = arith.constant 0 : i32
      %dma_start3A_784 = tpu.memref_slice %arg2[%dma_start3A_782, %dma_start3A_783] : memref<10000x128xf32, #tpu.memory_space<hbm>> -> memref<10000x128xf32, #tpu.memory_space<hbm>>
      tpu.enqueue_indirect_dma source(%dma_start3A_784 : memref<10000x128xf32, #tpu.memory_space<hbm>>) target(%arg8 : memref<128x128xf32, #tpu.memory_space<vmem>>) offsets(%dma_start3A_781 : memref<128xi32, #tpu.memory_space<vmem>>) semaphore(%arg12 : memref<!tpu.dma_semaphore, #tpu.memory_space<semaphore_mem>>)
      %dma_wait3A_785 = arith.constant 0 : i32
      %dma_wait3A_786 = arith.constant 3 : i32
      %dma_wait3A_787 = arith.constant 0 : i32
      %dma_wait3A_788 = tpu.memref_slice %arg7[%dma_wait3A_785, %dma_wait3A_786, %dma_wait3A_787] : memref<2x8x128xi32, #tpu.memory_space<vmem>> -> memref<1x1x128xi32, #tpu.memory_space<vmem>>
      %dma_wait3A_789 = tpu.memref_squeeze %dma_wait3A_788 : memref<1x1x128xi32, #tpu.memory_space<vmem>> -> memref<128xi32, #tpu.memory_space<vmem>>
      %dma_wait3A_790 = arith.constant 0 : i32
      %dma_wait3A_791 = arith.constant 0 : i32
      %dma_wait3A_792 = tpu.memref_slice %arg2[%dma_wait3A_790, %dma_wait3A_791] : memref<10000x128xf32, #tpu.memory_space<hbm>> -> memref<10000x128xf32, #tpu.memory_space<hbm>>
      tpu.wait_indirect_dma semaphore(%arg13 : memref<!tpu.dma_semaphore, #tpu.memory_space<semaphore_mem>>) src(%dma_wait3A_792 : memref<10000x128xf32, #tpu.memory_space<hbm>>) dst(%arg9 : memref<128x128xf32, #tpu.memory_space<vmem>>)
      %run_scoped3A_793 = arith.constant 1 : i32
      %run_scoped3A_794 = arith.constant 3 : i32
      "tpu.region"() ({
        %run_scoped3A_1116 = tpu.sem_alloc : memref<!tpu.dma_semaphore, #tpu.memory_space<semaphore_mem>>
        %dma_start3A_1117 = arith.constant 0 : i32
        %dma_start3A_1118 = tpu.memref_slice %arg7[%run_scoped3A_793, %run_scoped3A_794, %dma_start3A_1117] : memref<2x8x128xi32, #tpu.memory_space<vmem>> -> memref<1x1x128xi32, #tpu.memory_space<vmem>>
        %dma_start3A_1119 = tpu.memref_squeeze %dma_start3A_1118 : memref<1x1x128xi32, #tpu.memory_space<vmem>> -> memref<128xi32, #tpu.memory_space<vmem>>
        %dma_start3A_1120 = arith.constant 0 : i32
        %dma_start3A_1121 = arith.constant 0 : i32
        %dma_start3A_1122 = tpu.memref_slice %arg11[%dma_start3A_1120, %dma_start3A_1121] : memref<10240x128xf32, #tpu.memory_space<vmem_shared>> -> memref<10240x128xf32, #tpu.memory_space<vmem_shared>>
        tpu.enqueue_indirect_dma source(%arg9 : memref<128x128xf32, #tpu.memory_space<vmem>>) target(%dma_start3A_1122 : memref<10240x128xf32, #tpu.memory_space<vmem_shared>>) offsets(%dma_start3A_1119 : memref<128xi32, #tpu.memory_space<vmem>>) semaphore(%run_scoped3A_1116 : memref<!tpu.dma_semaphore, #tpu.memory_space<semaphore_mem>>) {add = true}
        %dma_wait3A_1123 = arith.constant 0 : i32
        %dma_wait3A_1124 = tpu.memref_slice %arg7[%run_scoped3A_793, %run_scoped3A_794, %dma_wait3A_1123] : memref<2x8x128xi32, #tpu.memory_space<vmem>> -> memref<1x1x128xi32, #tpu.memory_space<vmem>>
        %dma_wait3A_1125 = tpu.memref_squeeze %dma_wait3A_1124 : memref<1x1x128xi32, #tpu.memory_space<vmem>> -> memref<128xi32, #tpu.memory_space<vmem>>
        %dma_wait3A_1126 = arith.constant 0 : i32
        %dma_wait3A_1127 = arith.constant 0 : i32
        %dma_wait3A_1128 = tpu.memref_slice %arg11[%dma_wait3A_1126, %dma_wait3A_1127] : memref<10240x128xf32, #tpu.memory_space<vmem_shared>> -> memref<10240x128xf32, #tpu.memory_space<vmem_shared>>
        tpu.wait_indirect_dma semaphore(%run_scoped3A_1116 : memref<!tpu.dma_semaphore, #tpu.memory_space<semaphore_mem>>) src(%arg9 : memref<128x128xf32, #tpu.memory_space<vmem>>) dst(%dma_wait3A_1128 : memref<10240x128xf32, #tpu.memory_space<vmem_shared>>)
        tpu.yield
      }) : () -> ()
      %get3A_795 = arith.constant 1 : i32
      %get3A_796 = arith.constant 3 : i32
      %get3A_797 = arith.index_cast %get3A_795 : i32 to index
      %get3A_798 = arith.index_cast %get3A_796 : i32 to index
      %get3A_799 = arith.constant 0 : index
      %get3A_800 = tpu.vector_load %arg7[%get3A_797, %get3A_798, %get3A_799] {strides = array<i32>} : memref<2x8x128xi32, #tpu.memory_space<vmem>>, vector<16xi32>,
      tpu.vector_store_idx %arg10[%get3A_800], %broadcast_in_dim3A_2 {add = true} : memref<10112xf32, #tpu.memory_space<vmem>>[vector<16xi32>], vector<16xf32>,
      %get3A_801 = arith.constant 1 : i32
      %get3A_802 = arith.constant 3 : i32
      %get3A_803 = arith.index_cast %get3A_801 : i32 to index
      %get3A_804 = arith.index_cast %get3A_802 : i32 to index
      %get3A_805 = arith.constant 16 : index
      %get3A_806 = tpu.vector_load %arg7[%get3A_803, %get3A_804, %get3A_805] {strides = array<i32>} : memref<2x8x128xi32, #tpu.memory_space<vmem>>, vector<16xi32>,
      tpu.vector_store_idx %arg10[%get3A_806], %broadcast_in_dim3A_2 {add = true} : memref<10112xf32, #tpu.memory_space<vmem>>[vector<16xi32>], vector<16xf32>,
      %get3A_807 = arith.constant 1 : i32
      %get3A_808 = arith.constant 3 : i32
      %get3A_809 = arith.index_cast %get3A_807 : i32 to index
      %get3A_810 = arith.index_cast %get3A_808 : i32 to index
      %get3A_811 = arith.constant 32 : index
      %get3A_812 = tpu.vector_load %arg7[%get3A_809, %get3A_810, %get3A_811] {strides = array<i32>} : memref<2x8x128xi32, #tpu.memory_space<vmem>>, vector<16xi32>,
      tpu.vector_store_idx %arg10[%get3A_812], %broadcast_in_dim3A_2 {add = true} : memref<10112xf32, #tpu.memory_space<vmem>>[vector<16xi32>], vector<16xf32>,
      %get3A_813 = arith.constant 1 : i32
      %get3A_814 = arith.constant 3 : i32
      %get3A_815 = arith.index_cast %get3A_813 : i32 to index
      %get3A_816 = arith.index_cast %get3A_814 : i32 to index
      %get3A_817 = arith.constant 48 : index
      %get3A_818 = tpu.vector_load %arg7[%get3A_815, %get3A_816, %get3A_817] {strides = array<i32>} : memref<2x8x128xi32, #tpu.memory_space<vmem>>, vector<16xi32>,
      tpu.vector_store_idx %arg10[%get3A_818], %broadcast_in_dim3A_2 {add = true} : memref<10112xf32, #tpu.memory_space<vmem>>[vector<16xi32>], vector<16xf32>,
      %get3A_819 = arith.constant 1 : i32
      %get3A_820 = arith.constant 3 : i32
      %get3A_821 = arith.index_cast %get3A_819 : i32 to index
      %get3A_822 = arith.index_cast %get3A_820 : i32 to index
      %get3A_823 = arith.constant 64 : index
      %get3A_824 = tpu.vector_load %arg7[%get3A_821, %get3A_822, %get3A_823] {strides = array<i32>} : memref<2x8x128xi32, #tpu.memory_space<vmem>>, vector<16xi32>,
      tpu.vector_store_idx %arg10[%get3A_824], %broadcast_in_dim3A_2 {add = true} : memref<10112xf32, #tpu.memory_space<vmem>>[vector<16xi32>], vector<16xf32>,
      %get3A_825 = arith.constant 1 : i32
      %get3A_826 = arith.constant 3 : i32
      %get3A_827 = arith.index_cast %get3A_825 : i32 to index
      %get3A_828 = arith.index_cast %get3A_826 : i32 to index
      %get3A_829 = arith.constant 80 : index
      %get3A_830 = tpu.vector_load %arg7[%get3A_827, %get3A_828, %get3A_829] {strides = array<i32>} : memref<2x8x128xi32, #tpu.memory_space<vmem>>, vector<16xi32>,
      tpu.vector_store_idx %arg10[%get3A_830], %broadcast_in_dim3A_2 {add = true} : memref<10112xf32, #tpu.memory_space<vmem>>[vector<16xi32>], vector<16xf32>,
      %get3A_831 = arith.constant 1 : i32
      %get3A_832 = arith.constant 3 : i32
      %get3A_833 = arith.index_cast %get3A_831 : i32 to index
      %get3A_834 = arith.index_cast %get3A_832 : i32 to index
      %get3A_835 = arith.constant 96 : index
      %get3A_836 = tpu.vector_load %arg7[%get3A_833, %get3A_834, %get3A_835] {strides = array<i32>} : memref<2x8x128xi32, #tpu.memory_space<vmem>>, vector<16xi32>,
      tpu.vector_store_idx %arg10[%get3A_836], %broadcast_in_dim3A_2 {add = true} : memref<10112xf32, #tpu.memory_space<vmem>>[vector<16xi32>], vector<16xf32>,
      %get3A_837 = arith.constant 1 : i32
      %get3A_838 = arith.constant 3 : i32
      %get3A_839 = arith.index_cast %get3A_837 : i32 to index
      %get3A_840 = arith.index_cast %get3A_838 : i32 to index
      %get3A_841 = arith.constant 112 : index
      %get3A_842 = tpu.vector_load %arg7[%get3A_839, %get3A_840, %get3A_841] {strides = array<i32>} : memref<2x8x128xi32, #tpu.memory_space<vmem>>, vector<16xi32>,
      tpu.vector_store_idx %arg10[%get3A_842], %broadcast_in_dim3A_2 {add = true} : memref<10112xf32, #tpu.memory_space<vmem>>[vector<16xi32>], vector<16xf32>,
      %dma_start3A_843 = arith.constant 0 : i32
      %dma_start3A_844 = arith.constant 5 : i32
      %dma_start3A_845 = arith.constant 0 : i32
      %dma_start3A_846 = tpu.memref_slice %arg7[%dma_start3A_843, %dma_start3A_844, %dma_start3A_845] : memref<2x8x128xi32, #tpu.memory_space<vmem>> -> memref<1x1x128xi32, #tpu.memory_space<vmem>>
      %dma_start3A_847 = tpu.memref_squeeze %dma_start3A_846 : memref<1x1x128xi32, #tpu.memory_space<vmem>> -> memref<128xi32, #tpu.memory_space<vmem>>
      %dma_start3A_848 = arith.constant 0 : i32
      %dma_start3A_849 = arith.constant 0 : i32
      %dma_start3A_850 = tpu.memref_slice %arg2[%dma_start3A_848, %dma_start3A_849] : memref<10000x128xf32, #tpu.memory_space<hbm>> -> memref<10000x128xf32, #tpu.memory_space<hbm>>
      tpu.enqueue_indirect_dma source(%dma_start3A_850 : memref<10000x128xf32, #tpu.memory_space<hbm>>) target(%arg9 : memref<128x128xf32, #tpu.memory_space<vmem>>) offsets(%dma_start3A_847 : memref<128xi32, #tpu.memory_space<vmem>>) semaphore(%arg13 : memref<!tpu.dma_semaphore, #tpu.memory_space<semaphore_mem>>)
      %dma_wait3A_851 = arith.constant 0 : i32
      %dma_wait3A_852 = arith.constant 4 : i32
      %dma_wait3A_853 = arith.constant 0 : i32
      %dma_wait3A_854 = tpu.memref_slice %arg7[%dma_wait3A_851, %dma_wait3A_852, %dma_wait3A_853] : memref<2x8x128xi32, #tpu.memory_space<vmem>> -> memref<1x1x128xi32, #tpu.memory_space<vmem>>
      %dma_wait3A_855 = tpu.memref_squeeze %dma_wait3A_854 : memref<1x1x128xi32, #tpu.memory_space<vmem>> -> memref<128xi32, #tpu.memory_space<vmem>>
      %dma_wait3A_856 = arith.constant 0 : i32
      %dma_wait3A_857 = arith.constant 0 : i32
      %dma_wait3A_858 = tpu.memref_slice %arg2[%dma_wait3A_856, %dma_wait3A_857] : memref<10000x128xf32, #tpu.memory_space<hbm>> -> memref<10000x128xf32, #tpu.memory_space<hbm>>
      tpu.wait_indirect_dma semaphore(%arg12 : memref<!tpu.dma_semaphore, #tpu.memory_space<semaphore_mem>>) src(%dma_wait3A_858 : memref<10000x128xf32, #tpu.memory_space<hbm>>) dst(%arg8 : memref<128x128xf32, #tpu.memory_space<vmem>>)
      %run_scoped3A_859 = arith.constant 1 : i32
      %run_scoped3A_860 = arith.constant 4 : i32
      "tpu.region"() ({
        %run_scoped3A_1116 = tpu.sem_alloc : memref<!tpu.dma_semaphore, #tpu.memory_space<semaphore_mem>>
        %dma_start3A_1117 = arith.constant 0 : i32
        %dma_start3A_1118 = tpu.memref_slice %arg7[%run_scoped3A_859, %run_scoped3A_860, %dma_start3A_1117] : memref<2x8x128xi32, #tpu.memory_space<vmem>> -> memref<1x1x128xi32, #tpu.memory_space<vmem>>
        %dma_start3A_1119 = tpu.memref_squeeze %dma_start3A_1118 : memref<1x1x128xi32, #tpu.memory_space<vmem>> -> memref<128xi32, #tpu.memory_space<vmem>>
        %dma_start3A_1120 = arith.constant 0 : i32
        %dma_start3A_1121 = arith.constant 0 : i32
        %dma_start3A_1122 = tpu.memref_slice %arg11[%dma_start3A_1120, %dma_start3A_1121] : memref<10240x128xf32, #tpu.memory_space<vmem_shared>> -> memref<10240x128xf32, #tpu.memory_space<vmem_shared>>
        tpu.enqueue_indirect_dma source(%arg8 : memref<128x128xf32, #tpu.memory_space<vmem>>) target(%dma_start3A_1122 : memref<10240x128xf32, #tpu.memory_space<vmem_shared>>) offsets(%dma_start3A_1119 : memref<128xi32, #tpu.memory_space<vmem>>) semaphore(%run_scoped3A_1116 : memref<!tpu.dma_semaphore, #tpu.memory_space<semaphore_mem>>) {add = true}
        %dma_wait3A_1123 = arith.constant 0 : i32
        %dma_wait3A_1124 = tpu.memref_slice %arg7[%run_scoped3A_859, %run_scoped3A_860, %dma_wait3A_1123] : memref<2x8x128xi32, #tpu.memory_space<vmem>> -> memref<1x1x128xi32, #tpu.memory_space<vmem>>
        %dma_wait3A_1125 = tpu.memref_squeeze %dma_wait3A_1124 : memref<1x1x128xi32, #tpu.memory_space<vmem>> -> memref<128xi32, #tpu.memory_space<vmem>>
        %dma_wait3A_1126 = arith.constant 0 : i32
        %dma_wait3A_1127 = arith.constant 0 : i32
        %dma_wait3A_1128 = tpu.memref_slice %arg11[%dma_wait3A_1126, %dma_wait3A_1127] : memref<10240x128xf32, #tpu.memory_space<vmem_shared>> -> memref<10240x128xf32, #tpu.memory_space<vmem_shared>>
        tpu.wait_indirect_dma semaphore(%run_scoped3A_1116 : memref<!tpu.dma_semaphore, #tpu.memory_space<semaphore_mem>>) src(%arg8 : memref<128x128xf32, #tpu.memory_space<vmem>>) dst(%dma_wait3A_1128 : memref<10240x128xf32, #tpu.memory_space<vmem_shared>>)
        tpu.yield
      }) : () -> ()
      %get3A_861 = arith.constant 1 : i32
      %get3A_862 = arith.constant 4 : i32
      %get3A_863 = arith.index_cast %get3A_861 : i32 to index
      %get3A_864 = arith.index_cast %get3A_862 : i32 to index
      %get3A_865 = arith.constant 0 : index
      %get3A_866 = tpu.vector_load %arg7[%get3A_863, %get3A_864, %get3A_865] {strides = array<i32>} : memref<2x8x128xi32, #tpu.memory_space<vmem>>, vector<16xi32>,
      tpu.vector_store_idx %arg10[%get3A_866], %broadcast_in_dim3A_2 {add = true} : memref<10112xf32, #tpu.memory_space<vmem>>[vector<16xi32>], vector<16xf32>,
      %get3A_867 = arith.constant 1 : i32
      %get3A_868 = arith.constant 4 : i32
      %get3A_869 = arith.index_cast %get3A_867 : i32 to index
      %get3A_870 = arith.index_cast %get3A_868 : i32 to index
      %get3A_871 = arith.constant 16 : index
      %get3A_872 = tpu.vector_load %arg7[%get3A_869, %get3A_870, %get3A_871] {strides = array<i32>} : memref<2x8x128xi32, #tpu.memory_space<vmem>>, vector<16xi32>,
      tpu.vector_store_idx %arg10[%get3A_872], %broadcast_in_dim3A_2 {add = true} : memref<10112xf32, #tpu.memory_space<vmem>>[vector<16xi32>], vector<16xf32>,
      %get3A_873 = arith.constant 1 : i32
      %get3A_874 = arith.constant 4 : i32
      %get3A_875 = arith.index_cast %get3A_873 : i32 to index
      %get3A_876 = arith.index_cast %get3A_874 : i32 to index
      %get3A_877 = arith.constant 32 : index
      %get3A_878 = tpu.vector_load %arg7[%get3A_875, %get3A_876, %get3A_877] {strides = array<i32>} : memref<2x8x128xi32, #tpu.memory_space<vmem>>, vector<16xi32>,
      tpu.vector_store_idx %arg10[%get3A_878], %broadcast_in_dim3A_2 {add = true} : memref<10112xf32, #tpu.memory_space<vmem>>[vector<16xi32>], vector<16xf32>,
      %get3A_879 = arith.constant 1 : i32
      %get3A_880 = arith.constant 4 : i32
      %get3A_881 = arith.index_cast %get3A_879 : i32 to index
      %get3A_882 = arith.index_cast %get3A_880 : i32 to index
      %get3A_883 = arith.constant 48 : index
      %get3A_884 = tpu.vector_load %arg7[%get3A_881, %get3A_882, %get3A_883] {strides = array<i32>} : memref<2x8x128xi32, #tpu.memory_space<vmem>>, vector<16xi32>,
      tpu.vector_store_idx %arg10[%get3A_884], %broadcast_in_dim3A_2 {add = true} : memref<10112xf32, #tpu.memory_space<vmem>>[vector<16xi32>], vector<16xf32>,
      %get3A_885 = arith.constant 1 : i32
      %get3A_886 = arith.constant 4 : i32
      %get3A_887 = arith.index_cast %get3A_885 : i32 to index
      %get3A_888 = arith.index_cast %get3A_886 : i32 to index
      %get3A_889 = arith.constant 64 : index
      %get3A_890 = tpu.vector_load %arg7[%get3A_887, %get3A_888, %get3A_889] {strides = array<i32>} : memref<2x8x128xi32, #tpu.memory_space<vmem>>, vector<16xi32>,
      tpu.vector_store_idx %arg10[%get3A_890], %broadcast_in_dim3A_2 {add = true} : memref<10112xf32, #tpu.memory_space<vmem>>[vector<16xi32>], vector<16xf32>,
      %get3A_891 = arith.constant 1 : i32
      %get3A_892 = arith.constant 4 : i32
      %get3A_893 = arith.index_cast %get3A_891 : i32 to index
      %get3A_894 = arith.index_cast %get3A_892 : i32 to index
      %get3A_895 = arith.constant 80 : index
      %get3A_896 = tpu.vector_load %arg7[%get3A_893, %get3A_894, %get3A_895] {strides = array<i32>} : memref<2x8x128xi32, #tpu.memory_space<vmem>>, vector<16xi32>,
      tpu.vector_store_idx %arg10[%get3A_896], %broadcast_in_dim3A_2 {add = true} : memref<10112xf32, #tpu.memory_space<vmem>>[vector<16xi32>], vector<16xf32>,
      %get3A_897 = arith.constant 1 : i32
      %get3A_898 = arith.constant 4 : i32
      %get3A_899 = arith.index_cast %get3A_897 : i32 to index
      %get3A_900 = arith.index_cast %get3A_898 : i32 to index
      %get3A_901 = arith.constant 96 : index
      %get3A_902 = tpu.vector_load %arg7[%get3A_899, %get3A_900, %get3A_901] {strides = array<i32>} : memref<2x8x128xi32, #tpu.memory_space<vmem>>, vector<16xi32>,
      tpu.vector_store_idx %arg10[%get3A_902], %broadcast_in_dim3A_2 {add = true} : memref<10112xf32, #tpu.memory_space<vmem>>[vector<16xi32>], vector<16xf32>,
      %get3A_903 = arith.constant 1 : i32
      %get3A_904 = arith.constant 4 : i32
      %get3A_905 = arith.index_cast %get3A_903 : i32 to index
      %get3A_906 = arith.index_cast %get3A_904 : i32 to index
      %get3A_907 = arith.constant 112 : index
      %get3A_908 = tpu.vector_load %arg7[%get3A_905, %get3A_906, %get3A_907] {strides = array<i32>} : memref<2x8x128xi32, #tpu.memory_space<vmem>>, vector<16xi32>,
      tpu.vector_store_idx %arg10[%get3A_908], %broadcast_in_dim3A_2 {add = true} : memref<10112xf32, #tpu.memory_space<vmem>>[vector<16xi32>], vector<16xf32>,
      %dma_start3A_909 = arith.constant 0 : i32
      %dma_start3A_910 = arith.constant 6 : i32
      %dma_start3A_911 = arith.constant 0 : i32
      %dma_start3A_912 = tpu.memref_slice %arg7[%dma_start3A_909, %dma_start3A_910, %dma_start3A_911] : memref<2x8x128xi32, #tpu.memory_space<vmem>> -> memref<1x1x128xi32, #tpu.memory_space<vmem>>
      %dma_start3A_913 = tpu.memref_squeeze %dma_start3A_912 : memref<1x1x128xi32, #tpu.memory_space<vmem>> -> memref<128xi32, #tpu.memory_space<vmem>>
      %dma_start3A_914 = arith.constant 0 : i32
      %dma_start3A_915 = arith.constant 0 : i32
      %dma_start3A_916 = tpu.memref_slice %arg2[%dma_start3A_914, %dma_start3A_915] : memref<10000x128xf32, #tpu.memory_space<hbm>> -> memref<10000x128xf32, #tpu.memory_space<hbm>>
      tpu.enqueue_indirect_dma source(%dma_start3A_916 : memref<10000x128xf32, #tpu.memory_space<hbm>>) target(%arg8 : memref<128x128xf32, #tpu.memory_space<vmem>>) offsets(%dma_start3A_913 : memref<128xi32, #tpu.memory_space<vmem>>) semaphore(%arg12 : memref<!tpu.dma_semaphore, #tpu.memory_space<semaphore_mem>>)
      %dma_wait3A_917 = arith.constant 0 : i32
      %dma_wait3A_918 = arith.constant 5 : i32
      %dma_wait3A_919 = arith.constant 0 : i32
      %dma_wait3A_920 = tpu.memref_slice %arg7[%dma_wait3A_917, %dma_wait3A_918, %dma_wait3A_919] : memref<2x8x128xi32, #tpu.memory_space<vmem>> -> memref<1x1x128xi32, #tpu.memory_space<vmem>>
      %dma_wait3A_921 = tpu.memref_squeeze %dma_wait3A_920 : memref<1x1x128xi32, #tpu.memory_space<vmem>> -> memref<128xi32, #tpu.memory_space<vmem>>
      %dma_wait3A_922 = arith.constant 0 : i32
      %dma_wait3A_923 = arith.constant 0 : i32
      %dma_wait3A_924 = tpu.memref_slice %arg2[%dma_wait3A_922, %dma_wait3A_923] : memref<10000x128xf32, #tpu.memory_space<hbm>> -> memref<10000x128xf32, #tpu.memory_space<hbm>>
      tpu.wait_indirect_dma semaphore(%arg13 : memref<!tpu.dma_semaphore, #tpu.memory_space<semaphore_mem>>) src(%dma_wait3A_924 : memref<10000x128xf32, #tpu.memory_space<hbm>>) dst(%arg9 : memref<128x128xf32, #tpu.memory_space<vmem>>)
      %run_scoped3A_925 = arith.constant 1 : i32
      %run_scoped3A_926 = arith.constant 5 : i32
      "tpu.region"() ({
        %run_scoped3A_1116 = tpu.sem_alloc : memref<!tpu.dma_semaphore, #tpu.memory_space<semaphore_mem>>
        %dma_start3A_1117 = arith.constant 0 : i32
        %dma_start3A_1118 = tpu.memref_slice %arg7[%run_scoped3A_925, %run_scoped3A_926, %dma_start3A_1117] : memref<2x8x128xi32, #tpu.memory_space<vmem>> -> memref<1x1x128xi32, #tpu.memory_space<vmem>>
        %dma_start3A_1119 = tpu.memref_squeeze %dma_start3A_1118 : memref<1x1x128xi32, #tpu.memory_space<vmem>> -> memref<128xi32, #tpu.memory_space<vmem>>
        %dma_start3A_1120 = arith.constant 0 : i32
        %dma_start3A_1121 = arith.constant 0 : i32
        %dma_start3A_1122 = tpu.memref_slice %arg11[%dma_start3A_1120, %dma_start3A_1121] : memref<10240x128xf32, #tpu.memory_space<vmem_shared>> -> memref<10240x128xf32, #tpu.memory_space<vmem_shared>>
        tpu.enqueue_indirect_dma source(%arg9 : memref<128x128xf32, #tpu.memory_space<vmem>>) target(%dma_start3A_1122 : memref<10240x128xf32, #tpu.memory_space<vmem_shared>>) offsets(%dma_start3A_1119 : memref<128xi32, #tpu.memory_space<vmem>>) semaphore(%run_scoped3A_1116 : memref<!tpu.dma_semaphore, #tpu.memory_space<semaphore_mem>>) {add = true}
        %dma_wait3A_1123 = arith.constant 0 : i32
        %dma_wait3A_1124 = tpu.memref_slice %arg7[%run_scoped3A_925, %run_scoped3A_926, %dma_wait3A_1123] : memref<2x8x128xi32, #tpu.memory_space<vmem>> -> memref<1x1x128xi32, #tpu.memory_space<vmem>>
        %dma_wait3A_1125 = tpu.memref_squeeze %dma_wait3A_1124 : memref<1x1x128xi32, #tpu.memory_space<vmem>> -> memref<128xi32, #tpu.memory_space<vmem>>
        %dma_wait3A_1126 = arith.constant 0 : i32
        %dma_wait3A_1127 = arith.constant 0 : i32
        %dma_wait3A_1128 = tpu.memref_slice %arg11[%dma_wait3A_1126, %dma_wait3A_1127] : memref<10240x128xf32, #tpu.memory_space<vmem_shared>> -> memref<10240x128xf32, #tpu.memory_space<vmem_shared>>
        tpu.wait_indirect_dma semaphore(%run_scoped3A_1116 : memref<!tpu.dma_semaphore, #tpu.memory_space<semaphore_mem>>) src(%arg9 : memref<128x128xf32, #tpu.memory_space<vmem>>) dst(%dma_wait3A_1128 : memref<10240x128xf32, #tpu.memory_space<vmem_shared>>)
        tpu.yield
      }) : () -> ()
      %get3A_927 = arith.constant 1 : i32
      %get3A_928 = arith.constant 5 : i32
      %get3A_929 = arith.index_cast %get3A_927 : i32 to index
      %get3A_930 = arith.index_cast %get3A_928 : i32 to index
      %get3A_931 = arith.constant 0 : index
      %get3A_932 = tpu.vector_load %arg7[%get3A_929, %get3A_930, %get3A_931] {strides = array<i32>} : memref<2x8x128xi32, #tpu.memory_space<vmem>>, vector<16xi32>,
      tpu.vector_store_idx %arg10[%get3A_932], %broadcast_in_dim3A_2 {add = true} : memref<10112xf32, #tpu.memory_space<vmem>>[vector<16xi32>], vector<16xf32>,
      %get3A_933 = arith.constant 1 : i32
      %get3A_934 = arith.constant 5 : i32
      %get3A_935 = arith.index_cast %get3A_933 : i32 to index
      %get3A_936 = arith.index_cast %get3A_934 : i32 to index
      %get3A_937 = arith.constant 16 : index
      %get3A_938 = tpu.vector_load %arg7[%get3A_935, %get3A_936, %get3A_937] {strides = array<i32>} : memref<2x8x128xi32, #tpu.memory_space<vmem>>, vector<16xi32>,
      tpu.vector_store_idx %arg10[%get3A_938], %broadcast_in_dim3A_2 {add = true} : memref<10112xf32, #tpu.memory_space<vmem>>[vector<16xi32>], vector<16xf32>,
      %get3A_939 = arith.constant 1 : i32
      %get3A_940 = arith.constant 5 : i32
      %get3A_941 = arith.index_cast %get3A_939 : i32 to index
      %get3A_942 = arith.index_cast %get3A_940 : i32 to index
      %get3A_943 = arith.constant 32 : index
      %get3A_944 = tpu.vector_load %arg7[%get3A_941, %get3A_942, %get3A_943] {strides = array<i32>} : memref<2x8x128xi32, #tpu.memory_space<vmem>>, vector<16xi32>,
      tpu.vector_store_idx %arg10[%get3A_944], %broadcast_in_dim3A_2 {add = true} : memref<10112xf32, #tpu.memory_space<vmem>>[vector<16xi32>], vector<16xf32>,
      %get3A_945 = arith.constant 1 : i32
      %get3A_946 = arith.constant 5 : i32
      %get3A_947 = arith.index_cast %get3A_945 : i32 to index
      %get3A_948 = arith.index_cast %get3A_946 : i32 to index
      %get3A_949 = arith.constant 48 : index
      %get3A_950 = tpu.vector_load %arg7[%get3A_947, %get3A_948, %get3A_949] {strides = array<i32>} : memref<2x8x128xi32, #tpu.memory_space<vmem>>, vector<16xi32>,
      tpu.vector_store_idx %arg10[%get3A_950], %broadcast_in_dim3A_2 {add = true} : memref<10112xf32, #tpu.memory_space<vmem>>[vector<16xi32>], vector<16xf32>,
      %get3A_951 = arith.constant 1 : i32
      %get3A_952 = arith.constant 5 : i32
      %get3A_953 = arith.index_cast %get3A_951 : i32 to index
      %get3A_954 = arith.index_cast %get3A_952 : i32 to index
      %get3A_955 = arith.constant 64 : index
      %get3A_956 = tpu.vector_load %arg7[%get3A_953, %get3A_954, %get3A_955] {strides = array<i32>} : memref<2x8x128xi32, #tpu.memory_space<vmem>>, vector<16xi32>,
      tpu.vector_store_idx %arg10[%get3A_956], %broadcast_in_dim3A_2 {add = true} : memref<10112xf32, #tpu.memory_space<vmem>>[vector<16xi32>], vector<16xf32>,
      %get3A_957 = arith.constant 1 : i32
      %get3A_958 = arith.constant 5 : i32
      %get3A_959 = arith.index_cast %get3A_957 : i32 to index
      %get3A_960 = arith.index_cast %get3A_958 : i32 to index
      %get3A_961 = arith.constant 80 : index
      %get3A_962 = tpu.vector_load %arg7[%get3A_959, %get3A_960, %get3A_961] {strides = array<i32>} : memref<2x8x128xi32, #tpu.memory_space<vmem>>, vector<16xi32>,
      tpu.vector_store_idx %arg10[%get3A_962], %broadcast_in_dim3A_2 {add = true} : memref<10112xf32, #tpu.memory_space<vmem>>[vector<16xi32>], vector<16xf32>,
      %get3A_963 = arith.constant 1 : i32
      %get3A_964 = arith.constant 5 : i32
      %get3A_965 = arith.index_cast %get3A_963 : i32 to index
      %get3A_966 = arith.index_cast %get3A_964 : i32 to index
      %get3A_967 = arith.constant 96 : index
      %get3A_968 = tpu.vector_load %arg7[%get3A_965, %get3A_966, %get3A_967] {strides = array<i32>} : memref<2x8x128xi32, #tpu.memory_space<vmem>>, vector<16xi32>,
      tpu.vector_store_idx %arg10[%get3A_968], %broadcast_in_dim3A_2 {add = true} : memref<10112xf32, #tpu.memory_space<vmem>>[vector<16xi32>], vector<16xf32>,
      %get3A_969 = arith.constant 1 : i32
      %get3A_970 = arith.constant 5 : i32
      %get3A_971 = arith.index_cast %get3A_969 : i32 to index
      %get3A_972 = arith.index_cast %get3A_970 : i32 to index
      %get3A_973 = arith.constant 112 : index
      %get3A_974 = tpu.vector_load %arg7[%get3A_971, %get3A_972, %get3A_973] {strides = array<i32>} : memref<2x8x128xi32, #tpu.memory_space<vmem>>, vector<16xi32>,
      tpu.vector_store_idx %arg10[%get3A_974], %broadcast_in_dim3A_2 {add = true} : memref<10112xf32, #tpu.memory_space<vmem>>[vector<16xi32>], vector<16xf32>,
      %dma_start3A_975 = arith.constant 0 : i32
      %dma_start3A_976 = arith.constant 7 : i32
      %dma_start3A_977 = arith.constant 0 : i32
      %dma_start3A_978 = tpu.memref_slice %arg7[%dma_start3A_975, %dma_start3A_976, %dma_start3A_977] : memref<2x8x128xi32, #tpu.memory_space<vmem>> -> memref<1x1x128xi32, #tpu.memory_space<vmem>>
      %dma_start3A_979 = tpu.memref_squeeze %dma_start3A_978 : memref<1x1x128xi32, #tpu.memory_space<vmem>> -> memref<128xi32, #tpu.memory_space<vmem>>
      %dma_start3A_980 = arith.constant 0 : i32
      %dma_start3A_981 = arith.constant 0 : i32
      %dma_start3A_982 = tpu.memref_slice %arg2[%dma_start3A_980, %dma_start3A_981] : memref<10000x128xf32, #tpu.memory_space<hbm>> -> memref<10000x128xf32, #tpu.memory_space<hbm>>
      tpu.enqueue_indirect_dma source(%dma_start3A_982 : memref<10000x128xf32, #tpu.memory_space<hbm>>) target(%arg9 : memref<128x128xf32, #tpu.memory_space<vmem>>) offsets(%dma_start3A_979 : memref<128xi32, #tpu.memory_space<vmem>>) semaphore(%arg13 : memref<!tpu.dma_semaphore, #tpu.memory_space<semaphore_mem>>)
      %dma_wait3A_983 = arith.constant 0 : i32
      %dma_wait3A_984 = arith.constant 6 : i32
      %dma_wait3A_985 = arith.constant 0 : i32
      %dma_wait3A_986 = tpu.memref_slice %arg7[%dma_wait3A_983, %dma_wait3A_984, %dma_wait3A_985] : memref<2x8x128xi32, #tpu.memory_space<vmem>> -> memref<1x1x128xi32, #tpu.memory_space<vmem>>
      %dma_wait3A_987 = tpu.memref_squeeze %dma_wait3A_986 : memref<1x1x128xi32, #tpu.memory_space<vmem>> -> memref<128xi32, #tpu.memory_space<vmem>>
      %dma_wait3A_988 = arith.constant 0 : i32
      %dma_wait3A_989 = arith.constant 0 : i32
      %dma_wait3A_990 = tpu.memref_slice %arg2[%dma_wait3A_988, %dma_wait3A_989] : memref<10000x128xf32, #tpu.memory_space<hbm>> -> memref<10000x128xf32, #tpu.memory_space<hbm>>
      tpu.wait_indirect_dma semaphore(%arg12 : memref<!tpu.dma_semaphore, #tpu.memory_space<semaphore_mem>>) src(%dma_wait3A_990 : memref<10000x128xf32, #tpu.memory_space<hbm>>) dst(%arg8 : memref<128x128xf32, #tpu.memory_space<vmem>>)
      %run_scoped3A_991 = arith.constant 1 : i32
      %run_scoped3A_992 = arith.constant 6 : i32
      "tpu.region"() ({
        %run_scoped3A_1116 = tpu.sem_alloc : memref<!tpu.dma_semaphore, #tpu.memory_space<semaphore_mem>>
        %dma_start3A_1117 = arith.constant 0 : i32
        %dma_start3A_1118 = tpu.memref_slice %arg7[%run_scoped3A_991, %run_scoped3A_992, %dma_start3A_1117] : memref<2x8x128xi32, #tpu.memory_space<vmem>> -> memref<1x1x128xi32, #tpu.memory_space<vmem>>
        %dma_start3A_1119 = tpu.memref_squeeze %dma_start3A_1118 : memref<1x1x128xi32, #tpu.memory_space<vmem>> -> memref<128xi32, #tpu.memory_space<vmem>>
        %dma_start3A_1120 = arith.constant 0 : i32
        %dma_start3A_1121 = arith.constant 0 : i32
        %dma_start3A_1122 = tpu.memref_slice %arg11[%dma_start3A_1120, %dma_start3A_1121] : memref<10240x128xf32, #tpu.memory_space<vmem_shared>> -> memref<10240x128xf32, #tpu.memory_space<vmem_shared>>
        tpu.enqueue_indirect_dma source(%arg8 : memref<128x128xf32, #tpu.memory_space<vmem>>) target(%dma_start3A_1122 : memref<10240x128xf32, #tpu.memory_space<vmem_shared>>) offsets(%dma_start3A_1119 : memref<128xi32, #tpu.memory_space<vmem>>) semaphore(%run_scoped3A_1116 : memref<!tpu.dma_semaphore, #tpu.memory_space<semaphore_mem>>) {add = true}
        %dma_wait3A_1123 = arith.constant 0 : i32
        %dma_wait3A_1124 = tpu.memref_slice %arg7[%run_scoped3A_991, %run_scoped3A_992, %dma_wait3A_1123] : memref<2x8x128xi32, #tpu.memory_space<vmem>> -> memref<1x1x128xi32, #tpu.memory_space<vmem>>
        %dma_wait3A_1125 = tpu.memref_squeeze %dma_wait3A_1124 : memref<1x1x128xi32, #tpu.memory_space<vmem>> -> memref<128xi32, #tpu.memory_space<vmem>>
        %dma_wait3A_1126 = arith.constant 0 : i32
        %dma_wait3A_1127 = arith.constant 0 : i32
        %dma_wait3A_1128 = tpu.memref_slice %arg11[%dma_wait3A_1126, %dma_wait3A_1127] : memref<10240x128xf32, #tpu.memory_space<vmem_shared>> -> memref<10240x128xf32, #tpu.memory_space<vmem_shared>>
        tpu.wait_indirect_dma semaphore(%run_scoped3A_1116 : memref<!tpu.dma_semaphore, #tpu.memory_space<semaphore_mem>>) src(%arg8 : memref<128x128xf32, #tpu.memory_space<vmem>>) dst(%dma_wait3A_1128 : memref<10240x128xf32, #tpu.memory_space<vmem_shared>>)
        tpu.yield
      }) : () -> ()
      %get3A_993 = arith.constant 1 : i32
      %get3A_994 = arith.constant 6 : i32
      %get3A_995 = arith.index_cast %get3A_993 : i32 to index
      %get3A_996 = arith.index_cast %get3A_994 : i32 to index
      %get3A_997 = arith.constant 0 : index
      %get3A_998 = tpu.vector_load %arg7[%get3A_995, %get3A_996, %get3A_997] {strides = array<i32>} : memref<2x8x128xi32, #tpu.memory_space<vmem>>, vector<16xi32>,
      tpu.vector_store_idx %arg10[%get3A_998], %broadcast_in_dim3A_2 {add = true} : memref<10112xf32, #tpu.memory_space<vmem>>[vector<16xi32>], vector<16xf32>,
      %get3A_999 = arith.constant 1 : i32
      %get3A_1000 = arith.constant 6 : i32
      %get3A_1001 = arith.index_cast %get3A_999 : i32 to index
      %get3A_1002 = arith.index_cast %get3A_1000 : i32 to index
      %get3A_1003 = arith.constant 16 : index
      %get3A_1004 = tpu.vector_load %arg7[%get3A_1001, %get3A_1002, %get3A_1003] {strides = array<i32>} : memref<2x8x128xi32, #tpu.memory_space<vmem>>, vector<16xi32>,
      tpu.vector_store_idx %arg10[%get3A_1004], %broadcast_in_dim3A_2 {add = true} : memref<10112xf32, #tpu.memory_space<vmem>>[vector<16xi32>], vector<16xf32>,
      %get3A_1005 = arith.constant 1 : i32
      %get3A_1006 = arith.constant 6 : i32
      %get3A_1007 = arith.index_cast %get3A_1005 : i32 to index
      %get3A_1008 = arith.index_cast %get3A_1006 : i32 to index
      %get3A_1009 = arith.constant 32 : index
      %get3A_1010 = tpu.vector_load %arg7[%get3A_1007, %get3A_1008, %get3A_1009] {strides = array<i32>} : memref<2x8x128xi32, #tpu.memory_space<vmem>>, vector<16xi32>,
      tpu.vector_store_idx %arg10[%get3A_1010], %broadcast_in_dim3A_2 {add = true} : memref<10112xf32, #tpu.memory_space<vmem>>[vector<16xi32>], vector<16xf32>,
      %get3A_1011 = arith.constant 1 : i32
      %get3A_1012 = arith.constant 6 : i32
      %get3A_1013 = arith.index_cast %get3A_1011 : i32 to index
      %get3A_1014 = arith.index_cast %get3A_1012 : i32 to index
      %get3A_1015 = arith.constant 48 : index
      %get3A_1016 = tpu.vector_load %arg7[%get3A_1013, %get3A_1014, %get3A_1015] {strides = array<i32>} : memref<2x8x128xi32, #tpu.memory_space<vmem>>, vector<16xi32>,
      tpu.vector_store_idx %arg10[%get3A_1016], %broadcast_in_dim3A_2 {add = true} : memref<10112xf32, #tpu.memory_space<vmem>>[vector<16xi32>], vector<16xf32>,
      %get3A_1017 = arith.constant 1 : i32
      %get3A_1018 = arith.constant 6 : i32
      %get3A_1019 = arith.index_cast %get3A_1017 : i32 to index
      %get3A_1020 = arith.index_cast %get3A_1018 : i32 to index
      %get3A_1021 = arith.constant 64 : index
      %get3A_1022 = tpu.vector_load %arg7[%get3A_1019, %get3A_1020, %get3A_1021] {strides = array<i32>} : memref<2x8x128xi32, #tpu.memory_space<vmem>>, vector<16xi32>,
      tpu.vector_store_idx %arg10[%get3A_1022], %broadcast_in_dim3A_2 {add = true} : memref<10112xf32, #tpu.memory_space<vmem>>[vector<16xi32>], vector<16xf32>,
      %get3A_1023 = arith.constant 1 : i32
      %get3A_1024 = arith.constant 6 : i32
      %get3A_1025 = arith.index_cast %get3A_1023 : i32 to index
      %get3A_1026 = arith.index_cast %get3A_1024 : i32 to index
      %get3A_1027 = arith.constant 80 : index
      %get3A_1028 = tpu.vector_load %arg7[%get3A_1025, %get3A_1026, %get3A_1027] {strides = array<i32>} : memref<2x8x128xi32, #tpu.memory_space<vmem>>, vector<16xi32>,
      tpu.vector_store_idx %arg10[%get3A_1028], %broadcast_in_dim3A_2 {add = true} : memref<10112xf32, #tpu.memory_space<vmem>>[vector<16xi32>], vector<16xf32>,
      %get3A_1029 = arith.constant 1 : i32
      %get3A_1030 = arith.constant 6 : i32
      %get3A_1031 = arith.index_cast %get3A_1029 : i32 to index
      %get3A_1032 = arith.index_cast %get3A_1030 : i32 to index
      %get3A_1033 = arith.constant 96 : index
      %get3A_1034 = tpu.vector_load %arg7[%get3A_1031, %get3A_1032, %get3A_1033] {strides = array<i32>} : memref<2x8x128xi32, #tpu.memory_space<vmem>>, vector<16xi32>,
      tpu.vector_store_idx %arg10[%get3A_1034], %broadcast_in_dim3A_2 {add = true} : memref<10112xf32, #tpu.memory_space<vmem>>[vector<16xi32>], vector<16xf32>,
      %get3A_1035 = arith.constant 1 : i32
      %get3A_1036 = arith.constant 6 : i32
      %get3A_1037 = arith.index_cast %get3A_1035 : i32 to index
      %get3A_1038 = arith.index_cast %get3A_1036 : i32 to index
      %get3A_1039 = arith.constant 112 : index
      %get3A_1040 = tpu.vector_load %arg7[%get3A_1037, %get3A_1038, %get3A_1039] {strides = array<i32>} : memref<2x8x128xi32, #tpu.memory_space<vmem>>, vector<16xi32>,
      tpu.vector_store_idx %arg10[%get3A_1040], %broadcast_in_dim3A_2 {add = true} : memref<10112xf32, #tpu.memory_space<vmem>>[vector<16xi32>], vector<16xf32>,
      %lt3A_1041 = arith.constant 19 : i32
      %lt3A_1042 = arith.cmpi slt, %add3A_586, %lt3A_1041 : i32
      %convert_element_type3A_1043 = arith.extui %lt3A_1042 : i1 to i32
      %cond3A_1044 = arith.constant 0 : i32
      %cond3A_1045 = arith.cmpi ne, %convert_element_type3A_1043, %cond3A_1044 : i32
      scf.if %cond3A_1045 {
        %add3A_1116 = arith.constant 1 : i32
        %add3A_1117 = arith.addi %add3A_586, %add3A_1116 : i32
        %dma_wait3A_1118 = arith.constant 0 : i32
        %dma_wait3A_1119 = arith.constant 0 : i32
        %dma_wait3A_1120 = arith.constant 0 : i32
        %dma_wait3A_1121 = tpu.memref_slice %arg3[%arg0, %arg1, %add3A_1117, %dma_wait3A_1118, %dma_wait3A_1119, %dma_wait3A_1120] : memref<2x16x20x2x8x128xi32, #tpu.memory_space<hbm>> -> memref<1x1x1x2x8x128xi32, #tpu.memory_space<hbm>>
        %dma_wait3A_1122 = tpu.memref_squeeze %dma_wait3A_1121 : memref<1x1x1x2x8x128xi32, #tpu.memory_space<hbm>> -> memref<2x8x128xi32, #tpu.memory_space<hbm>>
        %dma_wait3A_1123 = arith.constant 0 : i32
        %dma_wait3A_1124 = arith.constant 0 : i32
        %dma_wait3A_1125 = arith.constant 0 : i32
        %dma_wait3A_1126 = tpu.memref_slice %arg3[%arg0, %arg1, %add3A_1117, %dma_wait3A_1123, %dma_wait3A_1124, %dma_wait3A_1125] : memref<2x16x20x2x8x128xi32, #tpu.memory_space<hbm>> -> memref<1x1x1x2x8x128xi32, #tpu.memory_space<hbm>>
        %dma_wait3A_1127 = tpu.memref_squeeze %dma_wait3A_1126 : memref<1x1x1x2x8x128xi32, #tpu.memory_space<hbm>> -> memref<2x8x128xi32, #tpu.memory_space<hbm>>
        tpu.wait_dma2 semaphore(%arg14 : memref<!tpu.dma_semaphore, #tpu.memory_space<semaphore_mem>>) src(%dma_wait3A_1127 : memref<2x8x128xi32, #tpu.memory_space<hbm>>) dst(%arg6 : memref<2x8x128xi32, #tpu.memory_space<vmem>>)
        %dma_start3A_1128 = arith.constant 0 : i32
        %dma_start3A_1129 = arith.constant 0 : i32
        %dma_start3A_1130 = arith.constant 0 : i32
        %dma_start3A_1131 = tpu.memref_slice %arg6[%dma_start3A_1128, %dma_start3A_1129, %dma_start3A_1130] : memref<2x8x128xi32, #tpu.memory_space<vmem>> -> memref<1x1x128xi32, #tpu.memory_space<vmem>>
        %dma_start3A_1132 = tpu.memref_squeeze %dma_start3A_1131 : memref<1x1x128xi32, #tpu.memory_space<vmem>> -> memref<128xi32, #tpu.memory_space<vmem>>
        %dma_start3A_1133 = arith.constant 0 : i32
        %dma_start3A_1134 = arith.constant 0 : i32
        %dma_start3A_1135 = tpu.memref_slice %arg2[%dma_start3A_1133, %dma_start3A_1134] : memref<10000x128xf32, #tpu.memory_space<hbm>> -> memref<10000x128xf32, #tpu.memory_space<hbm>>
        tpu.enqueue_indirect_dma source(%dma_start3A_1135 : memref<10000x128xf32, #tpu.memory_space<hbm>>) target(%arg8 : memref<128x128xf32, #tpu.memory_space<vmem>>) offsets(%dma_start3A_1132 : memref<128xi32, #tpu.memory_space<vmem>>) semaphore(%arg12 : memref<!tpu.dma_semaphore, #tpu.memory_space<semaphore_mem>>)
      } else {
      }
      %dma_wait3A_1046 = arith.constant 0 : i32
      %dma_wait3A_1047 = arith.constant 7 : i32
      %dma_wait3A_1048 = arith.constant 0 : i32
      %dma_wait3A_1049 = tpu.memref_slice %arg7[%dma_wait3A_1046, %dma_wait3A_1047, %dma_wait3A_1048] : memref<2x8x128xi32, #tpu.memory_space<vmem>> -> memref<1x1x128xi32, #tpu.memory_space<vmem>>
      %dma_wait3A_1050 = tpu.memref_squeeze %dma_wait3A_1049 : memref<1x1x128xi32, #tpu.memory_space<vmem>> -> memref<128xi32, #tpu.memory_space<vmem>>
      %dma_wait3A_1051 = arith.constant 0 : i32
      %dma_wait3A_1052 = arith.constant 0 : i32
      %dma_wait3A_1053 = tpu.memref_slice %arg2[%dma_wait3A_1051, %dma_wait3A_1052] : memref<10000x128xf32, #tpu.memory_space<hbm>> -> memref<10000x128xf32, #tpu.memory_space<hbm>>
      tpu.wait_indirect_dma semaphore(%arg13 : memref<!tpu.dma_semaphore, #tpu.memory_space<semaphore_mem>>) src(%dma_wait3A_1053 : memref<10000x128xf32, #tpu.memory_space<hbm>>) dst(%arg9 : memref<128x128xf32, #tpu.memory_space<vmem>>)
      %run_scoped3A_1054 = arith.constant 1 : i32
      %run_scoped3A_1055 = arith.constant 7 : i32
      "tpu.region"() ({
        %run_scoped3A_1116 = tpu.sem_alloc : memref<!tpu.dma_semaphore, #tpu.memory_space<semaphore_mem>>
        %dma_start3A_1117 = arith.constant 0 : i32
        %dma_start3A_1118 = tpu.memref_slice %arg7[%run_scoped3A_1054, %run_scoped3A_1055, %dma_start3A_1117] : memref<2x8x128xi32, #tpu.memory_space<vmem>> -> memref<1x1x128xi32, #tpu.memory_space<vmem>>
        %dma_start3A_1119 = tpu.memref_squeeze %dma_start3A_1118 : memref<1x1x128xi32, #tpu.memory_space<vmem>> -> memref<128xi32, #tpu.memory_space<vmem>>
        %dma_start3A_1120 = arith.constant 0 : i32
        %dma_start3A_1121 = arith.constant 0 : i32
        %dma_start3A_1122 = tpu.memref_slice %arg11[%dma_start3A_1120, %dma_start3A_1121] : memref<10240x128xf32, #tpu.memory_space<vmem_shared>> -> memref<10240x128xf32, #tpu.memory_space<vmem_shared>>
        tpu.enqueue_indirect_dma source(%arg9 : memref<128x128xf32, #tpu.memory_space<vmem>>) target(%dma_start3A_1122 : memref<10240x128xf32, #tpu.memory_space<vmem_shared>>) offsets(%dma_start3A_1119 : memref<128xi32, #tpu.memory_space<vmem>>) semaphore(%run_scoped3A_1116 : memref<!tpu.dma_semaphore, #tpu.memory_space<semaphore_mem>>) {add = true}
        %dma_wait3A_1123 = arith.constant 0 : i32
        %dma_wait3A_1124 = tpu.memref_slice %arg7[%run_scoped3A_1054, %run_scoped3A_1055, %dma_wait3A_1123] : memref<2x8x128xi32, #tpu.memory_space<vmem>> -> memref<1x1x128xi32, #tpu.memory_space<vmem>>
        %dma_wait3A_1125 = tpu.memref_squeeze %dma_wait3A_1124 : memref<1x1x128xi32, #tpu.memory_space<vmem>> -> memref<128xi32, #tpu.memory_space<vmem>>
        %dma_wait3A_1126 = arith.constant 0 : i32
        %dma_wait3A_1127 = arith.constant 0 : i32
        %dma_wait3A_1128 = tpu.memref_slice %arg11[%dma_wait3A_1126, %dma_wait3A_1127] : memref<10240x128xf32, #tpu.memory_space<vmem_shared>> -> memref<10240x128xf32, #tpu.memory_space<vmem_shared>>
        tpu.wait_indirect_dma semaphore(%run_scoped3A_1116 : memref<!tpu.dma_semaphore, #tpu.memory_space<semaphore_mem>>) src(%arg9 : memref<128x128xf32, #tpu.memory_space<vmem>>) dst(%dma_wait3A_1128 : memref<10240x128xf32, #tpu.memory_space<vmem_shared>>)
        tpu.yield
      }) : () -> ()
      %get3A_1056 = arith.constant 1 : i32
      %get3A_1057 = arith.constant 7 : i32
      %get3A_1058 = arith.index_cast %get3A_1056 : i32 to index
      %get3A_1059 = arith.index_cast %get3A_1057 : i32 to index
      %get3A_1060 = arith.constant 0 : index
      %get3A_1061 = tpu.vector_load %arg7[%get3A_1058, %get3A_1059, %get3A_1060] {strides = array<i32>} : memref<2x8x128xi32, #tpu.memory_space<vmem>>, vector<16xi32>,
      tpu.vector_store_idx %arg10[%get3A_1061], %broadcast_in_dim3A_2 {add = true} : memref<10112xf32, #tpu.memory_space<vmem>>[vector<16xi32>], vector<16xf32>,
      %get3A_1062 = arith.constant 1 : i32
      %get3A_1063 = arith.constant 7 : i32
      %get3A_1064 = arith.index_cast %get3A_1062 : i32 to index
      %get3A_1065 = arith.index_cast %get3A_1063 : i32 to index
      %get3A_1066 = arith.constant 16 : index
      %get3A_1067 = tpu.vector_load %arg7[%get3A_1064, %get3A_1065, %get3A_1066] {strides = array<i32>} : memref<2x8x128xi32, #tpu.memory_space<vmem>>, vector<16xi32>,
      tpu.vector_store_idx %arg10[%get3A_1067], %broadcast_in_dim3A_2 {add = true} : memref<10112xf32, #tpu.memory_space<vmem>>[vector<16xi32>], vector<16xf32>,
      %get3A_1068 = arith.constant 1 : i32
      %get3A_1069 = arith.constant 7 : i32
      %get3A_1070 = arith.index_cast %get3A_1068 : i32 to index
      %get3A_1071 = arith.index_cast %get3A_1069 : i32 to index
      %get3A_1072 = arith.constant 32 : index
      %get3A_1073 = tpu.vector_load %arg7[%get3A_1070, %get3A_1071, %get3A_1072] {strides = array<i32>} : memref<2x8x128xi32, #tpu.memory_space<vmem>>, vector<16xi32>,
      tpu.vector_store_idx %arg10[%get3A_1073], %broadcast_in_dim3A_2 {add = true} : memref<10112xf32, #tpu.memory_space<vmem>>[vector<16xi32>], vector<16xf32>,
      %get3A_1074 = arith.constant 1 : i32
      %get3A_1075 = arith.constant 7 : i32
      %get3A_1076 = arith.index_cast %get3A_1074 : i32 to index
      %get3A_1077 = arith.index_cast %get3A_1075 : i32 to index
      %get3A_1078 = arith.constant 48 : index
      %get3A_1079 = tpu.vector_load %arg7[%get3A_1076, %get3A_1077, %get3A_1078] {strides = array<i32>} : memref<2x8x128xi32, #tpu.memory_space<vmem>>, vector<16xi32>,
      tpu.vector_store_idx %arg10[%get3A_1079], %broadcast_in_dim3A_2 {add = true} : memref<10112xf32, #tpu.memory_space<vmem>>[vector<16xi32>], vector<16xf32>,
      %get3A_1080 = arith.constant 1 : i32
      %get3A_1081 = arith.constant 7 : i32
      %get3A_1082 = arith.index_cast %get3A_1080 : i32 to index
      %get3A_1083 = arith.index_cast %get3A_1081 : i32 to index
      %get3A_1084 = arith.constant 64 : index
      %get3A_1085 = tpu.vector_load %arg7[%get3A_1082, %get3A_1083, %get3A_1084] {strides = array<i32>} : memref<2x8x128xi32, #tpu.memory_space<vmem>>, vector<16xi32>,
      tpu.vector_store_idx %arg10[%get3A_1085], %broadcast_in_dim3A_2 {add = true} : memref<10112xf32, #tpu.memory_space<vmem>>[vector<16xi32>], vector<16xf32>,
      %get3A_1086 = arith.constant 1 : i32
      %get3A_1087 = arith.constant 7 : i32
      %get3A_1088 = arith.index_cast %get3A_1086 : i32 to index
      %get3A_1089 = arith.index_cast %get3A_1087 : i32 to index
      %get3A_1090 = arith.constant 80 : index
      %get3A_1091 = tpu.vector_load %arg7[%get3A_1088, %get3A_1089, %get3A_1090] {strides = array<i32>} : memref<2x8x128xi32, #tpu.memory_space<vmem>>, vector<16xi32>,
      tpu.vector_store_idx %arg10[%get3A_1091], %broadcast_in_dim3A_2 {add = true} : memref<10112xf32, #tpu.memory_space<vmem>>[vector<16xi32>], vector<16xf32>,
      %get3A_1092 = arith.constant 1 : i32
      %get3A_1093 = arith.constant 7 : i32
      %get3A_1094 = arith.index_cast %get3A_1092 : i32 to index
      %get3A_1095 = arith.index_cast %get3A_1093 : i32 to index
      %get3A_1096 = arith.constant 96 : index
      %get3A_1097 = tpu.vector_load %arg7[%get3A_1094, %get3A_1095, %get3A_1096] {strides = array<i32>} : memref<2x8x128xi32, #tpu.memory_space<vmem>>, vector<16xi32>,
      tpu.vector_store_idx %arg10[%get3A_1097], %broadcast_in_dim3A_2 {add = true} : memref<10112xf32, #tpu.memory_space<vmem>>[vector<16xi32>], vector<16xf32>,
      %get3A_1098 = arith.constant 1 : i32
      %get3A_1099 = arith.constant 7 : i32
      %get3A_1100 = arith.index_cast %get3A_1098 : i32 to index
      %get3A_1101 = arith.index_cast %get3A_1099 : i32 to index
      %get3A_1102 = arith.constant 112 : index
      %get3A_1103 = tpu.vector_load %arg7[%get3A_1100, %get3A_1101, %get3A_1102] {strides = array<i32>} : memref<2x8x128xi32, #tpu.memory_space<vmem>>, vector<16xi32>,
      tpu.vector_store_idx %arg10[%get3A_1103], %broadcast_in_dim3A_2 {add = true} : memref<10112xf32, #tpu.memory_space<vmem>>[vector<16xi32>], vector<16xf32>,
      %lt3A_1104 = arith.constant 19 : i32
      %lt3A_1105 = arith.cmpi slt, %add3A_586, %lt3A_1104 : i32
      %convert_element_type3A_1106 = arith.extui %lt3A_1105 : i1 to i32
      %cond3A_1107 = arith.constant 0 : i32
      %cond3A_1108 = arith.cmpi ne, %convert_element_type3A_1106, %cond3A_1107 : i32
      scf.if %cond3A_1108 {
        %dma_start3A_1116 = arith.constant 0 : i32
        %dma_start3A_1117 = arith.constant 1 : i32
        %dma_start3A_1118 = arith.constant 0 : i32
        %dma_start3A_1119 = tpu.memref_slice %arg6[%dma_start3A_1116, %dma_start3A_1117, %dma_start3A_1118] : memref<2x8x128xi32, #tpu.memory_space<vmem>> -> memref<1x1x128xi32, #tpu.memory_space<vmem>>
        %dma_start3A_1120 = tpu.memref_squeeze %dma_start3A_1119 : memref<1x1x128xi32, #tpu.memory_space<vmem>> -> memref<128xi32, #tpu.memory_space<vmem>>
        %dma_start3A_1121 = arith.constant 0 : i32
        %dma_start3A_1122 = arith.constant 0 : i32
        %dma_start3A_1123 = tpu.memref_slice %arg2[%dma_start3A_1121, %dma_start3A_1122] : memref<10000x128xf32, #tpu.memory_space<hbm>> -> memref<10000x128xf32, #tpu.memory_space<hbm>>
        tpu.enqueue_indirect_dma source(%dma_start3A_1123 : memref<10000x128xf32, #tpu.memory_space<hbm>>) target(%arg9 : memref<128x128xf32, #tpu.memory_space<vmem>>) offsets(%dma_start3A_1120 : memref<128xi32, #tpu.memory_space<vmem>>) semaphore(%arg13 : memref<!tpu.dma_semaphore, #tpu.memory_space<semaphore_mem>>)
      } else {
      }
      %add3A_1109 = arith.constant 2 : i32
      %add3A_1110 = arith.addi %add3A_586, %add3A_1109 : i32
      %lt3A_1111 = arith.constant 20 : i32
      %lt3A_1112 = arith.cmpi slt, %add3A_1110, %lt3A_1111 : i32
      %convert_element_type3A_1113 = arith.extui %lt3A_1112 : i1 to i32
      %cond3A_1114 = arith.constant 0 : i32
      %cond3A_1115 = arith.cmpi ne, %convert_element_type3A_1113, %cond3A_1114 : i32
      scf.if %cond3A_1115 {
        %add3A_1116 = arith.constant 2 : i32
        %add3A_1117 = arith.addi %add3A_586, %add3A_1116 : i32
        %dma_start3A_1118 = arith.constant 0 : i32
        %dma_start3A_1119 = arith.constant 0 : i32
        %dma_start3A_1120 = arith.constant 0 : i32
        %dma_start3A_1121 = tpu.memref_slice %arg3[%arg0, %arg1, %add3A_1117, %dma_start3A_1118, %dma_start3A_1119, %dma_start3A_1120] : memref<2x16x20x2x8x128xi32, #tpu.memory_space<hbm>> -> memref<1x1x1x2x8x128xi32, #tpu.memory_space<hbm>>
        %dma_start3A_1122 = tpu.memref_squeeze %dma_start3A_1121 : memref<1x1x1x2x8x128xi32, #tpu.memory_space<hbm>> -> memref<2x8x128xi32, #tpu.memory_space<hbm>>
        %dma_start3A_1123 = arith.constant 0 : i32
        %dma_start3A_1124 = arith.constant 0 : i32
        %dma_start3A_1125 = arith.constant 0 : i32
        %dma_start3A_1126 = tpu.memref_slice %arg3[%arg0, %arg1, %add3A_1117, %dma_start3A_1123, %dma_start3A_1124, %dma_start3A_1125] : memref<2x16x20x2x8x128xi32, #tpu.memory_space<hbm>> -> memref<1x1x1x2x8x128xi32, #tpu.memory_space<hbm>>
        %dma_start3A_1127 = tpu.memref_squeeze %dma_start3A_1126 : memref<1x1x1x2x8x128xi32, #tpu.memory_space<hbm>> -> memref<2x8x128xi32, #tpu.memory_space<hbm>>
        tpu.enqueue_dma source(%dma_start3A_1127 : memref<2x8x128xi32, #tpu.memory_space<hbm>>) target(%arg7 : memref<2x8x128xi32, #tpu.memory_space<vmem>>) target_semaphore(%arg15 : memref<!tpu.dma_semaphore, #tpu.memory_space<semaphore_mem>>)
      } else {
      }
    }
    %scan3A_48 = arith.constant 10 : i32
    %barrier3A_49 = arith.constant 0 : index
    tpu.barrier barrier_id(%barrier3A_49)
    %scan3A_50 = arith.constant 0 : i32
    %scan3A_51 = arith.constant 5 : i32
    %scan3A_52 = arith.addi %scan3A_50, %scan3A_51 : i32
    %scan3A_53 = arith.constant 1 : i32
    scf.for %scan3A_55 = %scan3A_50 to %scan3A_52 step %scan3A_53  : i32 {
      %mul3A_56 = arith.constant 1 : i32
      %mul3A_57 = arith.muli %scan3A_55, %mul3A_56 : i32
      %add3A = arith.constant 0 : i32
      %add3A_58 = arith.addi %add3A, %mul3A_57 : i32
      %mul3A_59 = arith.constant 128 : i32
      %mul3A_60 = arith.muli %add3A_58, %mul3A_59 : i32
      %add3A_61 = arith.addi %mul3A_12, %mul3A_60 : i32
      "tpu.region"() ({
        %run_scoped3A_62 = tpu.sem_alloc : memref<!tpu.dma_semaphore, #tpu.memory_space<semaphore_mem>>
        %dma_start3A_63 = arith.constant 0 : i32
        %dma_start3A_64 = tpu.memref_slice %arg11[%add3A_61, %dma_start3A_63] : memref<10240x128xf32, #tpu.memory_space<vmem_shared>> -> memref<128x128xf32, #tpu.memory_space<vmem_shared>>
        %dma_start3A_65 = arith.constant 0 : i32
        %dma_start3A_66 = tpu.memref_slice %arg11[%add3A_61, %dma_start3A_65] : memref<10240x128xf32, #tpu.memory_space<vmem_shared>> -> memref<128x128xf32, #tpu.memory_space<vmem_shared>>
        tpu.enqueue_dma source(%dma_start3A_66 : memref<128x128xf32, #tpu.memory_space<vmem_shared>>) target(%arg8 : memref<128x128xf32, #tpu.memory_space<vmem>>) target_semaphore(%run_scoped3A_62 : memref<!tpu.dma_semaphore, #tpu.memory_space<semaphore_mem>>)
        %dma_wait3A = arith.constant 0 : i32
        %dma_wait3A_67 = tpu.memref_slice %arg11[%add3A_61, %dma_wait3A] : memref<10240x128xf32, #tpu.memory_space<vmem_shared>> -> memref<128x128xf32, #tpu.memory_space<vmem_shared>>
        %dma_wait3A_68 = arith.constant 0 : i32
        %dma_wait3A_69 = tpu.memref_slice %arg11[%add3A_61, %dma_wait3A_68] : memref<10240x128xf32, #tpu.memory_space<vmem_shared>> -> memref<128x128xf32, #tpu.memory_space<vmem_shared>>
        tpu.wait_dma2 semaphore(%run_scoped3A_62 : memref<!tpu.dma_semaphore, #tpu.memory_space<semaphore_mem>>) src(%dma_wait3A_69 : memref<128x128xf32, #tpu.memory_space<vmem_shared>>) dst(%arg8 : memref<128x128xf32, #tpu.memory_space<vmem>>)
        tpu.yield
      }) : () -> ()
      "tpu.region"() ({
        %run_scoped3A_62 = tpu.sem_alloc : memref<!tpu.dma_semaphore, #tpu.memory_space<semaphore_mem>>
        %dma_start3A_63 = arith.constant 0 : i32
        %dma_start3A_64 = tpu.memref_slice %arg4[%arg0, %add3A_61, %dma_start3A_63] : memref<2x10240x128xf32, #tpu.memory_space<hbm>> -> memref<1x128x128xf32, #tpu.memory_space<hbm>>
        %dma_start3A_65 = tpu.memref_squeeze %dma_start3A_64 : memref<1x128x128xf32, #tpu.memory_space<hbm>> -> memref<128x128xf32, #tpu.memory_space<hbm>>
        %dma_start3A_66 = arith.constant 0 : i32
        %dma_start3A_67 = tpu.memref_slice %arg4[%arg0, %add3A_61, %dma_start3A_66] : memref<2x10240x128xf32, #tpu.memory_space<hbm>> -> memref<1x128x128xf32, #tpu.memory_space<hbm>>
        %dma_start3A_68 = tpu.memref_squeeze %dma_start3A_67 : memref<1x128x128xf32, #tpu.memory_space<hbm>> -> memref<128x128xf32, #tpu.memory_space<hbm>>
        tpu.enqueue_dma source(%arg8 : memref<128x128xf32, #tpu.memory_space<vmem>>) target(%dma_start3A_68 : memref<128x128xf32, #tpu.memory_space<hbm>>) target_semaphore(%run_scoped3A_62 : memref<!tpu.dma_semaphore, #tpu.memory_space<semaphore_mem>>)
        %dma_wait3A = arith.constant 0 : i32
        %dma_wait3A_69 = tpu.memref_slice %arg4[%arg0, %add3A_61, %dma_wait3A] : memref<2x10240x128xf32, #tpu.memory_space<hbm>> -> memref<1x128x128xf32, #tpu.memory_space<hbm>>
        %dma_wait3A_70 = tpu.memref_squeeze %dma_wait3A_69 : memref<1x128x128xf32, #tpu.memory_space<hbm>> -> memref<128x128xf32, #tpu.memory_space<hbm>>
        %dma_wait3A_71 = arith.constant 0 : i32
        %dma_wait3A_72 = tpu.memref_slice %arg4[%arg0, %add3A_61, %dma_wait3A_71] : memref<2x10240x128xf32, #tpu.memory_space<hbm>> -> memref<1x128x128xf32, #tpu.memory_space<hbm>>
        %dma_wait3A_73 = tpu.memref_squeeze %dma_wait3A_72 : memref<1x128x128xf32, #tpu.memory_space<hbm>> -> memref<128x128xf32, #tpu.memory_space<hbm>>
        tpu.wait_dma2 semaphore(%run_scoped3A_62 : memref<!tpu.dma_semaphore, #tpu.memory_space<semaphore_mem>>) src(%arg8 : memref<128x128xf32, #tpu.memory_space<vmem>>) dst(%dma_wait3A_73 : memref<128x128xf32, #tpu.memory_space<hbm>>)
        tpu.yield
      }) : () -> ()
    }
    %scan3A_54 = arith.constant 5 : i32
    "tpu.region"() ({
      %run_scoped3A_55 = tpu.sem_alloc : memref<!tpu.dma_semaphore, #tpu.memory_space<semaphore_mem>>
      %dma_start3A_56 = arith.constant 0 : i32
      %dma_start3A_57 = tpu.memref_slice %arg5[%arg0, %arg1, %dma_start3A_56] : memref<2x16x10112xf32, #tpu.memory_space<hbm>> -> memref<1x1x10112xf32, #tpu.memory_space<hbm>>
      %dma_start3A_58 = tpu.memref_squeeze %dma_start3A_57 : memref<1x1x10112xf32, #tpu.memory_space<hbm>> -> memref<10112xf32, #tpu.memory_space<hbm>>
      %dma_start3A_59 = arith.constant 0 : i32
      %dma_start3A_60 = tpu.memref_slice %arg5[%arg0, %arg1, %dma_start3A_59] : memref<2x16x10112xf32, #tpu.memory_space<hbm>> -> memref<1x1x10112xf32, #tpu.memory_space<hbm>>
      %dma_start3A_61 = tpu.memref_squeeze %dma_start3A_60 : memref<1x1x10112xf32, #tpu.memory_space<hbm>> -> memref<10112xf32, #tpu.memory_space<hbm>>
      tpu.enqueue_dma source(%arg10 : memref<10112xf32, #tpu.memory_space<vmem>>) target(%dma_start3A_61 : memref<10112xf32, #tpu.memory_space<hbm>>) target_semaphore(%run_scoped3A_55 : memref<!tpu.dma_semaphore, #tpu.memory_space<semaphore_mem>>)
      %dma_wait3A = arith.constant 0 : i32
      %dma_wait3A_62 = tpu.memref_slice %arg5[%arg0, %arg1, %dma_wait3A] : memref<2x16x10112xf32, #tpu.memory_space<hbm>> -> memref<1x1x10112xf32, #tpu.memory_space<hbm>>
      %dma_wait3A_63 = tpu.memref_squeeze %dma_wait3A_62 : memref<1x1x10112xf32, #tpu.memory_space<hbm>> -> memref<10112xf32, #tpu.memory_space<hbm>>
      %dma_wait3A_64 = arith.constant 0 : i32
      %dma_wait3A_65 = tpu.memref_slice %arg5[%arg0, %arg1, %dma_wait3A_64] : memref<2x16x10112xf32, #tpu.memory_space<hbm>> -> memref<1x1x10112xf32, #tpu.memory_space<hbm>>
      %dma_wait3A_66 = tpu.memref_squeeze %dma_wait3A_65 : memref<1x1x10112xf32, #tpu.memory_space<hbm>> -> memref<10112xf32, #tpu.memory_space<hbm>>
      tpu.wait_dma2 semaphore(%run_scoped3A_55 : memref<!tpu.dma_semaphore, #tpu.memory_space<semaphore_mem>>) src(%arg10 : memref<10112xf32, #tpu.memory_space<vmem>>) dst(%dma_wait3A_66 : memref<10112xf32, #tpu.memory_space<hbm>>)
      tpu.yield
    }) : () -> ()
    return
  }
}

module attributes {stable_mosaic.version = 14 : i64} {
  func.func @_combine_body(%arg0: i32, %arg1: memref<1000x128xf32, #tpu.memory_space<vmem>>, %arg2: memref<128x128xf32, #tpu.memory_space<vmem>>, %arg3: memref<128x128xf32, #tpu.memory_space<vmem>>, %arg4: memref<2x1000x128xf32, #tpu.memory_space<vmem>>, %arg5: memref<1x2x16x1000xf32, #tpu.memory_space<vmem>>, %arg6: memref<1000x128xf32, #tpu.memory_space<vmem>>) attributes {dimension_semantics = [#tpu.dimension_semantics<arbitrary>], iteration_bounds = array<i64: 10>, scalar_prefetch = 0 : i64, scratch_operands = 0 : i64, tpu.core_type = #tpu.core_type<tc>, window_params = [{transform_indices = @transform_0, window_bounds = array<i64: 1000, 128>}, {pipeline_mode = #tpu.pipeline_mode<synchronous>, transform_indices = @transform_1, window_bounds = array<i64: 128, 128>}, {pipeline_mode = #tpu.pipeline_mode<synchronous>, transform_indices = @transform_2, window_bounds = array<i64: 128, 128>}, {transform_indices = @transform_3, window_bounds = array<i64: 2, 1000, 128>}, {transform_indices = @transform_4, window_bounds = array<i64: 1, 2, 16, 1000>}, {transform_indices = @transform_5, window_bounds = array<i64: 1000, 128>}]} {
    %get3A = arith.constant 0 : index
    %get3A_0 = arith.constant 0 : index
    %get3A_1 = vector.load %arg1[%get3A, %get3A_0] : memref<1000x128xf32, #tpu.memory_space<vmem>>, vector<1000x128xf32>
    %get3A_2 = arith.constant 0 : index
    %get3A_3 = arith.constant 0 : index
    %get3A_4 = vector.load %arg2[%get3A_2, %get3A_3] : memref<128x128xf32, #tpu.memory_space<vmem>>, vector<128x128xf32>
    %dot_general3A = arith.constant dense<0.000000e+00> : vector<1000x128xf32>
    %dot_general3A_5 = tpu.matmul %get3A_1, %get3A_4, %dot_general3A {dimension_numbers = #tpu.dot_dimension_numbers<[1], [0], [0], [1], [0, 0, 1, 1], [], []>, precision = #tpu.contract_precision<fp32>, transpose_lhs_hint = false} : vector<1000x128xf32>, vector<128x128xf32>, vector<1000x128xf32> -> vector<1000x128xf32>
    %logistic3A = arith.negf %dot_general3A_5 : vector<1000x128xf32>
    %logistic3A_6 = math.exp %logistic3A : vector<1000x128xf32>
    %logistic3A_7 = arith.constant 1.000000e+00 : f32
    %logistic3A_8 = vector.broadcast %logistic3A_7 : f32 to vector<1000x128xf32>
    %logistic3A_9 = arith.addf %logistic3A_8, %logistic3A_6 : vector<1000x128xf32>
    %logistic3A_10 = arith.divf %logistic3A_8, %logistic3A_9 : vector<1000x128xf32>
    %get3A_11 = arith.constant 0 : index
    %get3A_12 = arith.constant 0 : index
    %get3A_13 = vector.load %arg3[%get3A_11, %get3A_12] : memref<128x128xf32, #tpu.memory_space<vmem>>, vector<128x128xf32>
    %dot_general3A_14 = arith.constant dense<0.000000e+00> : vector<1000x128xf32>
    %dot_general3A_15 = tpu.matmul %get3A_1, %get3A_13, %dot_general3A_14 {dimension_numbers = #tpu.dot_dimension_numbers<[1], [0], [0], [1], [0, 0, 1, 1], [], []>, precision = #tpu.contract_precision<fp32>, transpose_lhs_hint = false} : vector<1000x128xf32>, vector<128x128xf32>, vector<1000x128xf32> -> vector<1000x128xf32>
    %logistic3A_16 = arith.negf %dot_general3A_15 : vector<1000x128xf32>
    %logistic3A_17 = math.exp %logistic3A_16 : vector<1000x128xf32>
    %logistic3A_18 = arith.constant 1.000000e+00 : f32
    %logistic3A_19 = vector.broadcast %logistic3A_18 : f32 to vector<1000x128xf32>
    %logistic3A_20 = arith.addf %logistic3A_19, %logistic3A_17 : vector<1000x128xf32>
    %logistic3A_21 = arith.divf %logistic3A_19, %logistic3A_20 : vector<1000x128xf32>
    %get3A_22 = arith.constant 0 : index
    %get3A_23 = arith.constant 0 : index
    %get3A_24 = arith.constant 0 : index
    %get3A_25 = arith.constant 0 : index
    %get3A_26 = vector.load %arg5[%get3A_22, %get3A_23, %get3A_24, %get3A_25] : memref<1x2x16x1000xf32, #tpu.memory_space<vmem>>, vector<1x1x16x1000xf32>
    %get3A_27 = vector.shape_cast %get3A_26 : vector<1x1x16x1000xf32> to vector<16x1000xf32>
    %reduce_sum3A = arith.constant dense<0.000000e+00> : vector<1000xf32>
    %reduce_sum3A_28 = vector.multi_reduction <add>, %get3A_27, %reduce_sum3A [0] : vector<16x1000xf32> to vector<1000xf32>
    %max3A = arith.constant 1.000000e+00 : f32
    %max3A_29 = vector.broadcast %max3A : f32 to vector<1000xf32>
    %max3A_30 = arith.maximumf %reduce_sum3A_28, %max3A_29 : vector<1000xf32>
    %get3A_31 = arith.constant 0 : index
    %get3A_32 = arith.constant 1 : index
    %get3A_33 = arith.constant 0 : index
    %get3A_34 = arith.constant 0 : index
    %get3A_35 = vector.load %arg5[%get3A_31, %get3A_32, %get3A_33, %get3A_34] : memref<1x2x16x1000xf32, #tpu.memory_space<vmem>>, vector<1x1x16x1000xf32>
    %get3A_36 = vector.shape_cast %get3A_35 : vector<1x1x16x1000xf32> to vector<16x1000xf32>
    %reduce_sum3A_37 = arith.constant dense<0.000000e+00> : vector<1000xf32>
    %reduce_sum3A_38 = vector.multi_reduction <add>, %get3A_36, %reduce_sum3A_37 [0] : vector<16x1000xf32> to vector<1000xf32>
    %max3A_39 = arith.constant 1.000000e+00 : f32
    %max3A_40 = vector.broadcast %max3A_39 : f32 to vector<1000xf32>
    %max3A_41 = arith.maximumf %reduce_sum3A_38, %max3A_40 : vector<1000xf32>
    %get3A_42 = arith.constant 0 : index
    %get3A_43 = arith.constant 0 : index
    %get3A_44 = arith.constant 0 : index
    %get3A_45 = vector.load %arg4[%get3A_42, %get3A_43, %get3A_44] : memref<2x1000x128xf32, #tpu.memory_space<vmem>>, vector<1x1000x128xf32>
    %get3A_46 = vector.shape_cast %get3A_45 : vector<1x1000x128xf32> to vector<1000x128xf32>
    %broadcast_in_dim3A = vector.shape_cast %max3A_30 : vector<1000xf32> to vector<1000x1xf32>
    %div3A = vector.broadcast %broadcast_in_dim3A : vector<1000x1xf32> to vector<1000x128xf32>
    %div3A_47 = arith.divf %get3A_46, %div3A : vector<1000x128xf32>
    %get3A_48 = arith.constant 1 : index
    %get3A_49 = arith.constant 0 : index
    %get3A_50 = arith.constant 0 : index
    %get3A_51 = vector.load %arg4[%get3A_48, %get3A_49, %get3A_50] : memref<2x1000x128xf32, #tpu.memory_space<vmem>>, vector<1x1000x128xf32>
    %get3A_52 = vector.shape_cast %get3A_51 : vector<1x1000x128xf32> to vector<1000x128xf32>
    %broadcast_in_dim3A_53 = vector.shape_cast %max3A_41 : vector<1000xf32> to vector<1000x1xf32>
    %div3A_54 = vector.broadcast %broadcast_in_dim3A_53 : vector<1000x1xf32> to vector<1000x128xf32>
    %div3A_55 = arith.divf %get3A_52, %div3A_54 : vector<1000x128xf32>
    %mul3A = arith.mulf %logistic3A_10, %div3A_47 : vector<1000x128xf32>
    %mul3A_56 = arith.mulf %logistic3A_21, %div3A_55 : vector<1000x128xf32>
    %add3A = arith.addf %mul3A, %mul3A_56 : vector<1000x128xf32>
    %add3A_57 = arith.addf %logistic3A_10, %logistic3A_21 : vector<1000x128xf32>
    %div3A_58 = arith.divf %add3A, %add3A_57 : vector<1000x128xf32>
    %swap3A = arith.constant 0 : index
    %swap3A_59 = arith.constant 0 : index
    %swap3A_60 = vector.load %arg6[%swap3A, %swap3A_59] : memref<1000x128xf32, #tpu.memory_space<vmem>>, vector<1000x128xf32>
    tpu.vector_store %arg6[%swap3A, %swap3A_59], %div3A_58 {strides = array<i32>} : memref<1000x128xf32, #tpu.memory_space<vmem>>, vector<1000x128xf32>,
    return
  }
  func.func @transform_0(%arg0: i32) -> (i32, i32) {
    %c0_i32 = arith.constant 0 : i32
    %c0_i32_0 = arith.constant 0 : i32
    return %arg0, %c0_i32 : i32, i32
  }
  func.func @transform_1(%arg0: i32) -> (i32, i32) {
    %c0_i32 = arith.constant 0 : i32
    %c0_i32_0 = arith.constant 0 : i32
    %c0_i32_1 = arith.constant 0 : i32
    return %c0_i32, %c0_i32_0 : i32, i32
  }
  func.func @transform_2(%arg0: i32) -> (i32, i32) {
    %c0_i32 = arith.constant 0 : i32
    %c0_i32_0 = arith.constant 0 : i32
    %c0_i32_1 = arith.constant 0 : i32
    return %c0_i32, %c0_i32_0 : i32, i32
  }
  func.func @transform_3(%arg0: i32) -> (i32, i32, i32) {
    %c0_i32 = arith.constant 0 : i32
    %c0_i32_0 = arith.constant 0 : i32
    %c0_i32_1 = arith.constant 0 : i32
    return %c0_i32, %arg0, %c0_i32_0 : i32, i32, i32
  }
  func.func @transform_4(%arg0: i32) -> (i32, i32, i32, i32) {
    %c0_i32 = arith.constant 0 : i32
    %c0_i32_0 = arith.constant 0 : i32
    %c0_i32_1 = arith.constant 0 : i32
    %c0_i32_2 = arith.constant 0 : i32
    return %arg0, %c0_i32, %c0_i32_0, %c0_i32_1 : i32, i32, i32, i32
  }
  func.func @transform_5(%arg0: i32) -> (i32, i32) {
    %c0_i32 = arith.constant 0 : i32
    %c0_i32_0 = arith.constant 0 : i32
    return %arg0, %c0_i32 : i32, i32
  }
}

</mosaic_0001>

<sc_bundles>
// kernel: kernel.4.cloned.1.call-start
scs
__scs_entry_jumppad:
0x0: {  	(pc) =	sbr.rel $0x88, $3  }
0x1: {  	(tag) =	ssettag $0x0;
	lr =	simm.s32 $0x1  }
0x2: {  	[smem:$0x3F9C] =	sst lr;
	_ =	strace $0xD0000000  }
0x3: {  	_ = 	snop  }
0x4: {  	_ = 	snop  }
0x5: {  	_ = 	snop  }
0x6: {  	_ = 	snop  }
0x7: {  	_ = 	snop  }
__scs_overlays_trampoline_lowered:
0x8: {  	[smem:$0x3FAB] =	sst s0  }
0x9: {  	[smem:$0x3FAC] =	sst s1  }
0xa: {  	[smem:$0x3FAD] =	sst s2  }
0xb: {  	[smem:$0x3FAE] =	sst s3  }
0xc: {  	[smem:$0x3FAF] =	sst s4  }
0xd: {  	[smem:$0x3FB0] =	sst s5  }
0xe: {  	[smem:$0x3FB1] =	sst s6  }
0xf: {  	[smem:$0x3FB2] =	sst s7  }
0x10: {  	[smem:$0x3FB3] =	sst s8  }
0x11: {  	[smem:$0x3FB4] =	sst s9;
	s0 =	simm.s32 @!p0 $0x0  }
0x12: {  	s1 =	sld [smem:$0x3F9A];
	s0 =	simm.s32 @p0 $0x1  }
0x13: {  	[smem:$0x3FB5] =	sst s0;
	s0 =	simm.s32 @!p1 $0x0  }
0x14: {  	s2 =	sld [smem:$0x3F99];
	s0 =	simm.s32 @p1 $0x1  }
0x15: {  	[smem:$0x3FB6] =	sst s0;
	s0 =	simm.s32 @!p2 $0x0  }
0x16: {  	s3 =	sld [smem:$0x3FDB];
	s0 =	simm.s32 @p2 $0x1  }
0x17: {  	s4 =	simm.s32 $0x1BF5;
	[smem:$0x3FB8] =	sst s0  }
0x18: {  	s0 =	sld [smem:$0x3F9B];
	_ =	swait.ge [sflag:s4], $0x0  }
0x19: {  	s7 =	sld [smem:$0x3F9C]  }
0x1a: {  	s8 =	sadd.s32 $0xFFFFE003, lr  }
0x1b: {  	s9 =	sadd.s32 $0xFFFFFEF7, lr;
	s5 =	simm.s32 $0xFFFFFFFF;
	p2 =	slt.u32 s8, $0xFFFFF086  }
0x1c: {  	p1 =	slt.u32 s9, $0xF7A;
	s5 =	simm.s32 @!p2 $0x0  }
0x1d: {  	s5 =	simm.s32 @p1 $0x1;
	p0 =	seq.s32 s7, s2  }
0x1e: {  	s7 =	smul.u32 @!p0 $0xF7A, s2;
	p2 =	seq.s32 @!p0 s5, $0x0  }
0x1f: {  	s9 =	smul.u32 $0xF7A, s1;
	s8 =	simm.s32 @!p0 $0x1BF5;
	p2 =	por !p2, p0  }
0x20: {  	[sflag:s8] =	ssyncset.s32 @!p0 $0xFFFFF086;
	s6 =	sadd.s32 @!p0 s3, s7;
	s7 =	simm.s32 @!p0 $0x108  }
0x21: {  	s3 =	sadd.s32 s3, s9;
	s6 =	sadd.s32 @!p0 $0x88, s6;
	s7 =	simm.s32 @p2 $0x1082  }
0x22: {  	[simem:s7], [sflag:s8] =	dma.local @!p0 [hbm:s6], $0xF7A  }
0x23: {  	s9 =	sor.u32 $0xD0000000, s2;
	s6 =	simm.s32 $0x108;
	_ =	swait.ge @!p0 [sflag:s8], $0x0  }
0x24: {  	s3 =	sadd.s32 $0x88, s3;
	s6 =	simm.s32 @!p1 $0x1082;
	[sflag:s4] =	ssyncset.s32 $0xFFFFF086  }
0x25: {  	[simem:s6], [sflag:s4] =	dma.local [hbm:s3], $0xF7A  }
0x26: {  	[smem:$0x3F9C] =	sst s1;
	(tag) =	ssettag s2;
	_ =	strace s9  }
0x27: {  	s1 =	sld [smem:$0x3FAC]  }
0x28: {  	s2 =	sld [smem:$0x3FAD]  }
0x29: {  	s4 =	sld [smem:$0x3FAF]  }
0x2a: {  	p0 =	seq.s32 s5, $0x0;
	s5 =	sld [smem:$0x3FB0]  }
0x2b: {  	s6 =	sld [smem:$0x3FB1]  }
0x2c: {  	s7 =	sld [smem:$0x3FB2]  }
0x2d: {  	s3 =	simm.s32 $0x108;
	s8 =	sld [smem:$0x3FB3]  }
0x2e: {  	s3 =	simm.s32 @!p0 $0x1082;
	s9 =	sld [smem:$0x3FB4]  }
0x2f: {  	lr =	sadd.s32 s0, s3;
	s0 =	sld [smem:$0x3FAB]  }
0x30: {  	s3 =	sld [smem:$0x3FAE]  }
0x31: {  	[smem:$0x3FB7] =	sst s10  }
0x32: {  	s10 =	sld [smem:$0x3FB5];
	_ =	sdelay $0x3  }
0x33: {  	p0 =	seq.s32 s10, $0x1;
	s10 =	sld [smem:$0x3FB7];
	_ =	sdelay $0x3  }
0x34: {  	[smem:$0x3FB7] =	sst s10  }
0x35: {  	s10 =	sld [smem:$0x3FB6];
	_ =	sdelay $0x3  }
0x36: {  	p1 =	seq.s32 s10, $0x1;
	s10 =	sld [smem:$0x3FB7];
	_ =	sdelay $0x3  }
0x37: {  	[smem:$0x3FB7] =	sst s10  }
0x38: {  	s10 =	sld [smem:$0x3FB8]  }
0x39: {  	_ = 	snop;
	(pc) =	sbr.ind lr, $3  }
0x3a: {  	_ = 	snop  }
0x3b: {  	_ = 	snop  }
0x3c: {  	p2 =	seq.s32 s10, $0x1;
	s10 =	sld [smem:$0x3FB7]  }
0x3d: {  	_ =	shalt  }
0x3e: {  	_ =	shalt  }
0x3f: {  	_ =	shalt  }
0x40: {  	_ =	shalt  }
0x41: {  	_ =	shalt  }
0x42: {  	_ =	shalt  }
0x43: {  	_ =	shalt  }
0x44: {  	_ =	shalt  }
0x45: {  	_ =	shalt  }
0x46: {  	_ =	shalt  }
0x47: {  	_ =	shalt  }
0x48: {  	_ =	shalt  }
0x49: {  	_ =	shalt  }
0x4a: {  	_ =	shalt  }
0x4b: {  	_ =	shalt  }
0x4c: {  	_ =	shalt  }
0x4d: {  	_ =	shalt  }
0x4e: {  	_ =	shalt  }
0x4f: {  	_ =	shalt  }
0x50: {  	_ =	shalt  }
0x51: {  	_ =	shalt  }
0x52: {  	_ =	shalt  }
0x53: {  	_ =	shalt  }
0x54: {  	_ =	shalt  }
0x55: {  	_ =	shalt  }
0x56: {  	_ =	shalt  }
0x57: {  	_ =	shalt  }
0x58: {  	_ =	shalt  }
0x59: {  	_ =	shalt  }
0x5a: {  	_ =	shalt  }
0x5b: {  	_ =	shalt  }
0x5c: {  	_ =	shalt  }
0x5d: {  	_ =	shalt  }
0x5e: {  	_ =	shalt  }
0x5f: {  	_ =	shalt  }
0x60: {  	_ =	shalt  }
0x61: {  	_ =	shalt  }
0x62: {  	_ =	shalt  }
0x63: {  	_ =	shalt  }
0x64: {  	_ =	shalt  }
0x65: {  	_ =	shalt  }
0x66: {  	_ =	shalt  }
0x67: {  	_ =	shalt  }
0x68: {  	_ =	shalt  }
0x69: {  	_ =	shalt  }
0x6a: {  	_ =	shalt  }
0x6b: {  	_ =	shalt  }
0x6c: {  	_ =	shalt  }
0x6d: {  	_ =	shalt  }
0x6e: {  	_ =	shalt  }
0x6f: {  	_ =	shalt  }
0x70: {  	_ =	shalt  }
0x71: {  	_ =	shalt  }
0x72: {  	_ =	shalt  }
0x73: {  	_ =	shalt  }
0x74: {  	_ =	shalt  }
0x75: {  	_ =	shalt  }
0x76: {  	_ =	shalt  }
0x77: {  	_ =	shalt  }
0x78: {  	_ =	shalt  }
0x79: {  	_ =	shalt  }
0x7a: {  	_ =	shalt  }
0x7b: {  	_ =	shalt  }
0x7c: {  	_ =	shalt  }
0x7d: {  	_ =	shalt  }
0x7e: {  	_ =	shalt  }
0x7f: {  	_ =	shalt  }
0x80: {  	_ =	shalt  }
0x81: {  	_ =	shalt  }
0x82: {  	_ =	shalt  }
0x83: {  	_ =	shalt  }
0x84: {  	_ =	shalt  }
0x85: {  	_ =	shalt  }
0x86: {  	_ =	shalt  }
0x87: {  	_ =	shalt  }
.Lfunc_end0:
.L_simem_size_0:
called_computation_lowered:
.L_overlay_start_0:
0x88: {  	s2 =	sld [smem:$0x3FD9]  }
0x89: {  	s3 =	sld [smem:$0x3FFE];
	_ =	sdelay $0x1  }
0x8a: {  	s1 =	srdreg.scid  }
0x8b: {  	s0 =	sand.u32 $0x1, s1  }
0x8c: {  	s17 =	sshll.u32 s0, $0xA;
	s2 =	sadd.s32 s3, s2  }
0x8d: {  	s2 =	sadd.s32 s2, s17  }
0x8e: {  	[smem:$0x3FC3] =	sst s2  }
0x8f: {  	_ = 	snop  }
0x90: {  	s2 =	sld [smem:$0x3FC9]  }
0x91: {  	s18 =	sld [smem:$0x3FD0];
	(tm) =	ssettm $0x1  }
0x92: {  	s4 =	sld [smem:$0x3FFB];
	_ =	sdelay $0x3  }
0x93: {  	_ =	strace s4  }
0x94: {  	s4 =	sld [smem:$0x3FFC];
	_ =	sdelay $0x3  }
0x95: {  	_ =	strace s4  }
0x96: {  	s4 =	sld [smem:$0x3FFD];
	_ =	sdelay $0x3  }
0x97: {  	_ =	strace s4  }
0x98: {  	_ =	strace $0x8FFFFFFF  }
0x99: {  	s19 =	sld [smem:$0x3FDB];
	_ =	sdelay $0x1  }
0x9a: {  	s5 =	simm.s32 $_scs_section_size  }
0x9b: {  	s6 =	simm.s32 $_size__tile_overlayer_lowered;
	s7 =	simm.s32 $_tile_overlayer_lowered  }
0x9c: {  	s22 =	simm.s32 $0x1BFF;
	s21 =	sshll.u32 s7, $0x1;
	s4 =	sadd.s32 s5, s19  }
0x9d: {  	s8 =	simm.s32 $0x0;
	s20 =	sshll.u32 s6, $0x1;
	s6 =	sadd.s32 s21, s4  }
0x9e: {  	[timem:s8], [sflag:s22] =	dma.local [hbm:s6], s20  }
0x9f: {  	_ =	swait.ge [sflag:s22], s20  }
0xa0: {  	s5 =	ssub.s32 $0x0, s20;
	[sflag:s22] =	ssyncset.done $0x0  }
0xa1: {  	[sflag:s22] =	ssyncadd.s32 s5;
	_ =	sdelay $0x1  }
0xa2: {  	s23 =	simm.s32 $0x1B8B  }
0xa3: {  	_ =	swait.ge [sflag:s23], $0x1  }
0xa4: {  	[sflag:s23] =	ssyncset.done $0x0  }
0xa5: {  	s25 =	simm.s32 $0x1B8E;
	s24 =	sld [smem:$0x3FFE];
	[sflag:s23] =	ssyncadd.s32 $0xFFFFFFFF  }
0xa6: {  	s26 =	simm.s32 $execute0_lowered;
	[smem:$0x3FD2] =	sst s25  }
0xa7: {  	s6 =	sshll.u32 s26, $0x1;
	_ =	strace $0x80000046;
	[dreg:$0x1] =	wrdreg $0xFFFFFFFF  }
0xa8: {  	s28 =	simm.s32 $_size_execute0_lowered;
	s4 =	sadd.s32 s4, s6;
	[dreg:$0x0] =	wrdreg $0x0  }
0xa9: {  	s6 =	sshll.u32 s28, $0x1;
	[dreg:$0x2] =	wrdreg s4  }
0xaa: {  	[dreg:$0x3] =	wrdreg s6  }
0xab: {  	[dreg:$0x4] =	wrdreg $0xC0  }
0xac: {  	_ =	task [dreg:s8], $0x5FFFF  }
0xad: {  	[dreg:$0x1] =	wrdreg $0xFFFFFFFF  }
0xae: {  	[dreg:$0x0] =	wrdreg $0x60  }
0xaf: {  	[dreg:$0x2] =	wrdreg s2  }
0xb0: {  	[dreg:$0x3] =	wrdreg s24  }
0xb1: {  	[dreg:$0x4] =	wrdreg s18  }
0xb2: {  	[dreg:$0x5] =	wrdreg $0xB7800  }
0xb3: {  	[dreg:$0x6] =	wrdreg $0x9  }
0xb4: {  	_ =	task.clear_ibuf [dreg:s8], $0x7FFFF;
	_ =	strace $0x90000046  }
0xb5: {  	s29 =	simm.s32 $0x9;
	_ =	strace $0x80000048  }
0xb6: {  	_ =	swait.ge [sflag:s29], $0x1  }
0xb7: {  	[sflag:s29] =	ssyncadd.s32 $0xFFFFFFFF  }
0xb8: {  	_ =	strace $0x90000048  }
0xb9: {  	_ =	sfence  }
0xba: {  	s30 =	sld [smem:$0x0];
	_ =	sdelay $0x2  }
0xbb: {  	s31 =	sshll.u32 s1, $0xD;
	s1 =	sshrl.u32 s1, $0x2  }
0xbc: {  	s3 =	sand.u32 $0x4000, s31;
	s1 =	sadd.s32 s1, s30  }
0xbd: {  	s0 =	sor.u32 s3, s0;
	s1 =	sshll.u32 s1, $0x11  }
0xbe: {  	s0 =	sor.u32 s1, s0  }
0xbf: {  	s0 =	sadd.s32 $0x8F2B, s0  }
0xc0: {  	[sflag:s0] =	ssyncadd.remote.s32 $0x1  }
0xc1: {  	_ =	sfence.sel $0xFFFF  }
0xc2: {  	[dreg:$0x0] =	wrdreg $0xFFFFFFFF;
	(pc) =	sbr.abs _section_cstart, $3  }
0xc3: {  	[dreg:$0x1] =	wrdreg $0xFFFFFFFF  }
0xc4: {  	_ =	task.clear_ibuf [dreg:s8], $0x2FFFF;
	_ =	strace $0x9FFFFFFF  }
0xc5: {  	(tm) =	ssettm $0x7FFFFFFF  }
tec
execute0_lowered:
.L_overlay_start_1:
0x0: {  	(tag) =	ssettag $0x1  }
0x1: {  	s1 =	rddreg [dreg:$0x0]  }
0x2: {  	s0 =	rddreg [dreg:$0x1]  }
0x3: {  	s2 =	rddreg [dreg:$0x2]  }
0x4: {  	s3 =	rddreg [dreg:$0x3];
	s5 =	simm.s32 $0x0  }
0x5: {  	s4 =	srdreg.scid;
	s13 =	stileid.u32;
	s23 =	simm.s32 $0x0  }
0x6: {  	s28 =	simm.s32 $0x800;
	s29 =	simm.s32 $0x80;
	s6 =	smul.u32 $0x50000, s13  }
0x7: {  	s30 =	simm.s32 $0x5000;
	s31 =	simm.s32 $0x1;
	s9 =	smul.u32 $0xA000, s13  }
0x8: {  	[smem:$0x7FF] =	sst s5;
	s4 =	sand.u32 $0x1, s4;
	s26 =	smul.u32 $0x14000, s13  }
0x9: {  	s5 =	sadd.s32 $0x800, s0;
	s0 =	sadd.s32 $0x28800, s0;
	s7 =	smul.u32 $0xA0000, s4  }
0xa: {  	s12 =	sshrl.u32 s13, $0x3;
	s25 =	sshll.u32 s13, $0x7;
	s11 =	smul.u32 $0x27800, s4  }
0xb: {  	_ =	strace $0x80000047;
	s8 =	ssub.s32 $0x2, s4;
	s24 =	smul.u32 $0x13C00, s12  }
0xc: {  	s4 =	smul.u32 $0x140000, s4;
	s10 =	sshrl.u32 s8, $0x1;
	s6 =	sshrl.u32 s6, $0x2  }
0xd: {  	s12 =	sadd.s32 $0x4000, s26;
	s17 =	sadd.s32 $0x8000, s26;
	s20 =	sadd.s32 $0xC000, s26  }
0xe: {  	s8 =	ssub.s32 s8, s10;
	s19 =	sadd.s32 s6, s3;
	s6 =	sadd.s32 s9, s7  }
0xf: {  	s10 =	sadd.s32 s11, s24;
	s7 =	sand.u32 $0x380, s25;
	s11 =	sadd.s32 s4, s26  }
0x10: {  	s14 =	sadd.s32 s4, s12;
	s18 =	sadd.s32 s17, s3;
	s21 =	sadd.s32 s4, s20  }
0x11: {  	s9 =	sshrl.u32 s6, $0x3;
	s7 =	sor.u32 s7, s10;
	[dreg:$0x11] =	wrdreg s18  }
0x12: {  	s10 =	sadd.s32 $0x8000, s19;
	s13 =	sadd.s32 $0xC000, s19;
	[dreg:$0x5] =	wrdreg s19  }
0x13: {  	s15 =	sadd.s32 $0x10000, s19;
	s16 =	sshrl.u32 s14, $0x3;
	[dreg:$0xb] =	wrdreg s10  }
0x14: {  	s22 =	sshrl.u32 s21, $0x3;
	s14 =	simm.s32 $0xB00;
	[dreg:$0xc] =	wrdreg s13  }
0x15: {  	s18 =	simm.s32 $0x0;
	s9 =	sadd.s32 s5, s9;
	[dreg:$0xd] =	wrdreg s15  }
0x16: {  	s7 =	sshrl.u32 s7, $0x3;
	[dreg:$0x6] =	wrdreg s9;
	s9 =	sadd.s32 $0x100, s9  }
0x17: {  	s10 =	simm.s32 $0xA00;
	s2 =	sadd.s32 s2, s7;
	[dreg:$0x7] =	wrdreg s9  }
0x18: {  	s13 =	simm.s32 $0xE00;
	s7 =	smax.u32 s8, $0x1;
	[dreg:$0x8] =	wrdreg s2  }
0x19: {  	s15 =	simm.s32 $0xE80;
	s8 =	sadd.s32 $0x4000, s19;
	[dreg:$0x9] =	wrdreg s7  }
0x1a: {  	[dreg:$0xa] =	wrdreg s8;
	s2 =	sshrl.u32 s11, $0x3;
	s7 =	sadd.s32 s12, s3  }
0x1b: {  	s9 =	sadd.s32 $0x10000, s26;
	s26 =	sor.u32 $0x1800, s6;
	s6 =	simm.s32 $0xC80  }
0x1c: {  	s8 =	simm.s32 $0xD00;
	s11 =	simm.s32 $0xD80;
	[dreg:$0xf] =	wrdreg s7  }
0x1d: {  	s12 =	simm.s32 $0xA80;
	s2 =	sadd.s32 s0, s2;
	[dreg:$0x17] =	wrdreg s26  }
0x1e: {  	s7 =	sadd.s32 s20, s3;
	s25 =	sadd.s32 s9, s3;
	[dreg:$0xe] =	wrdreg s2  }
0x1f: {  	s26 =	simm.s32 $0x5;
	s20 =	simm.s32 $0x4;
	[dreg:$0x13] =	wrdreg s7  }
0x20: {  	s2 =	sadd.s32 s0, s16;
	[dreg:$0x15] =	wrdreg s25;
	s25 =	simm.s32 $0x1000  }
0x21: {  	s16 =	simm.s32 $0xF00;
	[dreg:$0x10] =	wrdreg s2;
	s2 =	sadd.s32 s4, s17  }
0x22: {  	s4 =	sadd.s32 s4, s9;
	s9 =	simm.s32 $0x2;
	s2 =	sshrl.u32 s2, $0x3  }
0x23: {  	s17 =	simm.s32 $0xF80;
	s24 =	sshrl.u32 s4, $0x3;
	s2 =	sadd.s32 s0, s2  }
0x24: {  	s4 =	simm.s32 $0x980;
	[dreg:$0x12] =	wrdreg s2;
	s2 =	sadd.s32 s0, s22  }
0x25: {  	s0 =	sadd.s32 s0, s24;
	s24 =	simm.s32 $0x900;
	[dreg:$0x14] =	wrdreg s2  }
0x26: {  	v0 =	vimm.f32 $0.0e+00;
	v1 =	vimm.f32 $1.000000000e+00;
	[dreg:$0x16] =	wrdreg s0;
	s2 =	simm.s32 $0x9000;
	s0 =	simm.s32 $0xB80  }
.LBB2_1:
0x27: {  	[dreg:$0x18] =	wrdreg s18;
	s7 =	simm.s32 $0x0;
	s18 =	simm.s32 $0x200  }
.LBB2_2:
0x28: {  	p0 =	sne.s32 s18, $0xFE00;
	[tilespmem:s7+$0x1070] =	vst v0  }
0x29: {  	[tilespmem:s7+$0x1000] =	vst v0  }
0x2a: {  	[tilespmem:s7+$0x1010] =	vst v0  }
.Ltmp0:
0x2b: {  	[tilespmem:s7+$0x1020] =	vst v0;
	(pc) =	sbr.rel @p0 .LBB2_2-.Ltmp0, $4  }
0x2c: {  	[tilespmem:s7+$0x1030] =	vst v0  }
0x2d: {  	[tilespmem:s7+$0x1040] =	vst v0  }
0x2e: {  	[tilespmem:s7+$0x1050] =	vst v0  }
0x2f: {  	[tilespmem:s7+$0x1060] =	vst v0;
	s7 =	sshra.s32 s18, $0x2;
	s18 =	sadd.s32 $0x200, s18  }
0x30: {  	[tilespmem:s7+$0x1070] =	vst v0  }
0x31: {  	[tilespmem:s7+$0x1000] =	vst v0  }
0x32: {  	[tilespmem:s7+$0x1010] =	vst v0  }
0x33: {  	[tilespmem:s7+$0x1020] =	vst v0  }
0x34: {  	[tilespmem:s7+$0x1030] =	vst v0  }
0x35: {  	[tilespmem:s7+$0x1040] =	vst v0  }
0x36: {  	[tilespmem:s7+$0x1050] =	vst v0  }
0x37: {  	[tilespmem:s7+$0x1060] =	vst v0;
	s7 =	simm.s32 $0x40;
	s18 =	simm.s32 $0x0  }
.LBB2_4:
0x38: {  	p0 =	sne.s32 s7, $0x9DC0;
	[tilespmem:s18+$0x9000] =	vst v0;
	s18 =	smov.u32 s7;
	s7 =	sadd.s32 $0x40, s7  }
.Ltmp1:
0x39: {  	(pc) =	sbr.rel @p0 .LBB2_4-.Ltmp1, $2  }
0x3a: {  	_ =	sdelay $0x2  }
0x3b: {  	s18 =	sshra.s32 s18, $0x2  }
0x3c: {  	[tilespmem:s18+$0x9000] =	vst v0  }
0x3d: {  	[spmem:s19] =	stream.linear.scatter [tilespmem:s25], [sflag:$0x5], $0x4000, $0x38;
	[tilespmem:$0x1F780] =	vst v63  }
0x3e: {  	_ =	swait.ge [sflag:s26], $0x4000  }
0x3f: {  	[sflag:s26] =	ssyncset.done $0x0  }
0x40: {  	s7 =	rddreg [dreg:$0xa];
	[sflag:s26] =	ssyncadd.s32 $0xFFFFC000  }
0x41: {  	[spmem:s7] =	stream.linear.scatter [tilespmem:s25], [sflag:$0x5], $0x4000, $0x38;
	[tilespmem:$0x1F780] =	vst v63  }
0x42: {  	_ =	swait.ge [sflag:s26], $0x4000  }
0x43: {  	[sflag:s26] =	ssyncset.done $0x0  }
0x44: {  	s22 =	rddreg [dreg:$0xb];
	[sflag:s26] =	ssyncadd.s32 $0xFFFFC000  }
0x45: {  	[spmem:s22] =	stream.linear.scatter [tilespmem:s25], [sflag:$0x5], $0x4000, $0x38;
	[tilespmem:$0x1F780] =	vst v63  }
0x46: {  	_ =	swait.ge [sflag:s26], $0x4000  }
0x47: {  	[sflag:s26] =	ssyncset.done $0x0  }
0x48: {  	s18 =	rddreg [dreg:$0xc];
	[sflag:s26] =	ssyncadd.s32 $0xFFFFC000  }
0x49: {  	[spmem:s18] =	stream.linear.scatter [tilespmem:s25], [sflag:$0x5], $0x4000, $0x38;
	[tilespmem:$0x1F780] =	vst v63  }
0x4a: {  	_ =	swait.ge [sflag:s26], $0x4000  }
0x4b: {  	[sflag:s26] =	ssyncset.done $0x0  }
0x4c: {  	s19 =	rddreg [dreg:$0xd];
	[sflag:s26] =	ssyncadd.s32 $0xFFFFC000  }
0x4d: {  	[spmem:s19] =	stream.linear.scatter [tilespmem:s25], [sflag:$0x5], $0x4000, $0x38;
	[tilespmem:$0x1F780] =	vst v63  }
0x4e: {  	_ =	swait.ge [sflag:s26], $0x4000  }
0x4f: {  	[sflag:s26] =	ssyncset.done $0x0  }
0x50: {  	s7 =	simm.s32 $0x0;
	s21 =	rddreg [dreg:$0x6];
	[sflag:s26] =	ssyncadd.s32 $0xFFFFC000  }
0x51: {  	[tilespmem:s7], [sflag:$0x5] =	stream.linear.gather [hbm4b:s21+s7], $0x800, $0x38;
	[tilespmem:$0x1F780] =	vst v63  }
0x52: {  	_ =	swait.ge [sflag:s26], $0x800  }
0x53: {  	[sflag:s26] =	ssyncset.done $0x0  }
0x54: {  	s22 =	rddreg [dreg:$0x7];
	[sflag:s26] =	ssyncadd.s32 $0xFFFFF800  }
0x55: {  	[tilespmem:s28], [sflag:$0x4] =	stream.linear.gather [hbm4b:s22+s7], $0x800, $0x38;
	[tilespmem:$0x1F780] =	vst v63  }
0x56: {  	_ = 	snop  }
0x57: {  	[tilespmem:s25], [sflag:$0x1] =	stream.indirect.gather [hbm4b:s1+s29], $0x80, s7, s29, $0xb8;
	[tilespmem:$0x1F780] =	vst v63  }
.Ltmp2:
0x58: {  	_ = 	snop;
	(pc) =	sbr.rel .LBB2_6-.Ltmp2, $4  }
0x59: {  	_ = 	snop  }
0x5a: {  	[tilespmem:s30], [sflag:$0x2] =	stream.indirect.gather [hbm4b:s1+s29], $0x80, s29, s29, $0xb8;
	[tilespmem:$0x1F780] =	vst v63  }
0x5b: {  	[bflag:$0x0] =	sbarrier.arrive $0xFFFF  }
0x5c: {  	s18 =	rddreg [dreg:$0x17]  }
.LBB2_7:
0x5d: {  	[tilespmem:s30], [sflag:$0x2] =	stream.indirect.gather [hbm4b:s1+s29], $0x80, s29, s29, $0xb8;
	[tilespmem:$0x1F780] =	vst v63  }
.LBB2_9:
0x5e: {  	s19 =	sshrl.u32 s18, $0x3  }
0x5f: {  	s7 =	sadd.s32 $0x1, s7;
	s18 =	sadd.s32 $0x1000, s18;
	s19 =	sadd.s32 s5, s19  }
0x60: {  	[tilespmem:s28], [sflag:$0x4] =	stream.linear.gather [hbm4b:s19+s23], $0x800, $0x38;
	[tilespmem:$0x1F780] =	vst v63  }
.LBB2_6:
0x61: {  	_ =	swait.ge [sflag:s31], $0x4000  }
0x62: {  	[sflag:s31] =	ssyncset.done $0x0  }
0x63: {  	s19 =	simm.s32 $0x400;
	[sflag:s31] =	ssyncadd.s32 $0xFFFFC000  }
0x64: {  	[spmem:s3] =	stream.indirect.scatter.add.f32 [tilespmem:s25], [sflag:$0x5], $0x80, s19, s29, $0xb8;
	[tilespmem:$0x1F780] =	vst v63  }
0x65: {  	_ =	swait.ge [sflag:s26], $0x4000  }
0x66: {  	[sflag:s26] =	ssyncset.done $0x0  }
0x67: {  	[sflag:s26] =	ssyncadd.s32 $0xFFFFC000  }
0x68: {  	v2 =	vld [tilespmem:$0x400];
	_ =	sdelay $0x7  }
0x69: {  	[tilespmem:v2+s2+$0x0] =	vst.idx.add.f32.msk $0xffff, v1  }
0x6a: {  	v2 =	vld [tilespmem:$0x410];
	_ =	sdelay $0x7  }
0x6b: {  	[tilespmem:v2+s2+$0x0] =	vst.idx.add.f32.msk $0xffff, v1  }
0x6c: {  	v2 =	vld [tilespmem:$0x420];
	_ =	sdelay $0x7  }
0x6d: {  	[tilespmem:v2+s2+$0x0] =	vst.idx.add.f32.msk $0xffff, v1  }
0x6e: {  	v2 =	vld [tilespmem:$0x430];
	_ =	sdelay $0x7  }
0x6f: {  	[tilespmem:v2+s2+$0x0] =	vst.idx.add.f32.msk $0xffff, v1  }
0x70: {  	v2 =	vld [tilespmem:$0x440];
	_ =	sdelay $0x7  }
0x71: {  	[tilespmem:v2+s2+$0x0] =	vst.idx.add.f32.msk $0xffff, v1  }
0x72: {  	v2 =	vld [tilespmem:$0x450];
	_ =	sdelay $0x7  }
0x73: {  	[tilespmem:v2+s2+$0x0] =	vst.idx.add.f32.msk $0xffff, v1  }
0x74: {  	v2 =	vld [tilespmem:$0x460];
	_ =	sdelay $0x7  }
0x75: {  	[tilespmem:v2+s2+$0x0] =	vst.idx.add.f32.msk $0xffff, v1  }
0x76: {  	v2 =	vld [tilespmem:$0x470];
	_ =	sdelay $0x7  }
0x77: {  	s22 =	simm.s32 $0x100;
	[tilespmem:v2+s2+$0x0] =	vst.idx.add.f32.msk $0xffff, v1  }
0x78: {  	[tilespmem:s25], [sflag:$0x1] =	stream.indirect.gather [hbm4b:s1+s29], $0x80, s22, s29, $0xb8;
	[tilespmem:$0x1F780] =	vst v63  }
0x79: {  	_ =	swait.ge [sflag:s9], $0x4000  }
0x7a: {  	[sflag:s9] =	ssyncset.done $0x0  }
0x7b: {  	s21 =	simm.s32 $0x480;
	[sflag:s9] =	ssyncadd.s32 $0xFFFFC000  }
0x7c: {  	[spmem:s3] =	stream.indirect.scatter.add.f32 [tilespmem:s30], [sflag:$0x5], $0x80, s21, s29, $0xb8;
	[tilespmem:$0x1F780] =	vst v63  }
0x7d: {  	_ =	swait.ge [sflag:s26], $0x4000  }
0x7e: {  	[sflag:s26] =	ssyncset.done $0x0  }
0x7f: {  	[sflag:s26] =	ssyncadd.s32 $0xFFFFC000  }
0x80: {  	v2 =	vld [tilespmem:$0x480];
	_ =	sdelay $0x7  }
0x81: {  	[tilespmem:v2+s2+$0x0] =	vst.idx.add.f32.msk $0xffff, v1  }
0x82: {  	v2 =	vld [tilespmem:$0x490];
	_ =	sdelay $0x7  }
0x83: {  	[tilespmem:v2+s2+$0x0] =	vst.idx.add.f32.msk $0xffff, v1  }
0x84: {  	v2 =	vld [tilespmem:$0x4A0];
	_ =	sdelay $0x7  }
0x85: {  	[tilespmem:v2+s2+$0x0] =	vst.idx.add.f32.msk $0xffff, v1  }
0x86: {  	v2 =	vld [tilespmem:$0x4B0];
	_ =	sdelay $0x7  }
0x87: {  	[tilespmem:v2+s2+$0x0] =	vst.idx.add.f32.msk $0xffff, v1  }
0x88: {  	v2 =	vld [tilespmem:$0x4C0];
	_ =	sdelay $0x7  }
0x89: {  	[tilespmem:v2+s2+$0x0] =	vst.idx.add.f32.msk $0xffff, v1  }
0x8a: {  	v2 =	vld [tilespmem:$0x4D0];
	_ =	sdelay $0x7  }
0x8b: {  	[tilespmem:v2+s2+$0x0] =	vst.idx.add.f32.msk $0xffff, v1  }
0x8c: {  	v2 =	vld [tilespmem:$0x4E0];
	_ =	sdelay $0x7  }
0x8d: {  	[tilespmem:v2+s2+$0x0] =	vst.idx.add.f32.msk $0xffff, v1  }
0x8e: {  	v2 =	vld [tilespmem:$0x4F0];
	_ =	sdelay $0x7  }
0x8f: {  	s22 =	simm.s32 $0x180;
	[tilespmem:v2+s2+$0x0] =	vst.idx.add.f32.msk $0xffff, v1  }
0x90: {  	[tilespmem:s30], [sflag:$0x2] =	stream.indirect.gather [hbm4b:s1+s29], $0x80, s22, s29, $0xb8;
	[tilespmem:$0x1F780] =	vst v63  }
0x91: {  	_ =	swait.ge [sflag:s31], $0x4000  }
0x92: {  	[sflag:s31] =	ssyncset.done $0x0  }
0x93: {  	s21 =	simm.s32 $0x500;
	[sflag:s31] =	ssyncadd.s32 $0xFFFFC000  }
0x94: {  	[spmem:s3] =	stream.indirect.scatter.add.f32 [tilespmem:s25], [sflag:$0x5], $0x80, s21, s29, $0xb8;
	[tilespmem:$0x1F780] =	vst v63  }
0x95: {  	_ =	swait.ge [sflag:s26], $0x4000  }
0x96: {  	[sflag:s26] =	ssyncset.done $0x0  }
0x97: {  	[sflag:s26] =	ssyncadd.s32 $0xFFFFC000  }
0x98: {  	v2 =	vld [tilespmem:$0x500];
	_ =	sdelay $0x7  }
0x99: {  	[tilespmem:v2+s2+$0x0] =	vst.idx.add.f32.msk $0xffff, v1  }
0x9a: {  	v2 =	vld [tilespmem:$0x510];
	_ =	sdelay $0x7  }
0x9b: {  	[tilespmem:v2+s2+$0x0] =	vst.idx.add.f32.msk $0xffff, v1  }
0x9c: {  	v2 =	vld [tilespmem:$0x520];
	_ =	sdelay $0x7  }
0x9d: {  	[tilespmem:v2+s2+$0x0] =	vst.idx.add.f32.msk $0xffff, v1  }
0x9e: {  	v2 =	vld [tilespmem:$0x530];
	_ =	sdelay $0x7  }
0x9f: {  	[tilespmem:v2+s2+$0x0] =	vst.idx.add.f32.msk $0xffff, v1  }
0xa0: {  	v2 =	vld [tilespmem:$0x540];
	_ =	sdelay $0x7  }
0xa1: {  	[tilespmem:v2+s2+$0x0] =	vst.idx.add.f32.msk $0xffff, v1  }
0xa2: {  	v2 =	vld [tilespmem:$0x550];
	_ =	sdelay $0x7  }
0xa3: {  	[tilespmem:v2+s2+$0x0] =	vst.idx.add.f32.msk $0xffff, v1  }
0xa4: {  	v2 =	vld [tilespmem:$0x560];
	_ =	sdelay $0x7  }
0xa5: {  	[tilespmem:v2+s2+$0x0] =	vst.idx.add.f32.msk $0xffff, v1  }
0xa6: {  	v2 =	vld [tilespmem:$0x570];
	_ =	sdelay $0x7  }
0xa7: {  	s22 =	simm.s32 $0x200;
	[tilespmem:v2+s2+$0x0] =	vst.idx.add.f32.msk $0xffff, v1  }
0xa8: {  	[tilespmem:s25], [sflag:$0x1] =	stream.indirect.gather [hbm4b:s1+s29], $0x80, s22, s29, $0xb8;
	[tilespmem:$0x1F780] =	vst v63  }
0xa9: {  	_ =	swait.ge [sflag:s9], $0x4000  }
0xaa: {  	[sflag:s9] =	ssyncset.done $0x0  }
0xab: {  	s21 =	simm.s32 $0x580;
	[sflag:s9] =	ssyncadd.s32 $0xFFFFC000  }
0xac: {  	[spmem:s3] =	stream.indirect.scatter.add.f32 [tilespmem:s30], [sflag:$0x5], $0x80, s21, s29, $0xb8;
	[tilespmem:$0x1F780] =	vst v63  }
0xad: {  	_ =	swait.ge [sflag:s26], $0x4000  }
0xae: {  	[sflag:s26] =	ssyncset.done $0x0  }
0xaf: {  	[sflag:s26] =	ssyncadd.s32 $0xFFFFC000  }
0xb0: {  	v2 =	vld [tilespmem:$0x580];
	_ =	sdelay $0x7  }
0xb1: {  	[tilespmem:v2+s2+$0x0] =	vst.idx.add.f32.msk $0xffff, v1  }
0xb2: {  	v2 =	vld [tilespmem:$0x590];
	_ =	sdelay $0x7  }
0xb3: {  	[tilespmem:v2+s2+$0x0] =	vst.idx.add.f32.msk $0xffff, v1  }
0xb4: {  	v2 =	vld [tilespmem:$0x5A0];
	_ =	sdelay $0x7  }
0xb5: {  	[tilespmem:v2+s2+$0x0] =	vst.idx.add.f32.msk $0xffff, v1  }
0xb6: {  	v2 =	vld [tilespmem:$0x5B0];
	_ =	sdelay $0x7  }
0xb7: {  	[tilespmem:v2+s2+$0x0] =	vst.idx.add.f32.msk $0xffff, v1  }
0xb8: {  	v2 =	vld [tilespmem:$0x5C0];
	_ =	sdelay $0x7  }
0xb9: {  	[tilespmem:v2+s2+$0x0] =	vst.idx.add.f32.msk $0xffff, v1  }
0xba: {  	v2 =	vld [tilespmem:$0x5D0];
	_ =	sdelay $0x7  }
0xbb: {  	[tilespmem:v2+s2+$0x0] =	vst.idx.add.f32.msk $0xffff, v1  }
0xbc: {  	v2 =	vld [tilespmem:$0x5E0];
	_ =	sdelay $0x7  }
0xbd: {  	[tilespmem:v2+s2+$0x0] =	vst.idx.add.f32.msk $0xffff, v1  }
0xbe: {  	v2 =	vld [tilespmem:$0x5F0];
	_ =	sdelay $0x7  }
0xbf: {  	s22 =	simm.s32 $0x280;
	[tilespmem:v2+s2+$0x0] =	vst.idx.add.f32.msk $0xffff, v1  }
0xc0: {  	[tilespmem:s30], [sflag:$0x2] =	stream.indirect.gather [hbm4b:s1+s29], $0x80, s22, s29, $0xb8;
	[tilespmem:$0x1F780] =	vst v63  }
0xc1: {  	_ =	swait.ge [sflag:s31], $0x4000  }
0xc2: {  	[sflag:s31] =	ssyncset.done $0x0  }
0xc3: {  	s21 =	simm.s32 $0x600;
	[sflag:s31] =	ssyncadd.s32 $0xFFFFC000  }
0xc4: {  	[spmem:s3] =	stream.indirect.scatter.add.f32 [tilespmem:s25], [sflag:$0x5], $0x80, s21, s29, $0xb8;
	[tilespmem:$0x1F780] =	vst v63  }
0xc5: {  	_ =	swait.ge [sflag:s26], $0x4000  }
0xc6: {  	[sflag:s26] =	ssyncset.done $0x0  }
0xc7: {  	[sflag:s26] =	ssyncadd.s32 $0xFFFFC000  }
0xc8: {  	v2 =	vld [tilespmem:$0x600];
	_ =	sdelay $0x7  }
0xc9: {  	[tilespmem:v2+s2+$0x0] =	vst.idx.add.f32.msk $0xffff, v1  }
0xca: {  	v2 =	vld [tilespmem:$0x610];
	_ =	sdelay $0x7  }
0xcb: {  	[tilespmem:v2+s2+$0x0] =	vst.idx.add.f32.msk $0xffff, v1  }
0xcc: {  	v2 =	vld [tilespmem:$0x620];
	_ =	sdelay $0x7  }
0xcd: {  	[tilespmem:v2+s2+$0x0] =	vst.idx.add.f32.msk $0xffff, v1  }
0xce: {  	v2 =	vld [tilespmem:$0x630];
	_ =	sdelay $0x7  }
0xcf: {  	[tilespmem:v2+s2+$0x0] =	vst.idx.add.f32.msk $0xffff, v1  }
0xd0: {  	v2 =	vld [tilespmem:$0x640];
	_ =	sdelay $0x7  }
0xd1: {  	[tilespmem:v2+s2+$0x0] =	vst.idx.add.f32.msk $0xffff, v1  }
0xd2: {  	v2 =	vld [tilespmem:$0x650];
	_ =	sdelay $0x7  }
0xd3: {  	[tilespmem:v2+s2+$0x0] =	vst.idx.add.f32.msk $0xffff, v1  }
0xd4: {  	v2 =	vld [tilespmem:$0x660];
	_ =	sdelay $0x7  }
0xd5: {  	[tilespmem:v2+s2+$0x0] =	vst.idx.add.f32.msk $0xffff, v1  }
0xd6: {  	v2 =	vld [tilespmem:$0x670];
	_ =	sdelay $0x7  }
0xd7: {  	s22 =	simm.s32 $0x300;
	[tilespmem:v2+s2+$0x0] =	vst.idx.add.f32.msk $0xffff, v1  }
0xd8: {  	[tilespmem:s25], [sflag:$0x1] =	stream.indirect.gather [hbm4b:s1+s29], $0x80, s22, s29, $0xb8;
	[tilespmem:$0x1F780] =	vst v63  }
0xd9: {  	_ =	swait.ge [sflag:s9], $0x4000  }
0xda: {  	[sflag:s9] =	ssyncset.done $0x0  }
0xdb: {  	s21 =	simm.s32 $0x680;
	[sflag:s9] =	ssyncadd.s32 $0xFFFFC000  }
0xdc: {  	[spmem:s3] =	stream.indirect.scatter.add.f32 [tilespmem:s30], [sflag:$0x5], $0x80, s21, s29, $0xb8;
	[tilespmem:$0x1F780] =	vst v63  }
0xdd: {  	_ =	swait.ge [sflag:s26], $0x4000  }
0xde: {  	[sflag:s26] =	ssyncset.done $0x0  }
0xdf: {  	[sflag:s26] =	ssyncadd.s32 $0xFFFFC000  }
0xe0: {  	v2 =	vld [tilespmem:$0x680];
	_ =	sdelay $0x7  }
0xe1: {  	[tilespmem:v2+s2+$0x0] =	vst.idx.add.f32.msk $0xffff, v1  }
0xe2: {  	v2 =	vld [tilespmem:$0x690];
	_ =	sdelay $0x7  }
0xe3: {  	[tilespmem:v2+s2+$0x0] =	vst.idx.add.f32.msk $0xffff, v1  }
0xe4: {  	v2 =	vld [tilespmem:$0x6A0];
	_ =	sdelay $0x7  }
0xe5: {  	[tilespmem:v2+s2+$0x0] =	vst.idx.add.f32.msk $0xffff, v1  }
0xe6: {  	v2 =	vld [tilespmem:$0x6B0];
	_ =	sdelay $0x7  }
0xe7: {  	[tilespmem:v2+s2+$0x0] =	vst.idx.add.f32.msk $0xffff, v1  }
0xe8: {  	v2 =	vld [tilespmem:$0x6C0];
	_ =	sdelay $0x7  }
0xe9: {  	[tilespmem:v2+s2+$0x0] =	vst.idx.add.f32.msk $0xffff, v1  }
0xea: {  	v2 =	vld [tilespmem:$0x6D0];
	_ =	sdelay $0x7  }
0xeb: {  	[tilespmem:v2+s2+$0x0] =	vst.idx.add.f32.msk $0xffff, v1  }
0xec: {  	v2 =	vld [tilespmem:$0x6E0];
	_ =	sdelay $0x7  }
0xed: {  	[tilespmem:v2+s2+$0x0] =	vst.idx.add.f32.msk $0xffff, v1  }
0xee: {  	v2 =	vld [tilespmem:$0x6F0];
	_ =	sdelay $0x7  }
0xef: {  	s22 =	simm.s32 $0x380;
	[tilespmem:v2+s2+$0x0] =	vst.idx.add.f32.msk $0xffff, v1  }
0xf0: {  	[tilespmem:s30], [sflag:$0x2] =	stream.indirect.gather [hbm4b:s1+s29], $0x80, s22, s29, $0xb8;
	[tilespmem:$0x1F780] =	vst v63  }
0xf1: {  	_ =	swait.ge [sflag:s31], $0x4000  }
0xf2: {  	[sflag:s31] =	ssyncset.done $0x0  }
0xf3: {  	s21 =	simm.s32 $0x700;
	[sflag:s31] =	ssyncadd.s32 $0xFFFFC000  }
0xf4: {  	[spmem:s3] =	stream.indirect.scatter.add.f32 [tilespmem:s25], [sflag:$0x5], $0x80, s21, s29, $0xb8;
	[tilespmem:$0x1F780] =	vst v63  }
0xf5: {  	_ =	swait.ge [sflag:s26], $0x4000  }
0xf6: {  	[sflag:s26] =	ssyncset.done $0x0  }
0xf7: {  	[sflag:s26] =	ssyncadd.s32 $0xFFFFC000  }
0xf8: {  	v2 =	vld [tilespmem:$0x700];
	_ =	sdelay $0x7  }
0xf9: {  	[tilespmem:v2+s2+$0x0] =	vst.idx.add.f32.msk $0xffff, v1  }
0xfa: {  	v2 =	vld [tilespmem:$0x710];
	_ =	sdelay $0x7  }
0xfb: {  	[tilespmem:v2+s2+$0x0] =	vst.idx.add.f32.msk $0xffff, v1  }
0xfc: {  	v2 =	vld [tilespmem:$0x720];
	_ =	sdelay $0x7  }
0xfd: {  	[tilespmem:v2+s2+$0x0] =	vst.idx.add.f32.msk $0xffff, v1  }
0xfe: {  	v2 =	vld [tilespmem:$0x730];
	_ =	sdelay $0x7  }
0xff: {  	[tilespmem:v2+s2+$0x0] =	vst.idx.add.f32.msk $0xffff, v1  }
0x100: {  	v2 =	vld [tilespmem:$0x740];
	_ =	sdelay $0x7  }
0x101: {  	[tilespmem:v2+s2+$0x0] =	vst.idx.add.f32.msk $0xffff, v1  }
0x102: {  	v2 =	vld [tilespmem:$0x750];
	_ =	sdelay $0x7  }
0x103: {  	[tilespmem:v2+s2+$0x0] =	vst.idx.add.f32.msk $0xffff, v1  }
0x104: {  	v2 =	vld [tilespmem:$0x760];
	_ =	sdelay $0x7  }
0x105: {  	[tilespmem:v2+s2+$0x0] =	vst.idx.add.f32.msk $0xffff, v1  }
0x106: {  	v2 =	vld [tilespmem:$0x770];
	_ =	sdelay $0x7  }
0x107: {  	[tilespmem:v2+s2+$0x0] =	vst.idx.add.f32.msk $0xffff, v1  }
0x108: {  	_ =	swait.ge [sflag:s20], $0x800  }
0x109: {  	[sflag:s20] =	ssyncset.done $0x0  }
0x10a: {  	[sflag:s20] =	ssyncadd.s32 $0xFFFFF800  }
0x10b: {  	[tilespmem:s25], [sflag:$0x1] =	stream.indirect.gather [hbm4b:s1+s29], $0x80, s28, s29, $0xb8;
	[tilespmem:$0x1F780] =	vst v63  }
0x10c: {  	_ =	swait.ge [sflag:s9], $0x4000  }
0x10d: {  	[sflag:s9] =	ssyncset.done $0x0  }
0x10e: {  	s22 =	simm.s32 $0x780;
	[sflag:s9] =	ssyncadd.s32 $0xFFFFC000  }
0x10f: {  	[spmem:s3] =	stream.indirect.scatter.add.f32 [tilespmem:s30], [sflag:$0x5], $0x80, s22, s29, $0xb8;
	[tilespmem:$0x1F780] =	vst v63  }
0x110: {  	_ =	swait.ge [sflag:s26], $0x4000  }
0x111: {  	[sflag:s26] =	ssyncset.done $0x0  }
0x112: {  	[sflag:s26] =	ssyncadd.s32 $0xFFFFC000  }
0x113: {  	v2 =	vld [tilespmem:$0x780];
	_ =	sdelay $0x7  }
0x114: {  	[tilespmem:v2+s2+$0x0] =	vst.idx.add.f32.msk $0xffff, v1  }
0x115: {  	v2 =	vld [tilespmem:$0x790];
	_ =	sdelay $0x7  }
0x116: {  	[tilespmem:v2+s2+$0x0] =	vst.idx.add.f32.msk $0xffff, v1  }
0x117: {  	v2 =	vld [tilespmem:$0x7A0];
	_ =	sdelay $0x7  }
0x118: {  	[tilespmem:v2+s2+$0x0] =	vst.idx.add.f32.msk $0xffff, v1  }
0x119: {  	v2 =	vld [tilespmem:$0x7B0];
	_ =	sdelay $0x7  }
0x11a: {  	[tilespmem:v2+s2+$0x0] =	vst.idx.add.f32.msk $0xffff, v1  }
0x11b: {  	v2 =	vld [tilespmem:$0x7C0];
	_ =	sdelay $0x7  }
0x11c: {  	[tilespmem:v2+s2+$0x0] =	vst.idx.add.f32.msk $0xffff, v1  }
0x11d: {  	v2 =	vld [tilespmem:$0x7D0];
	_ =	sdelay $0x7  }
0x11e: {  	[tilespmem:v2+s2+$0x0] =	vst.idx.add.f32.msk $0xffff, v1  }
0x11f: {  	v2 =	vld [tilespmem:$0x7E0];
	_ =	sdelay $0x7  }
0x120: {  	[tilespmem:v2+s2+$0x0] =	vst.idx.add.f32.msk $0xffff, v1  }
0x121: {  	v2 =	vld [tilespmem:$0x7F0];
	_ =	sdelay $0x5  }
0x122: {  	p0 =	seq.s32 s7, $0x9  }
0x123: {  	s19 =	sadd.s32 @!p0 $0xFFFFF800, s18  }
0x124: {  	s19 =	sshrl.u32 @!p0 s19, $0x3;
	s21 =	simm.s32 $0x880;
	[tilespmem:v2+s2+$0x0] =	vst.idx.add.f32.msk $0xffff, v1  }
0x125: {  	[tilespmem:s30], [sflag:$0x2] =	stream.indirect.gather [hbm4b:s1+s29], $0x80, s21, s29, $0xb8;
	[tilespmem:$0x1F780] =	vst v63  }
0x126: {  	s19 =	sadd.s32 @!p0 s5, s19;
	s21 =	simm.s32 @!p0 $0x0  }
0x127: {  	[tilespmem:s21], [sflag:$0x3] =	stream.linear.gather @!p0 [hbm4b:s19+s21], $0x800, $0x38;
	[tilespmem:$0x1F780] =	vst v63  }
0x128: {  	_ =	swait.ge [sflag:s31], $0x4000  }
0x129: {  	[sflag:s31] =	ssyncset.done $0x0  }
0x12a: {  	s22 =	simm.s32 $0xC00;
	[sflag:s31] =	ssyncadd.s32 $0xFFFFC000  }
0x12b: {  	[spmem:s3] =	stream.indirect.scatter.add.f32 [tilespmem:s25], [sflag:$0x5], $0x80, s22, s29, $0xb8;
	[tilespmem:$0x1F780] =	vst v63  }
0x12c: {  	_ =	swait.ge [sflag:s26], $0x4000  }
0x12d: {  	[sflag:s26] =	ssyncset.done $0x0  }
0x12e: {  	[sflag:s26] =	ssyncadd.s32 $0xFFFFC000  }
0x12f: {  	v2 =	vld [tilespmem:$0xC00];
	_ =	sdelay $0x7  }
0x130: {  	[tilespmem:v2+s2+$0x0] =	vst.idx.add.f32.msk $0xffff, v1  }
0x131: {  	v2 =	vld [tilespmem:$0xC10];
	_ =	sdelay $0x7  }
0x132: {  	[tilespmem:v2+s2+$0x0] =	vst.idx.add.f32.msk $0xffff, v1  }
0x133: {  	v2 =	vld [tilespmem:$0xC20];
	_ =	sdelay $0x7  }
0x134: {  	[tilespmem:v2+s2+$0x0] =	vst.idx.add.f32.msk $0xffff, v1  }
0x135: {  	v2 =	vld [tilespmem:$0xC30];
	_ =	sdelay $0x7  }
0x136: {  	[tilespmem:v2+s2+$0x0] =	vst.idx.add.f32.msk $0xffff, v1  }
0x137: {  	v2 =	vld [tilespmem:$0xC40];
	_ =	sdelay $0x7  }
0x138: {  	[tilespmem:v2+s2+$0x0] =	vst.idx.add.f32.msk $0xffff, v1  }
0x139: {  	v2 =	vld [tilespmem:$0xC50];
	_ =	sdelay $0x7  }
0x13a: {  	[tilespmem:v2+s2+$0x0] =	vst.idx.add.f32.msk $0xffff, v1  }
0x13b: {  	v2 =	vld [tilespmem:$0xC60];
	_ =	sdelay $0x7  }
0x13c: {  	[tilespmem:v2+s2+$0x0] =	vst.idx.add.f32.msk $0xffff, v1  }
0x13d: {  	v2 =	vld [tilespmem:$0xC70];
	_ =	sdelay $0x7  }
0x13e: {  	[tilespmem:v2+s2+$0x0] =	vst.idx.add.f32.msk $0xffff, v1  }
0x13f: {  	[tilespmem:s25], [sflag:$0x1] =	stream.indirect.gather [hbm4b:s1+s29], $0x80, s24, s29, $0xb8;
	[tilespmem:$0x1F780] =	vst v63  }
0x140: {  	_ =	swait.ge [sflag:s9], $0x4000  }
0x141: {  	[sflag:s9] =	ssyncset.done $0x0  }
0x142: {  	[sflag:s9] =	ssyncadd.s32 $0xFFFFC000  }
0x143: {  	[spmem:s3] =	stream.indirect.scatter.add.f32 [tilespmem:s30], [sflag:$0x5], $0x80, s6, s29, $0xb8;
	[tilespmem:$0x1F780] =	vst v63  }
0x144: {  	_ =	swait.ge [sflag:s26], $0x4000  }
0x145: {  	[sflag:s26] =	ssyncset.done $0x0  }
0x146: {  	[sflag:s26] =	ssyncadd.s32 $0xFFFFC000  }
0x147: {  	v2 =	vld [tilespmem:$0xC80];
	_ =	sdelay $0x7  }
0x148: {  	[tilespmem:v2+s2+$0x0] =	vst.idx.add.f32.msk $0xffff, v1  }
0x149: {  	v2 =	vld [tilespmem:$0xC90];
	_ =	sdelay $0x7  }
0x14a: {  	[tilespmem:v2+s2+$0x0] =	vst.idx.add.f32.msk $0xffff, v1  }
0x14b: {  	v2 =	vld [tilespmem:$0xCA0];
	_ =	sdelay $0x7  }
0x14c: {  	[tilespmem:v2+s2+$0x0] =	vst.idx.add.f32.msk $0xffff, v1  }
0x14d: {  	v2 =	vld [tilespmem:$0xCB0];
	_ =	sdelay $0x7  }
0x14e: {  	[tilespmem:v2+s2+$0x0] =	vst.idx.add.f32.msk $0xffff, v1  }
0x14f: {  	v2 =	vld [tilespmem:$0xCC0];
	_ =	sdelay $0x7  }
0x150: {  	[tilespmem:v2+s2+$0x0] =	vst.idx.add.f32.msk $0xffff, v1  }
0x151: {  	v2 =	vld [tilespmem:$0xCD0];
	_ =	sdelay $0x7  }
0x152: {  	[tilespmem:v2+s2+$0x0] =	vst.idx.add.f32.msk $0xffff, v1  }
0x153: {  	v2 =	vld [tilespmem:$0xCE0];
	_ =	sdelay $0x7  }
0x154: {  	[tilespmem:v2+s2+$0x0] =	vst.idx.add.f32.msk $0xffff, v1  }
0x155: {  	v2 =	vld [tilespmem:$0xCF0];
	_ =	sdelay $0x7  }
0x156: {  	[tilespmem:v2+s2+$0x0] =	vst.idx.add.f32.msk $0xffff, v1  }
0x157: {  	[tilespmem:s30], [sflag:$0x2] =	stream.indirect.gather [hbm4b:s1+s29], $0x80, s4, s29, $0xb8;
	[tilespmem:$0x1F780] =	vst v63  }
0x158: {  	_ =	swait.ge [sflag:s31], $0x4000  }
0x159: {  	[sflag:s31] =	ssyncset.done $0x0  }
0x15a: {  	[sflag:s31] =	ssyncadd.s32 $0xFFFFC000  }
0x15b: {  	[spmem:s3] =	stream.indirect.scatter.add.f32 [tilespmem:s25], [sflag:$0x5], $0x80, s8, s29, $0xb8;
	[tilespmem:$0x1F780] =	vst v63  }
0x15c: {  	_ =	swait.ge [sflag:s26], $0x4000  }
0x15d: {  	[sflag:s26] =	ssyncset.done $0x0  }
0x15e: {  	[sflag:s26] =	ssyncadd.s32 $0xFFFFC000  }
0x15f: {  	v2 =	vld [tilespmem:$0xD00];
	_ =	sdelay $0x7  }
0x160: {  	[tilespmem:v2+s2+$0x0] =	vst.idx.add.f32.msk $0xffff, v1  }
0x161: {  	v2 =	vld [tilespmem:$0xD10];
	_ =	sdelay $0x7  }
0x162: {  	[tilespmem:v2+s2+$0x0] =	vst.idx.add.f32.msk $0xffff, v1  }
0x163: {  	v2 =	vld [tilespmem:$0xD20];
	_ =	sdelay $0x7  }
0x164: {  	[tilespmem:v2+s2+$0x0] =	vst.idx.add.f32.msk $0xffff, v1  }
0x165: {  	v2 =	vld [tilespmem:$0xD30];
	_ =	sdelay $0x7  }
0x166: {  	[tilespmem:v2+s2+$0x0] =	vst.idx.add.f32.msk $0xffff, v1  }
0x167: {  	v2 =	vld [tilespmem:$0xD40];
	_ =	sdelay $0x7  }
0x168: {  	[tilespmem:v2+s2+$0x0] =	vst.idx.add.f32.msk $0xffff, v1  }
0x169: {  	v2 =	vld [tilespmem:$0xD50];
	_ =	sdelay $0x7  }
0x16a: {  	[tilespmem:v2+s2+$0x0] =	vst.idx.add.f32.msk $0xffff, v1  }
0x16b: {  	v2 =	vld [tilespmem:$0xD60];
	_ =	sdelay $0x7  }
0x16c: {  	[tilespmem:v2+s2+$0x0] =	vst.idx.add.f32.msk $0xffff, v1  }
0x16d: {  	v2 =	vld [tilespmem:$0xD70];
	_ =	sdelay $0x7  }
0x16e: {  	[tilespmem:v2+s2+$0x0] =	vst.idx.add.f32.msk $0xffff, v1  }
0x16f: {  	[tilespmem:s25], [sflag:$0x1] =	stream.indirect.gather [hbm4b:s1+s29], $0x80, s10, s29, $0xb8;
	[tilespmem:$0x1F780] =	vst v63  }
0x170: {  	_ =	swait.ge [sflag:s9], $0x4000  }
0x171: {  	[sflag:s9] =	ssyncset.done $0x0  }
0x172: {  	[sflag:s9] =	ssyncadd.s32 $0xFFFFC000  }
0x173: {  	[spmem:s3] =	stream.indirect.scatter.add.f32 [tilespmem:s30], [sflag:$0x5], $0x80, s11, s29, $0xb8;
	[tilespmem:$0x1F780] =	vst v63  }
0x174: {  	_ =	swait.ge [sflag:s26], $0x4000  }
0x175: {  	[sflag:s26] =	ssyncset.done $0x0  }
0x176: {  	[sflag:s26] =	ssyncadd.s32 $0xFFFFC000  }
0x177: {  	v2 =	vld [tilespmem:$0xD80];
	_ =	sdelay $0x7  }
0x178: {  	[tilespmem:v2+s2+$0x0] =	vst.idx.add.f32.msk $0xffff, v1  }
0x179: {  	v2 =	vld [tilespmem:$0xD90];
	_ =	sdelay $0x7  }
0x17a: {  	[tilespmem:v2+s2+$0x0] =	vst.idx.add.f32.msk $0xffff, v1  }
0x17b: {  	v2 =	vld [tilespmem:$0xDA0];
	_ =	sdelay $0x7  }
0x17c: {  	[tilespmem:v2+s2+$0x0] =	vst.idx.add.f32.msk $0xffff, v1  }
0x17d: {  	v2 =	vld [tilespmem:$0xDB0];
	_ =	sdelay $0x7  }
0x17e: {  	[tilespmem:v2+s2+$0x0] =	vst.idx.add.f32.msk $0xffff, v1  }
0x17f: {  	v2 =	vld [tilespmem:$0xDC0];
	_ =	sdelay $0x7  }
0x180: {  	[tilespmem:v2+s2+$0x0] =	vst.idx.add.f32.msk $0xffff, v1  }
0x181: {  	v2 =	vld [tilespmem:$0xDD0];
	_ =	sdelay $0x7  }
0x182: {  	[tilespmem:v2+s2+$0x0] =	vst.idx.add.f32.msk $0xffff, v1  }
0x183: {  	v2 =	vld [tilespmem:$0xDE0];
	_ =	sdelay $0x7  }
0x184: {  	[tilespmem:v2+s2+$0x0] =	vst.idx.add.f32.msk $0xffff, v1  }
0x185: {  	v2 =	vld [tilespmem:$0xDF0];
	_ =	sdelay $0x7  }
0x186: {  	[tilespmem:v2+s2+$0x0] =	vst.idx.add.f32.msk $0xffff, v1  }
0x187: {  	[tilespmem:s30], [sflag:$0x2] =	stream.indirect.gather [hbm4b:s1+s29], $0x80, s12, s29, $0xb8;
	[tilespmem:$0x1F780] =	vst v63  }
0x188: {  	_ =	swait.ge [sflag:s31], $0x4000  }
0x189: {  	[sflag:s31] =	ssyncset.done $0x0  }
0x18a: {  	[sflag:s31] =	ssyncadd.s32 $0xFFFFC000  }
0x18b: {  	[spmem:s3] =	stream.indirect.scatter.add.f32 [tilespmem:s25], [sflag:$0x5], $0x80, s13, s29, $0xb8;
	[tilespmem:$0x1F780] =	vst v63  }
0x18c: {  	_ =	swait.ge [sflag:s26], $0x4000  }
0x18d: {  	[sflag:s26] =	ssyncset.done $0x0  }
0x18e: {  	[sflag:s26] =	ssyncadd.s32 $0xFFFFC000  }
0x18f: {  	v2 =	vld [tilespmem:$0xE00];
	_ =	sdelay $0x7  }
0x190: {  	[tilespmem:v2+s2+$0x0] =	vst.idx.add.f32.msk $0xffff, v1  }
0x191: {  	v2 =	vld [tilespmem:$0xE10];
	_ =	sdelay $0x7  }
0x192: {  	[tilespmem:v2+s2+$0x0] =	vst.idx.add.f32.msk $0xffff, v1  }
0x193: {  	v2 =	vld [tilespmem:$0xE20];
	_ =	sdelay $0x7  }
0x194: {  	[tilespmem:v2+s2+$0x0] =	vst.idx.add.f32.msk $0xffff, v1  }
0x195: {  	v2 =	vld [tilespmem:$0xE30];
	_ =	sdelay $0x7  }
0x196: {  	[tilespmem:v2+s2+$0x0] =	vst.idx.add.f32.msk $0xffff, v1  }
0x197: {  	v2 =	vld [tilespmem:$0xE40];
	_ =	sdelay $0x7  }
0x198: {  	[tilespmem:v2+s2+$0x0] =	vst.idx.add.f32.msk $0xffff, v1  }
0x199: {  	v2 =	vld [tilespmem:$0xE50];
	_ =	sdelay $0x7  }
0x19a: {  	[tilespmem:v2+s2+$0x0] =	vst.idx.add.f32.msk $0xffff, v1  }
0x19b: {  	v2 =	vld [tilespmem:$0xE60];
	_ =	sdelay $0x7  }
0x19c: {  	[tilespmem:v2+s2+$0x0] =	vst.idx.add.f32.msk $0xffff, v1  }
0x19d: {  	v2 =	vld [tilespmem:$0xE70];
	_ =	sdelay $0x7  }
0x19e: {  	[tilespmem:v2+s2+$0x0] =	vst.idx.add.f32.msk $0xffff, v1  }
0x19f: {  	[tilespmem:s25], [sflag:$0x1] =	stream.indirect.gather [hbm4b:s1+s29], $0x80, s14, s29, $0xb8;
	[tilespmem:$0x1F780] =	vst v63  }
0x1a0: {  	_ =	swait.ge [sflag:s9], $0x4000  }
0x1a1: {  	[sflag:s9] =	ssyncset.done $0x0  }
0x1a2: {  	[sflag:s9] =	ssyncadd.s32 $0xFFFFC000  }
0x1a3: {  	[spmem:s3] =	stream.indirect.scatter.add.f32 [tilespmem:s30], [sflag:$0x5], $0x80, s15, s29, $0xb8;
	[tilespmem:$0x1F780] =	vst v63  }
0x1a4: {  	_ =	swait.ge [sflag:s26], $0x4000  }
0x1a5: {  	[sflag:s26] =	ssyncset.done $0x0  }
0x1a6: {  	[sflag:s26] =	ssyncadd.s32 $0xFFFFC000  }
0x1a7: {  	v2 =	vld [tilespmem:$0xE80];
	_ =	sdelay $0x7  }
0x1a8: {  	[tilespmem:v2+s2+$0x0] =	vst.idx.add.f32.msk $0xffff, v1  }
0x1a9: {  	v2 =	vld [tilespmem:$0xE90];
	_ =	sdelay $0x7  }
0x1aa: {  	[tilespmem:v2+s2+$0x0] =	vst.idx.add.f32.msk $0xffff, v1  }
0x1ab: {  	v2 =	vld [tilespmem:$0xEA0];
	_ =	sdelay $0x7  }
0x1ac: {  	[tilespmem:v2+s2+$0x0] =	vst.idx.add.f32.msk $0xffff, v1  }
0x1ad: {  	v2 =	vld [tilespmem:$0xEB0];
	_ =	sdelay $0x7  }
0x1ae: {  	[tilespmem:v2+s2+$0x0] =	vst.idx.add.f32.msk $0xffff, v1  }
0x1af: {  	v2 =	vld [tilespmem:$0xEC0];
	_ =	sdelay $0x7  }
0x1b0: {  	[tilespmem:v2+s2+$0x0] =	vst.idx.add.f32.msk $0xffff, v1  }
0x1b1: {  	v2 =	vld [tilespmem:$0xED0];
	_ =	sdelay $0x7  }
0x1b2: {  	[tilespmem:v2+s2+$0x0] =	vst.idx.add.f32.msk $0xffff, v1  }
0x1b3: {  	v2 =	vld [tilespmem:$0xEE0];
	_ =	sdelay $0x7  }
0x1b4: {  	[tilespmem:v2+s2+$0x0] =	vst.idx.add.f32.msk $0xffff, v1  }
0x1b5: {  	v2 =	vld [tilespmem:$0xEF0];
	_ =	sdelay $0x7  }
0x1b6: {  	[tilespmem:v2+s2+$0x0] =	vst.idx.add.f32.msk $0xffff, v1  }
0x1b7: {  	[tilespmem:s30], [sflag:$0x2] =	stream.indirect.gather [hbm4b:s1+s29], $0x80, s0, s29, $0xb8;
	[tilespmem:$0x1F780] =	vst v63  }
0x1b8: {  	_ =	swait.ge [sflag:s31], $0x4000  }
0x1b9: {  	[sflag:s31] =	ssyncset.done $0x0  }
0x1ba: {  	[sflag:s31] =	ssyncadd.s32 $0xFFFFC000  }
0x1bb: {  	[spmem:s3] =	stream.indirect.scatter.add.f32 [tilespmem:s25], [sflag:$0x5], $0x80, s16, s29, $0xb8;
	[tilespmem:$0x1F780] =	vst v63  }
0x1bc: {  	_ =	swait.ge [sflag:s26], $0x4000  }
0x1bd: {  	[sflag:s26] =	ssyncset.done $0x0  }
0x1be: {  	[sflag:s26] =	ssyncadd.s32 $0xFFFFC000  }
0x1bf: {  	v2 =	vld [tilespmem:$0xF00];
	_ =	sdelay $0x7  }
0x1c0: {  	[tilespmem:v2+s2+$0x0] =	vst.idx.add.f32.msk $0xffff, v1  }
0x1c1: {  	v2 =	vld [tilespmem:$0xF10];
	_ =	sdelay $0x7  }
0x1c2: {  	[tilespmem:v2+s2+$0x0] =	vst.idx.add.f32.msk $0xffff, v1  }
0x1c3: {  	v2 =	vld [tilespmem:$0xF20];
	_ =	sdelay $0x7  }
0x1c4: {  	[tilespmem:v2+s2+$0x0] =	vst.idx.add.f32.msk $0xffff, v1  }
0x1c5: {  	v2 =	vld [tilespmem:$0xF30];
	_ =	sdelay $0x7  }
0x1c6: {  	[tilespmem:v2+s2+$0x0] =	vst.idx.add.f32.msk $0xffff, v1  }
0x1c7: {  	v2 =	vld [tilespmem:$0xF40];
	_ =	sdelay $0x7  }
0x1c8: {  	[tilespmem:v2+s2+$0x0] =	vst.idx.add.f32.msk $0xffff, v1  }
0x1c9: {  	v2 =	vld [tilespmem:$0xF50];
	_ =	sdelay $0x7  }
0x1ca: {  	[tilespmem:v2+s2+$0x0] =	vst.idx.add.f32.msk $0xffff, v1  }
0x1cb: {  	v2 =	vld [tilespmem:$0xF60];
	_ =	sdelay $0x7  }
0x1cc: {  	[tilespmem:v2+s2+$0x0] =	vst.idx.add.f32.msk $0xffff, v1  }
0x1cd: {  	v2 =	vld [tilespmem:$0xF70];
	_ =	sdelay $0x6  }
0x1ce: {  	p1 =	sgt.u32 s7, $0x8  }
0x1cf: {  	s19 =	simm.s32 @!p1 $0x3;
	[tilespmem:v2+s2+$0x0] =	vst.idx.add.f32.msk $0xffff, v1  }
0x1d0: {  	_ =	swait.ge @!p1 [sflag:s19], $0x800  }
0x1d1: {  	s21 =	simm.s32 @!p1 $0x0;
	[sflag:s19] =	ssyncset.done @!p1 $0x0  }
0x1d2: {  	s22 =	simm.s32 @!p1 $0x1000;
	[sflag:s19] =	ssyncadd.s32 @!p1 $0xFFFFF800;
	s19 =	simm.s32 @!p1 $0x80  }
0x1d3: {  	[tilespmem:s22], [sflag:$0x1] =	stream.indirect.gather @!p1 [hbm4b:s1+s19], $0x80, s21, s19, $0xb8;
	[tilespmem:$0x1F780] =	vst v63  }
0x1d4: {  	_ =	swait.ge [sflag:s9], $0x4000  }
0x1d5: {  	[sflag:s9] =	ssyncset.done $0x0  }
0x1d6: {  	[sflag:s9] =	ssyncadd.s32 $0xFFFFC000  }
0x1d7: {  	[spmem:s3] =	stream.indirect.scatter.add.f32 [tilespmem:s30], [sflag:$0x5], $0x80, s17, s29, $0xb8;
	[tilespmem:$0x1F780] =	vst v63  }
0x1d8: {  	_ =	swait.ge [sflag:s26], $0x4000  }
0x1d9: {  	[sflag:s26] =	ssyncset.done $0x0  }
0x1da: {  	[sflag:s26] =	ssyncadd.s32 $0xFFFFC000  }
0x1db: {  	v2 =	vld [tilespmem:$0xF80];
	_ =	sdelay $0x7  }
0x1dc: {  	[tilespmem:v2+s2+$0x0] =	vst.idx.add.f32.msk $0xffff, v1  }
0x1dd: {  	v2 =	vld [tilespmem:$0xF90];
	_ =	sdelay $0x7  }
0x1de: {  	[tilespmem:v2+s2+$0x0] =	vst.idx.add.f32.msk $0xffff, v1  }
0x1df: {  	v2 =	vld [tilespmem:$0xFA0];
	_ =	sdelay $0x7  }
0x1e0: {  	[tilespmem:v2+s2+$0x0] =	vst.idx.add.f32.msk $0xffff, v1  }
0x1e1: {  	v2 =	vld [tilespmem:$0xFB0];
	_ =	sdelay $0x7  }
0x1e2: {  	[tilespmem:v2+s2+$0x0] =	vst.idx.add.f32.msk $0xffff, v1  }
0x1e3: {  	v2 =	vld [tilespmem:$0xFC0];
	_ =	sdelay $0x7  }
0x1e4: {  	[tilespmem:v2+s2+$0x0] =	vst.idx.add.f32.msk $0xffff, v1  }
0x1e5: {  	v2 =	vld [tilespmem:$0xFD0];
	_ =	sdelay $0x7  }
0x1e6: {  	[tilespmem:v2+s2+$0x0] =	vst.idx.add.f32.msk $0xffff, v1  }
0x1e7: {  	v2 =	vld [tilespmem:$0xFE0];
	_ =	sdelay $0x7  }
0x1e8: {  	[tilespmem:v2+s2+$0x0] =	vst.idx.add.f32.msk $0xffff, v1  }
0x1e9: {  	v2 =	vld [tilespmem:$0xFF0];
	_ =	sdelay $0x3  }
.Ltmp3:
0x1ea: {  	_ = 	snop;
	(pc) =	sbr.rel @!p1 .LBB2_7-.Ltmp3, $2  }
0x1eb: {  	_ =	sdelay $0x2  }
0x1ec: {  	[tilespmem:v2+s2+$0x0] =	vst.idx.add.f32.msk $0xffff, v1  }
.Ltmp4:
0x1ed: {  	(pc) =	sbr.rel @!p0 .LBB2_9-.Ltmp4, $1  }
0x1ee: {  	_ =	sdelay $0x3  }
0x1ef: {  	[bflag:$0x0] =	sbarrier.arrive $0xFFFF  }
0x1f0: {  	s19 =	rddreg [dreg:$0x5]  }
0x1f1: {  	[tilespmem:s25], [sflag:$0x5] =	stream.linear.gather [spmem:s19], $0x4000, $0x38;
	[tilespmem:$0x1F780] =	vst v63  }
0x1f2: {  	_ =	swait.ge [sflag:s26], $0x4000  }
0x1f3: {  	[sflag:s26] =	ssyncset.done $0x0  }
0x1f4: {  	s7 =	simm.s32 $0x0;
	s18 =	rddreg [dreg:$0xe];
	[sflag:s26] =	ssyncadd.s32 $0xFFFFC000  }
0x1f5: {  	[hbm4b:s18+s7] =	stream.linear.scatter [tilespmem:s25], [sflag:$0x5], $0x4000, $0x38;
	[tilespmem:$0x1F780] =	vst v63  }
0x1f6: {  	_ =	swait.ge [sflag:s26], $0x4000  }
0x1f7: {  	[sflag:s26] =	ssyncset.done $0x0  }
0x1f8: {  	s21 =	rddreg [dreg:$0xf];
	[sflag:s26] =	ssyncadd.s32 $0xFFFFC000  }
0x1f9: {  	[tilespmem:s25], [sflag:$0x5] =	stream.linear.gather [spmem:s21], $0x4000, $0x38;
	[tilespmem:$0x1F780] =	vst v63  }
0x1fa: {  	_ =	swait.ge [sflag:s26], $0x4000  }
0x1fb: {  	[sflag:s26] =	ssyncset.done $0x0  }
0x1fc: {  	s22 =	rddreg [dreg:$0x10];
	[sflag:s26] =	ssyncadd.s32 $0xFFFFC000  }
0x1fd: {  	[hbm4b:s22+s7] =	stream.linear.scatter [tilespmem:s25], [sflag:$0x5], $0x4000, $0x38;
	[tilespmem:$0x1F780] =	vst v63  }
0x1fe: {  	_ =	swait.ge [sflag:s26], $0x4000  }
0x1ff: {  	[sflag:s26] =	ssyncset.done $0x0  }
0x200: {  	s23 =	rddreg [dreg:$0x11];
	[sflag:s26] =	ssyncadd.s32 $0xFFFFC000  }
0x201: {  	[tilespmem:s25], [sflag:$0x5] =	stream.linear.gather [spmem:s23], $0x4000, $0x38;
	[tilespmem:$0x1F780] =	vst v63  }
0x202: {  	_ =	swait.ge [sflag:s26], $0x4000  }
0x203: {  	[sflag:s26] =	ssyncset.done $0x0  }
0x204: {  	s21 =	rddreg [dreg:$0x12];
	[sflag:s26] =	ssyncadd.s32 $0xFFFFC000  }
0x205: {  	[hbm4b:s21+s7] =	stream.linear.scatter [tilespmem:s25], [sflag:$0x5], $0x4000, $0x38;
	[tilespmem:$0x1F780] =	vst v63  }
0x206: {  	_ =	swait.ge [sflag:s26], $0x4000  }
0x207: {  	[sflag:s26] =	ssyncset.done $0x0  }
0x208: {  	s22 =	rddreg [dreg:$0x13];
	[sflag:s26] =	ssyncadd.s32 $0xFFFFC000  }
0x209: {  	[tilespmem:s25], [sflag:$0x5] =	stream.linear.gather [spmem:s22], $0x4000, $0x38;
	[tilespmem:$0x1F780] =	vst v63  }
0x20a: {  	_ =	swait.ge [sflag:s26], $0x4000  }
0x20b: {  	[sflag:s26] =	ssyncset.done $0x0  }
0x20c: {  	s23 =	rddreg [dreg:$0x14];
	[sflag:s26] =	ssyncadd.s32 $0xFFFFC000  }
0x20d: {  	[hbm4b:s23+s7] =	stream.linear.scatter [tilespmem:s25], [sflag:$0x5], $0x4000, $0x38;
	[tilespmem:$0x1F780] =	vst v63  }
0x20e: {  	_ =	swait.ge [sflag:s26], $0x4000  }
0x20f: {  	[sflag:s26] =	ssyncset.done $0x0  }
0x210: {  	s21 =	rddreg [dreg:$0x15];
	[sflag:s26] =	ssyncadd.s32 $0xFFFFC000  }
0x211: {  	[tilespmem:s25], [sflag:$0x5] =	stream.linear.gather [spmem:s21], $0x4000, $0x38;
	[tilespmem:$0x1F780] =	vst v63  }
0x212: {  	_ =	swait.ge [sflag:s26], $0x4000  }
0x213: {  	[sflag:s26] =	ssyncset.done $0x0  }
0x214: {  	s22 =	rddreg [dreg:$0x16];
	[sflag:s26] =	ssyncadd.s32 $0xFFFFC000  }
0x215: {  	[hbm4b:s22+s7] =	stream.linear.scatter [tilespmem:s25], [sflag:$0x5], $0x4000, $0x38;
	[tilespmem:$0x1F780] =	vst v63  }
0x216: {  	_ =	swait.ge [sflag:s26], $0x4000  }
0x217: {  	[sflag:s26] =	ssyncset.done $0x0  }
0x218: {  	s22 =	simm.s32 $0x400;
	s21 =	rddreg [dreg:$0x8];
	[sflag:s26] =	ssyncadd.s32 $0xFFFFC000  }
0x219: {  	[hbm4b:s21+s29] =	stream.strided.scatter [tilespmem:s2], [sflag:$0x5], $0x2780, s22, s29, $0x38;
	[tilespmem:$0x1F780] =	vst v63  }
0x21a: {  	_ =	swait.ge [sflag:s26], $0x2780  }
0x21b: {  	s21 =	rddreg [dreg:$0x18]  }
0x21c: {  	s22 =	rddreg [dreg:$0x9];
	s18 =	sadd.s32 $0x1, s21  }
0x21d: {  	p0 =	sne.s32 s18, s22  }
.Ltmp5:
0x21e: {  	_ = 	snop;
	(pc) =	sbr.rel @p0 .LBB2_1-.Ltmp5, $3  }
0x21f: {  	_ =	sdelay $0x1  }
0x220: {  	[sflag:s26] =	ssyncset.done $0x0  }
0x221: {  	s23 =	simm.s32 $0x0;
	[sflag:s26] =	ssyncadd.s32 $0xFFFFD880  }
0x222: {  	_ =	sfence.sel $0x180000  }
0x223: {  	[bflag:$0x0] =	sbarrier.arrive $0xFFFF  }
0x224: {  	_ =	strace $0x90000047  }
0x225: {  	s0 =	stileid.u32;
	[bflag:$0x2] =	sbarrier.arrive $0xFFFF  }
0x226: {  	p0 =	sne.s32 s0, $0x0;
	s0 =	rddreg [dreg:$0x4]  }
0x227: {  	s0 =	sadd.s32 @!p0 $0x100000, s0  }
0x228: {  	[sflag:s0] =	ssyncadd.tile.s32 @!p0 $0x1;
	_ =	shalt  }
.Lfunc_end2:
_tile_overlayer_lowered:
.L_overlay_start_2:
0x229: {  	(tag) =	ssettag $0x2  }
0x22a: {  	s0 =	rddreg [dreg:$0x0];
	s2 =	stileid.u32  }
0x22b: {  	s1 =	rddreg [dreg:$0x1];
	p0 =	sne.s32 s2, $0x0  }
0x22c: {  	s3 =	rddreg [dreg:$0x2];
	[bflag:$0x3] =	sbarrier.arrive $0xFFFF;
	s2 =	simm.s32 @!p0 $0x1C05  }
0x22d: {  	[timem:s3], [sflag:s2] =	dma.local @!p0 [hbm:s0], s1  }
0x22e: {  	s0 =	simm.s32 @!p0 $0x5  }
0x22f: {  	_ =	swait.ge @!p0 [sflag:s0], s1  }
0x230: {  	s1 =	ssub.s32 @!p0 $0x0, s1;
	[sflag:s0] =	ssyncset.done @!p0 $0x0  }
0x231: {  	[sflag:s0] =	ssyncadd.s32 @!p0 s1  }
0x232: {  	[bflag:$0x3] =	sbarrier.arrive $0xFFFF  }
0x233: {  	_ =	shalt  }

</sc_bundles>
